<compile_context>
chip_gen: v7x
topology: tpu7x:2x2x1
jax: 0.10.2.dev20260603
libtpu: 0.0.44.dev20260713+nightly
codegen_flags: <defaults>
</compile_context>

<pallas_src>
import functools

import jax
import jax.numpy as jnp
from jax import lax
from jax.experimental import pallas as pl
from jax.experimental.pallas import tpu as pltpu
from jax.experimental.pallas import tpu_sc as plsc

S1 = 4
S2 = 12
D = 64
NSEL = 4
NC, NS = 2, 16
NW = NC * NS
BLKB = 128
W2 = S2 * D
QS, QP, QO, QH, QT = 0, 1, 2, 4, 8


def _mesh():
    return plsc.VectorSubcoreMesh(
        core_axis_name="c", subcore_axis_name="s",
        num_cores=NC, num_subcores=NS)


def _build_sc_index(B):
    bpw = B // NW

    @functools.partial(
        pl.kernel,
        mesh=_mesh(),
        compiler_params=pltpu.CompilerParams(
            needs_layout_passes=False, use_tc_tiling_on_sc=False),
        out_type=[
            jax.ShapeDtypeStruct((B,), jnp.int32),
            jax.ShapeDtypeStruct((B,), jnp.int32),
            jax.ShapeDtypeStruct((B,), jnp.int32),
            jax.ShapeDtypeStruct((NSEL * B,), jnp.int32),
            jax.ShapeDtypeStruct((NSEL * B,), jnp.int32),
            jax.ShapeDtypeStruct((B, 16), jnp.int32),
        ],
        scratch_types=[
            pltpu.VMEM((16, B // NW), jnp.float32),
            pltpu.VMEM((16, B // NW), jnp.int32),
            pltpu.VMEM((16, B // NW), jnp.int32),
            pltpu.VMEM((3, B // NW), jnp.int32),
            pltpu.VMEM((B // NW,), jnp.int32),
            pltpu.VMEM((B // NW,), jnp.int32),
            pltpu.VMEM((B // NW,), jnp.int32),
            pltpu.VMEM((NSEL * (B // NW),), jnp.int32),
            pltpu.VMEM((NSEL * (B // NW),), jnp.int32),
            pltpu.VMEM((B // NW, 16), jnp.int32),
        ],
    )
    def sc_index(timeT_h, nhT_h, ntT_h, spoT_h,
                 si_h, pi_h, oi_h, hi_h, ti_h, q_h,
                 timeT_v, nhT_v, ntT_v, spoT_v,
                 sidx_v, pidx_v, oidx_v, hidx_v, tidx_v, q_v):
        wid = lax.axis_index("s") * NC + lax.axis_index("c")
        base = wid * bpw

        pltpu.sync_copy(timeT_h.at[:, pl.ds(base, bpw)], timeT_v)
        pltpu.sync_copy(nhT_h.at[:, pl.ds(base, bpw)], nhT_v)
        pltpu.sync_copy(ntT_h.at[:, pl.ds(base, bpw)], ntT_v)
        pltpu.sync_copy(spoT_h.at[:, pl.ds(base, bpw)], spoT_v)

        for g in range(bpw // 16):
            sl = pl.ds(g * 16, 16)
            lanes = jnp.arange(16, dtype=jnp.int32) + (g * 16)
            fv = (timeT_v[1, sl] + 2.0 * timeT_v[2, sl]
                  + 3.0 * timeT_v[3, sl])
            fi = fv.astype(jnp.int32)

            sv = spoT_v[0, sl]
            pv = spoT_v[1, sl]
            ov = spoT_v[2, sl]
            plsc.store_scatter(sidx_v, [lanes],
                               lax.shift_right_logical(sv, 2))
            plsc.store_scatter(pidx_v, [lanes],
                               lax.shift_right_logical(pv, 2))
            plsc.store_scatter(oidx_v, [lanes],
                               lax.shift_right_logical(ov, 2))
            for col, vals in ((QS, sv), (QP, pv), (QO, ov)):
                plsc.store_scatter(
                    q_v, [lanes, jnp.full((16,), col, jnp.int32)],
                    jnp.bitwise_and(vals, 3))
            for k in range(NSEL):
                rowsel = NSEL * fi + k
                hv = plsc.load_gather(nhT_v, [rowsel, lanes])
                tv = plsc.load_gather(ntT_v, [rowsel, lanes])
                dst = lanes + (k * bpw)
                plsc.store_scatter(hidx_v, [dst],
                                   lax.shift_right_logical(hv, 2))
                plsc.store_scatter(tidx_v, [dst],
                                   lax.shift_right_logical(tv, 2))
                plsc.store_scatter(
                    q_v, [lanes, jnp.full((16,), QH + k, jnp.int32)],
                    jnp.bitwise_and(hv, 3))
                plsc.store_scatter(
                    q_v, [lanes, jnp.full((16,), QT + k, jnp.int32)],
                    jnp.bitwise_and(tv, 3))

        pltpu.sync_copy(sidx_v, si_h.at[pl.ds(base, bpw)])
        pltpu.sync_copy(pidx_v, pi_h.at[pl.ds(base, bpw)])
        pltpu.sync_copy(oidx_v, oi_h.at[pl.ds(base, bpw)])
        for k in range(NSEL):
            pltpu.sync_copy(hidx_v.at[pl.ds(k * bpw, bpw)],
                            hi_h.at[pl.ds(k * B + base, bpw)])
            pltpu.sync_copy(tidx_v.at[pl.ds(k * bpw, bpw)],
                            ti_h.at[pl.ds(k * B + base, bpw)])
        pltpu.sync_copy(q_v, q_h.at[pl.ds(base, bpw)])

    return sc_index


def _build_sc_fetch(B):
    bpw = B // NW

    @functools.partial(
        pl.kernel,
        mesh=_mesh(),
        compiler_params=pltpu.CompilerParams(
            needs_layout_passes=False, use_tc_tiling_on_sc=True),
        out_type=[
            jax.ShapeDtypeStruct((B, 128), jnp.int32),
            jax.ShapeDtypeStruct((B, 128), jnp.int32),
            jax.ShapeDtypeStruct((B, 128), jnp.int32),
            jax.ShapeDtypeStruct((NSEL * B, 128), jnp.int32),
            jax.ShapeDtypeStruct((NSEL * B, 128), jnp.int32),
        ],
        scratch_types=[
            pltpu.VMEM((B // NW,), jnp.int32),
            pltpu.VMEM((B // NW,), jnp.int32),
            pltpu.VMEM((B // NW,), jnp.int32),
            pltpu.VMEM((NSEL * (B // NW),), jnp.int32),
            pltpu.VMEM((NSEL * (B // NW),), jnp.int32),
            pltpu.VMEM((B // NW, 128), jnp.int32),
            pltpu.VMEM((B // NW, 128), jnp.int32),
            pltpu.VMEM((B // NW, 128), jnp.int32),
            pltpu.VMEM((NSEL * (B // NW), 128), jnp.int32),
            pltpu.VMEM((NSEL * (B // NW), 128), jnp.int32),
            pltpu.SemaphoreType.DMA,
        ],
    )
    def sc_fetch(ent_h, rel_h, si_h, pi_h, oi_h, hi_h, ti_h,
                 sraw_h, praw_h, oraw_h, hraw_h, traw_h,
                 sidx_v, pidx_v, oidx_v, hidx_v, tidx_v,
                 srow_v, prow_v, orow_v, hrow_v, trow_v, sem):
        wid = lax.axis_index("s") * NC + lax.axis_index("c")
        base = wid * bpw

        pltpu.sync_copy(si_h.at[pl.ds(base, bpw)], sidx_v)
        pltpu.sync_copy(pi_h.at[pl.ds(base, bpw)], pidx_v)
        pltpu.sync_copy(oi_h.at[pl.ds(base, bpw)], oidx_v)
        for k in range(NSEL):
            pltpu.sync_copy(hi_h.at[pl.ds(k * B + base, bpw)],
                            hidx_v.at[pl.ds(k * bpw, bpw)])
            pltpu.sync_copy(ti_h.at[pl.ds(k * B + base, bpw)],
                            tidx_v.at[pl.ds(k * bpw, bpw)])

        cps = pltpu.async_copy(ent_h.at[sidx_v], srow_v, sem)
        cpp = pltpu.async_copy(rel_h.at[pidx_v], prow_v, sem)
        cpo = pltpu.async_copy(ent_h.at[oidx_v], orow_v, sem)
        cph = pltpu.async_copy(ent_h.at[hidx_v], hrow_v, sem)
        cpt = pltpu.async_copy(ent_h.at[tidx_v], trow_v, sem)
        cps.wait()
        cpp.wait()
        cpo.wait()
        cph.wait()
        cpt.wait()

        pltpu.sync_copy(srow_v, sraw_h.at[pl.ds(base, bpw)])
        pltpu.sync_copy(prow_v, praw_h.at[pl.ds(base, bpw)])
        pltpu.sync_copy(orow_v, oraw_h.at[pl.ds(base, bpw)])
        for k in range(NSEL):
            pltpu.sync_copy(hrow_v.at[pl.ds(k * bpw, bpw)],
                            hraw_h.at[pl.ds(k * B + base, bpw)])
            pltpu.sync_copy(trow_v.at[pl.ds(k * bpw, bpw)],
                            traw_h.at[pl.ds(k * B + base, bpw)])

    return sc_fetch


def _prep_body(l1e_ref, l2e_ref, l1r_ref, l2r_ref, cee_ref, cer_ref):
    for s in range(S1):
        cee_ref[s * W2:(s + 1) * W2, :] = jnp.dot(
            l2e_ref[...], l1e_ref[s], preferred_element_type=jnp.float32)
        cer_ref[s * W2:(s + 1) * W2, :] = jnp.dot(
            l2r_ref[...], l1r_ref[s], preferred_element_type=jnp.float32)


def _dot_t(a, b):
    return lax.dot_general(a, b, (((1,), (1,)), ((), ())),
                           preferred_element_type=jnp.float32)


def _select_rows(raw_ref, qcol):
    acc = jnp.where(qcol == 0, raw_ref[:, 0:32], 0)
    for m in range(1, 4):
        sl = raw_ref[:, m * 32:(m + 1) * 32]
        acc = jnp.bitwise_or(acc, jnp.where(qcol == m, sl, 0))
    lo = lax.bitcast_convert_type(lax.shift_left(acc, 16), jnp.float32)
    hi = lax.bitcast_convert_type(
        jnp.bitwise_and(acc, jnp.int32(-65536)), jnp.float32)
    return jnp.concatenate([lo, hi], axis=1)


def _main_body(timeT_ref, q_ref, sraw_ref, praw_ref, oraw_ref,
               ghraw_ref, gtraw_ref, cee_ref, cer_ref,
               s_out, p_out, o_out, h_out, t_out):
    cee = cee_ref[...]
    for k in range(NSEL):
        h_out[k] = _dot_t(cee, _select_rows(ghraw_ref.at[k],
                                            q_ref[:, QH + k:QH + k + 1]))
        t_out[k] = _dot_t(cee, _select_rows(gtraw_ref.at[k],
                                            q_ref[:, QT + k:QT + k + 1]))
    tm = timeT_ref[...]

    def timesel(full):
        acc = tm[0:1, :] * full[0:W2, :]
        for s in range(1, S1):
            acc = acc + tm[s:s + 1, :] * full[s * W2:(s + 1) * W2, :]
        return acc

    s_out[...] = timesel(_dot_t(cee, _select_rows(sraw_ref,
                                                  q_ref[:, QS:QS + 1])))
    o_out[...] = timesel(_dot_t(cee, _select_rows(oraw_ref,
                                                  q_ref[:, QO:QO + 1])))
    p_out[...] = timesel(_dot_t(cer_ref[...],
                                _select_rows(praw_ref,
                                             q_ref[:, QP:QP + 1])))


def kernel(spo, time, nh, nt, entity_embedding, relation_embedding,
           e_layer1, e_layer2, r_layer1, r_layer2):
    B = spo.shape[0]

    def pack(table):
        u = lax.bitcast_convert_type(table.reshape(-1, 4 * D), jnp.uint32)
        r = (u + jnp.uint32(0x7FFF)
             + jnp.bitwise_and(u >> 16, jnp.uint32(1))) >> 16
        parts = [jnp.bitwise_or(r[:, e * D:e * D + D // 2],
                                r[:, e * D + D // 2:(e + 1) * D] << 16)
                 for e in range(4)]
        return lax.bitcast_convert_type(
            jnp.concatenate(parts, axis=1), jnp.int32)

    ent3d = pack(entity_embedding)
    rel3d = pack(relation_embedding)
    timeT = time.astype(jnp.float32).T
    nhT = nh.astype(jnp.int32).T
    ntT = nt.astype(jnp.int32).T
    spoT = spo.astype(jnp.int32).T

    si, pi, oi, hi, ti, qmat = _build_sc_index(B)(timeT, nhT, ntT, spoT)
    sraw, praw, oraw, hraw, traw = _build_sc_fetch(B)(
        ent3d, rel3d, si, pi, oi, hi, ti)
    hraw = hraw.reshape(NSEL, B, 128)
    traw = traw.reshape(NSEL, B, 128)

    cee, cer = pl.pallas_call(
        _prep_body,
        out_shape=[
            jax.ShapeDtypeStruct((S1 * W2, D), jnp.float32),
            jax.ShapeDtypeStruct((S1 * W2, D), jnp.float32),
        ],
    )(e_layer1.reshape(S1, D, D), e_layer2,
      r_layer1.reshape(S1, D, D), r_layer2)
    nblk = B // BLKB
    s_o, p_o, o_o, h_o, t_o = pl.pallas_call(
        _main_body,
        grid=(nblk,),
        in_specs=[
            pl.BlockSpec((16, BLKB), lambda i: (0, i)),
            pl.BlockSpec((BLKB, 16), lambda i: (i, 0)),
            pl.BlockSpec((BLKB, 128), lambda i: (i, 0)),
            pl.BlockSpec((BLKB, 128), lambda i: (i, 0)),
            pl.BlockSpec((BLKB, 128), lambda i: (i, 0)),
            pl.BlockSpec((NSEL, BLKB, 128),
                         lambda i: (0, i, 0)),
            pl.BlockSpec((NSEL, BLKB, 128),
                         lambda i: (0, i, 0)),
            pl.BlockSpec((S1 * W2, D), lambda i: (0, 0)),
            pl.BlockSpec((S1 * W2, D), lambda i: (0, 0)),
        ],
        out_specs=[
            pl.BlockSpec((W2, BLKB), lambda i: (0, i)),
            pl.BlockSpec((W2, BLKB), lambda i: (0, i)),
            pl.BlockSpec((W2, BLKB), lambda i: (0, i)),
            pl.BlockSpec((NSEL, S1 * W2, BLKB), lambda i: (0, 0, i)),
            pl.BlockSpec((NSEL, S1 * W2, BLKB), lambda i: (0, 0, i)),
        ],
        out_shape=[
            jax.ShapeDtypeStruct((W2, B), jnp.float32),
            jax.ShapeDtypeStruct((W2, B), jnp.float32),
            jax.ShapeDtypeStruct((W2, B), jnp.float32),
            jax.ShapeDtypeStruct((NSEL, S1 * W2, B), jnp.float32),
            jax.ShapeDtypeStruct((NSEL, S1 * W2, B), jnp.float32),
        ],
    )(timeT, qmat, sraw, praw, oraw, hraw, traw, cee, cer)

    def back(x, m):
        return jnp.transpose(x.reshape(-1, B), (1, 0)).reshape(B, S2, m, D)

    return (back(s_o, 1), back(p_o, 1), back(o_o, 1),
            back(h_o, 4 * NSEL), back(t_o, 4 * NSEL))

# --- scband reference (transcript-rebuilt; emitter-appended) ---
"""Pipeline reference for scband-tkgemodel-70291434766537 (READ-ONLY COPY).

The authoritative reference and input builder live on the scoring server;
editing this copy changes nothing except your own understanding.
"""

import jax, jax.numpy as jnp
import numpy as np

NE = 1000000
NR = 1000
EDIM = 64
RDIM = 64
B = 1024
NNEG = 16
S1 = 4
S2 = 12


def _diag_stack(key, sz, dim):
    # torch.ones(sz, dim).diag_embed(dim1=1).view(-1, dim) -> stacked identity blocks [sz*dim, dim]
    base = jnp.tile(jnp.eye(dim, dtype=jnp.float32), (sz, 1))
    return base + 0.02 * jax.random.normal(key, (sz * dim, dim), dtype=jnp.float32)


def setup_inputs(seed: int = 0):
    key = jax.random.key(seed)
    ks = jax.random.split(key, 12)
    entity_embedding = jax.random.normal(ks[0], (NE, EDIM), dtype=jnp.float32) * 0.1
    relation_embedding = jax.random.normal(ks[1], (NR, RDIM), dtype=jnp.float32) * 0.1
    spo = jnp.stack([
        jax.random.randint(ks[2], (B,), 0, NE),
        jax.random.randint(ks[3], (B,), 0, NR),
        jax.random.randint(ks[4], (B,), 0, NE),
    ], axis=1)
    t1 = jax.random.randint(ks[5], (B,), 0, S1)
    t2 = jax.random.randint(ks[6], (B,), 0, S2)
    time = jnp.concatenate([
        jax.nn.one_hot(t1, S1, dtype=jnp.float32),
        jax.nn.one_hot(t2, S2, dtype=jnp.float32),
    ], axis=1)
    nh = jax.random.randint(ks[7], (B, NNEG), 0, NE)
    nt = jax.random.randint(ks[8], (B, NNEG), 0, NE)
    e_layer1 = _diag_stack(ks[9], S1, EDIM)
    e_layer2 = _diag_stack(ks[10], S2, EDIM)
    r_layer1 = _diag_stack(ks[11], S1, RDIM)
    r_layer2 = _diag_stack(jax.random.fold_in(key, 99), S2, RDIM)
    return {
        'spo': spo, 'time': time, 'nh': nh, 'nt': nt,
        'entity_embedding': entity_embedding, 'relation_embedding': relation_embedding,
        'e_layer1': e_layer1, 'e_layer2': e_layer2,
        'r_layer1': r_layer1, 'r_layer2': r_layer2,
    }


def _levels_forward(x, layer1, layer2, time, dim):
    # Faithful port of TKGEModel._forward with levels [S1, S2], phase == level 2.
    bsz = x.shape[0]
    # level 1: linear(x, layer1) == x @ layer1.T
    result = jnp.einsum('...i,oi->...o', x, layer1)
    result = result.reshape(bsz, S1, -1)
    # time_filter: time block is one-hot per row; nonzero()[:,1] == argmax
    filt = jnp.argmax(time[:, :S1], axis=1)
    result = jnp.take_along_axis(result, filt[:, None, None], axis=1)
    result = result.reshape(bsz, -1, dim)
    # level 2 == phase: early return with view(bsz, sz, -1, dim)
    result = jnp.einsum('...i,oi->...o', result, layer2)
    return result.reshape(bsz, S2, -1, dim)


def reference(spo, time, nh, nt, entity_embedding, relation_embedding, e_layer1, e_layer2, r_layer1, r_layer2):
    bsz = spo.shape[0]
    s = jnp.take(entity_embedding, spo[:, 0], axis=0)
    p = jnp.take(relation_embedding, spo[:, 1], axis=0)
    o = jnp.take(entity_embedding, spo[:, 2], axis=0)
    s = _levels_forward(s, e_layer1, e_layer2, time, EDIM)
    o = _levels_forward(o, e_layer1, e_layer2, time, EDIM)
    p = _levels_forward(p, r_layer1, r_layer2, time, RDIM)
    h = jnp.take(entity_embedding, nh.reshape(-1), axis=0).reshape(bsz, NNEG, EDIM)
    h = _levels_forward(h, e_layer1, e_layer2, time, EDIM).reshape(s.shape[0], s.shape[1], -1, s.shape[3])
    t = jnp.take(entity_embedding, nt.reshape(-1), axis=0).reshape(bsz, NNEG, EDIM)
    t = _levels_forward(t, e_layer1, e_layer2, time, EDIM).reshape(s.shape[0], s.shape[1], -1, s.shape[3])
    return (s, p, o, h, t)

if __name__ == "__main__":
    import jax
    _d = setup_inputs()
    print(jax.jit(kernel)(*tuple(_d.values())))

</pallas_src>

<mosaic_0001>
#map = affine_map<(d0, d1) -> (0, 0)>
#map1 = affine_map<(d0, d1) -> (0)>
module attributes {stable_mosaic.version = 14 : i64} {
  func.func @sc_index(%arg0: i32, %arg1: i32, %arg2: memref<16x1024xf32, #tpu.memory_space<hbm>>, %arg3: memref<16x1024xi32, #tpu.memory_space<hbm>>, %arg4: memref<16x1024xi32, #tpu.memory_space<hbm>>, %arg5: memref<3x1024xi32, #tpu.memory_space<hbm>>, %arg6: memref<1024xi32, #tpu.memory_space<hbm>>, %arg7: memref<1024xi32, #tpu.memory_space<hbm>>, %arg8: memref<1024xi32, #tpu.memory_space<hbm>>, %arg9: memref<4096xi32, #tpu.memory_space<hbm>>, %arg10: memref<4096xi32, #tpu.memory_space<hbm>>, %arg11: memref<1024x16xi32, #tpu.memory_space<hbm>>, %arg12: memref<16x32xf32, #tpu.memory_space<vmem>>, %arg13: memref<16x32xi32, #tpu.memory_space<vmem>>, %arg14: memref<16x32xi32, #tpu.memory_space<vmem>>, %arg15: memref<3x32xi32, #tpu.memory_space<vmem>>, %arg16: memref<32xi32, #tpu.memory_space<vmem>>, %arg17: memref<32xi32, #tpu.memory_space<vmem>>, %arg18: memref<32xi32, #tpu.memory_space<vmem>>, %arg19: memref<128xi32, #tpu.memory_space<vmem>>, %arg20: memref<128xi32, #tpu.memory_space<vmem>>, %arg21: memref<32x16xi32, #tpu.memory_space<vmem>>) attributes {dimension_semantics = [#tpu.dimension_semantics<core_parallel>, #tpu.dimension_semantics<subcore_parallel>], iteration_bounds = array<i64: 2, 16>, scalar_prefetch = 0 : i64, scratch_operands = 10 : i64, tpu.core_type = #tpu.core_type<sc_vector_subcore>, window_params = [{transform_indices = #map}, {transform_indices = #map}, {transform_indices = #map}, {transform_indices = #map}, {transform_indices = #map1}, {transform_indices = #map1}, {transform_indices = #map1}, {transform_indices = #map1}, {transform_indices = #map1}, {transform_indices = #map}]} {
    %mul3A = arith.constant 2 : i32
    %mul3A_0 = arith.muli %arg1, %mul3A : i32
    %add3A = arith.addi %mul3A_0, %arg0 : i32
    %mul3A_1 = arith.constant 32 : i32
    %mul3A_2 = arith.muli %add3A, %mul3A_1 : i32
    "tpu.region"() ({
      %run_scoped3A = tpu.sem_alloc : memref<!tpu.dma_semaphore, #tpu.memory_space<semaphore_mem>>
      %dma_start3A = arith.constant 0 : i32
      %dma_start3A_350 = tpu.memref_slice %arg2[%dma_start3A, %mul3A_2] : memref<16x1024xf32, #tpu.memory_space<hbm>> -> memref<16x32xf32, #tpu.memory_space<hbm>>
      %dma_start3A_351 = arith.constant 0 : i32
      %dma_start3A_352 = tpu.memref_slice %arg2[%dma_start3A_351, %mul3A_2] : memref<16x1024xf32, #tpu.memory_space<hbm>> -> memref<16x32xf32, #tpu.memory_space<hbm>>
      tpu.enqueue_dma source(%dma_start3A_352 : memref<16x32xf32, #tpu.memory_space<hbm>>) target(%arg12 : memref<16x32xf32, #tpu.memory_space<vmem>>) target_semaphore(%run_scoped3A : memref<!tpu.dma_semaphore, #tpu.memory_space<semaphore_mem>>)
      %dma_wait3A = arith.constant 0 : i32
      %dma_wait3A_353 = tpu.memref_slice %arg2[%dma_wait3A, %mul3A_2] : memref<16x1024xf32, #tpu.memory_space<hbm>> -> memref<16x32xf32, #tpu.memory_space<hbm>>
      %dma_wait3A_354 = arith.constant 0 : i32
      %dma_wait3A_355 = tpu.memref_slice %arg2[%dma_wait3A_354, %mul3A_2] : memref<16x1024xf32, #tpu.memory_space<hbm>> -> memref<16x32xf32, #tpu.memory_space<hbm>>
      tpu.wait_dma2 semaphore(%run_scoped3A : memref<!tpu.dma_semaphore, #tpu.memory_space<semaphore_mem>>) src(%dma_wait3A_355 : memref<16x32xf32, #tpu.memory_space<hbm>>) dst(%arg12 : memref<16x32xf32, #tpu.memory_space<vmem>>)
      tpu.yield
    }) : () -> ()
    "tpu.region"() ({
      %run_scoped3A = tpu.sem_alloc : memref<!tpu.dma_semaphore, #tpu.memory_space<semaphore_mem>>
      %dma_start3A = arith.constant 0 : i32
      %dma_start3A_350 = tpu.memref_slice %arg3[%dma_start3A, %mul3A_2] : memref<16x1024xi32, #tpu.memory_space<hbm>> -> memref<16x32xi32, #tpu.memory_space<hbm>>
      %dma_start3A_351 = arith.constant 0 : i32
      %dma_start3A_352 = tpu.memref_slice %arg3[%dma_start3A_351, %mul3A_2] : memref<16x1024xi32, #tpu.memory_space<hbm>> -> memref<16x32xi32, #tpu.memory_space<hbm>>
      tpu.enqueue_dma source(%dma_start3A_352 : memref<16x32xi32, #tpu.memory_space<hbm>>) target(%arg13 : memref<16x32xi32, #tpu.memory_space<vmem>>) target_semaphore(%run_scoped3A : memref<!tpu.dma_semaphore, #tpu.memory_space<semaphore_mem>>)
      %dma_wait3A = arith.constant 0 : i32
      %dma_wait3A_353 = tpu.memref_slice %arg3[%dma_wait3A, %mul3A_2] : memref<16x1024xi32, #tpu.memory_space<hbm>> -> memref<16x32xi32, #tpu.memory_space<hbm>>
      %dma_wait3A_354 = arith.constant 0 : i32
      %dma_wait3A_355 = tpu.memref_slice %arg3[%dma_wait3A_354, %mul3A_2] : memref<16x1024xi32, #tpu.memory_space<hbm>> -> memref<16x32xi32, #tpu.memory_space<hbm>>
      tpu.wait_dma2 semaphore(%run_scoped3A : memref<!tpu.dma_semaphore, #tpu.memory_space<semaphore_mem>>) src(%dma_wait3A_355 : memref<16x32xi32, #tpu.memory_space<hbm>>) dst(%arg13 : memref<16x32xi32, #tpu.memory_space<vmem>>)
      tpu.yield
    }) : () -> ()
    "tpu.region"() ({
      %run_scoped3A = tpu.sem_alloc : memref<!tpu.dma_semaphore, #tpu.memory_space<semaphore_mem>>
      %dma_start3A = arith.constant 0 : i32
      %dma_start3A_350 = tpu.memref_slice %arg4[%dma_start3A, %mul3A_2] : memref<16x1024xi32, #tpu.memory_space<hbm>> -> memref<16x32xi32, #tpu.memory_space<hbm>>
      %dma_start3A_351 = arith.constant 0 : i32
      %dma_start3A_352 = tpu.memref_slice %arg4[%dma_start3A_351, %mul3A_2] : memref<16x1024xi32, #tpu.memory_space<hbm>> -> memref<16x32xi32, #tpu.memory_space<hbm>>
      tpu.enqueue_dma source(%dma_start3A_352 : memref<16x32xi32, #tpu.memory_space<hbm>>) target(%arg14 : memref<16x32xi32, #tpu.memory_space<vmem>>) target_semaphore(%run_scoped3A : memref<!tpu.dma_semaphore, #tpu.memory_space<semaphore_mem>>)
      %dma_wait3A = arith.constant 0 : i32
      %dma_wait3A_353 = tpu.memref_slice %arg4[%dma_wait3A, %mul3A_2] : memref<16x1024xi32, #tpu.memory_space<hbm>> -> memref<16x32xi32, #tpu.memory_space<hbm>>
      %dma_wait3A_354 = arith.constant 0 : i32
      %dma_wait3A_355 = tpu.memref_slice %arg4[%dma_wait3A_354, %mul3A_2] : memref<16x1024xi32, #tpu.memory_space<hbm>> -> memref<16x32xi32, #tpu.memory_space<hbm>>
      tpu.wait_dma2 semaphore(%run_scoped3A : memref<!tpu.dma_semaphore, #tpu.memory_space<semaphore_mem>>) src(%dma_wait3A_355 : memref<16x32xi32, #tpu.memory_space<hbm>>) dst(%arg14 : memref<16x32xi32, #tpu.memory_space<vmem>>)
      tpu.yield
    }) : () -> ()
    "tpu.region"() ({
      %run_scoped3A = tpu.sem_alloc : memref<!tpu.dma_semaphore, #tpu.memory_space<semaphore_mem>>
      %dma_start3A = arith.constant 0 : i32
      %dma_start3A_350 = tpu.memref_slice %arg5[%dma_start3A, %mul3A_2] : memref<3x1024xi32, #tpu.memory_space<hbm>> -> memref<3x32xi32, #tpu.memory_space<hbm>>
      %dma_start3A_351 = arith.constant 0 : i32
      %dma_start3A_352 = tpu.memref_slice %arg5[%dma_start3A_351, %mul3A_2] : memref<3x1024xi32, #tpu.memory_space<hbm>> -> memref<3x32xi32, #tpu.memory_space<hbm>>
      tpu.enqueue_dma source(%dma_start3A_352 : memref<3x32xi32, #tpu.memory_space<hbm>>) target(%arg15 : memref<3x32xi32, #tpu.memory_space<vmem>>) target_semaphore(%run_scoped3A : memref<!tpu.dma_semaphore, #tpu.memory_space<semaphore_mem>>)
      %dma_wait3A = arith.constant 0 : i32
      %dma_wait3A_353 = tpu.memref_slice %arg5[%dma_wait3A, %mul3A_2] : memref<3x1024xi32, #tpu.memory_space<hbm>> -> memref<3x32xi32, #tpu.memory_space<hbm>>
      %dma_wait3A_354 = arith.constant 0 : i32
      %dma_wait3A_355 = tpu.memref_slice %arg5[%dma_wait3A_354, %mul3A_2] : memref<3x1024xi32, #tpu.memory_space<hbm>> -> memref<3x32xi32, #tpu.memory_space<hbm>>
      tpu.wait_dma2 semaphore(%run_scoped3A : memref<!tpu.dma_semaphore, #tpu.memory_space<semaphore_mem>>) src(%dma_wait3A_355 : memref<3x32xi32, #tpu.memory_space<hbm>>) dst(%arg15 : memref<3x32xi32, #tpu.memory_space<vmem>>)
      tpu.yield
    }) : () -> ()
    %iota3A = tpu.iota {dimensions = array<i32: 0>} : vector<16xi32>
    %add3A_3 = arith.constant 0 : i32
    %add3A_4 = vector.broadcast %add3A_3 : i32 to vector<16xi32>
    %add3A_5 = arith.addi %iota3A, %add3A_4 : vector<16xi32>
    %get3A = arith.constant 1 : i32
    %get3A_6 = arith.index_cast %get3A : i32 to index
    %get3A_7 = arith.constant 0 : index
    %get3A_8 = tpu.vector_load %arg12[%get3A_6, %get3A_7] {strides = array<i32>} : memref<16x32xf32, #tpu.memory_space<vmem>>, vector<16xf32>,
    %get3A_9 = arith.constant 2 : i32
    %get3A_10 = arith.index_cast %get3A_9 : i32 to index
    %get3A_11 = arith.constant 0 : index
    %get3A_12 = tpu.vector_load %arg12[%get3A_10, %get3A_11] {strides = array<i32>} : memref<16x32xf32, #tpu.memory_space<vmem>>, vector<16xf32>,
    %mul3A_13 = arith.constant 2.000000e+00 : f32
    %mul3A_14 = vector.broadcast %mul3A_13 : f32 to vector<16xf32>
    %mul3A_15 = arith.mulf %mul3A_14, %get3A_12 : vector<16xf32>
    %add3A_16 = arith.addf %get3A_8, %mul3A_15 : vector<16xf32>
    %get3A_17 = arith.constant 3 : i32
    %get3A_18 = arith.index_cast %get3A_17 : i32 to index
    %get3A_19 = arith.constant 0 : index
    %get3A_20 = tpu.vector_load %arg12[%get3A_18, %get3A_19] {strides = array<i32>} : memref<16x32xf32, #tpu.memory_space<vmem>>, vector<16xf32>,
    %mul3A_21 = arith.constant 3.000000e+00 : f32
    %mul3A_22 = vector.broadcast %mul3A_21 : f32 to vector<16xf32>
    %mul3A_23 = arith.mulf %mul3A_22, %get3A_20 : vector<16xf32>
    %add3A_24 = arith.addf %add3A_16, %mul3A_23 : vector<16xf32>
    %convert_element_type3A = arith.fptosi %add3A_24 : vector<16xf32> to vector<16xi32>
    %get3A_25 = arith.constant 0 : i32
    %get3A_26 = arith.index_cast %get3A_25 : i32 to index
    %get3A_27 = arith.constant 0 : index
    %get3A_28 = tpu.vector_load %arg15[%get3A_26, %get3A_27] {strides = array<i32>} : memref<3x32xi32, #tpu.memory_space<vmem>>, vector<16xi32>,
    %get3A_29 = arith.constant 1 : i32
    %get3A_30 = arith.index_cast %get3A_29 : i32 to index
    %get3A_31 = arith.constant 0 : index
    %get3A_32 = tpu.vector_load %arg15[%get3A_30, %get3A_31] {strides = array<i32>} : memref<3x32xi32, #tpu.memory_space<vmem>>, vector<16xi32>,
    %get3A_33 = arith.constant 2 : i32
    %get3A_34 = arith.index_cast %get3A_33 : i32 to index
    %get3A_35 = arith.constant 0 : index
    %get3A_36 = tpu.vector_load %arg15[%get3A_34, %get3A_35] {strides = array<i32>} : memref<3x32xi32, #tpu.memory_space<vmem>>, vector<16xi32>,
    %shift_right_logical3A = arith.constant 2 : i32
    %shift_right_logical3A_37 = vector.broadcast %shift_right_logical3A : i32 to vector<16xi32>
    %shift_right_logical3A_38 = arith.shrui %get3A_28, %shift_right_logical3A_37 : vector<16xi32>
    tpu.vector_store_idx %arg16[%add3A_5], %shift_right_logical3A_38 : memref<32xi32, #tpu.memory_space<vmem>>[vector<16xi32>], vector<16xi32>,
    %shift_right_logical3A_39 = arith.constant 2 : i32
    %shift_right_logical3A_40 = vector.broadcast %shift_right_logical3A_39 : i32 to vector<16xi32>
    %shift_right_logical3A_41 = arith.shrui %get3A_32, %shift_right_logical3A_40 : vector<16xi32>
    tpu.vector_store_idx %arg17[%add3A_5], %shift_right_logical3A_41 : memref<32xi32, #tpu.memory_space<vmem>>[vector<16xi32>], vector<16xi32>,
    %shift_right_logical3A_42 = arith.constant 2 : i32
    %shift_right_logical3A_43 = vector.broadcast %shift_right_logical3A_42 : i32 to vector<16xi32>
    %shift_right_logical3A_44 = arith.shrui %get3A_36, %shift_right_logical3A_43 : vector<16xi32>
    tpu.vector_store_idx %arg18[%add3A_5], %shift_right_logical3A_44 : memref<32xi32, #tpu.memory_space<vmem>>[vector<16xi32>], vector<16xi32>,
    %broadcast_in_dim3A = arith.constant 0 : i32
    %broadcast_in_dim3A_45 = vector.broadcast %broadcast_in_dim3A : i32 to vector<16xi32>
    %and3A = arith.constant 3 : i32
    %and3A_46 = vector.broadcast %and3A : i32 to vector<16xi32>
    %and3A_47 = arith.andi %get3A_28, %and3A_46 : vector<16xi32>
    tpu.vector_store_idx %arg21[%add3A_5, %broadcast_in_dim3A_45], %and3A_47 : memref<32x16xi32, #tpu.memory_space<vmem>>[vector<16xi32>, vector<16xi32>], vector<16xi32>,
    %broadcast_in_dim3A_48 = arith.constant 1 : i32
    %broadcast_in_dim3A_49 = vector.broadcast %broadcast_in_dim3A_48 : i32 to vector<16xi32>
    %and3A_50 = arith.constant 3 : i32
    %and3A_51 = vector.broadcast %and3A_50 : i32 to vector<16xi32>
    %and3A_52 = arith.andi %get3A_32, %and3A_51 : vector<16xi32>
    tpu.vector_store_idx %arg21[%add3A_5, %broadcast_in_dim3A_49], %and3A_52 : memref<32x16xi32, #tpu.memory_space<vmem>>[vector<16xi32>, vector<16xi32>], vector<16xi32>,
    %broadcast_in_dim3A_53 = arith.constant 2 : i32
    %broadcast_in_dim3A_54 = vector.broadcast %broadcast_in_dim3A_53 : i32 to vector<16xi32>
    %and3A_55 = arith.constant 3 : i32
    %and3A_56 = vector.broadcast %and3A_55 : i32 to vector<16xi32>
    %and3A_57 = arith.andi %get3A_36, %and3A_56 : vector<16xi32>
    tpu.vector_store_idx %arg21[%add3A_5, %broadcast_in_dim3A_54], %and3A_57 : memref<32x16xi32, #tpu.memory_space<vmem>>[vector<16xi32>, vector<16xi32>], vector<16xi32>,
    %mul3A_58 = arith.constant 4 : i32
    %mul3A_59 = vector.broadcast %mul3A_58 : i32 to vector<16xi32>
    %mul3A_60 = arith.muli %mul3A_59, %convert_element_type3A : vector<16xi32>
    %add3A_61 = arith.constant 0 : i32
    %add3A_62 = vector.broadcast %add3A_61 : i32 to vector<16xi32>
    %add3A_63 = arith.addi %mul3A_60, %add3A_62 : vector<16xi32>
    %gather3A = tpu.vector_load_idx %arg13[%add3A_63, %add3A_5] : memref<16x32xi32, #tpu.memory_space<vmem>>[vector<16xi32>, vector<16xi32>], vector<16xi32>,
    %gather3A_64 = tpu.vector_load_idx %arg14[%add3A_63, %add3A_5] : memref<16x32xi32, #tpu.memory_space<vmem>>[vector<16xi32>, vector<16xi32>], vector<16xi32>,
    %add3A_65 = arith.constant 0 : i32
    %add3A_66 = vector.broadcast %add3A_65 : i32 to vector<16xi32>
    %add3A_67 = arith.addi %add3A_5, %add3A_66 : vector<16xi32>
    %shift_right_logical3A_68 = arith.constant 2 : i32
    %shift_right_logical3A_69 = vector.broadcast %shift_right_logical3A_68 : i32 to vector<16xi32>
    %shift_right_logical3A_70 = arith.shrui %gather3A, %shift_right_logical3A_69 : vector<16xi32>
    tpu.vector_store_idx %arg19[%add3A_67], %shift_right_logical3A_70 : memref<128xi32, #tpu.memory_space<vmem>>[vector<16xi32>], vector<16xi32>,
    %shift_right_logical3A_71 = arith.constant 2 : i32
    %shift_right_logical3A_72 = vector.broadcast %shift_right_logical3A_71 : i32 to vector<16xi32>
    %shift_right_logical3A_73 = arith.shrui %gather3A_64, %shift_right_logical3A_72 : vector<16xi32>
    tpu.vector_store_idx %arg20[%add3A_67], %shift_right_logical3A_73 : memref<128xi32, #tpu.memory_space<vmem>>[vector<16xi32>], vector<16xi32>,
    %broadcast_in_dim3A_74 = arith.constant 4 : i32
    %broadcast_in_dim3A_75 = vector.broadcast %broadcast_in_dim3A_74 : i32 to vector<16xi32>
    %and3A_76 = arith.constant 3 : i32
    %and3A_77 = vector.broadcast %and3A_76 : i32 to vector<16xi32>
    %and3A_78 = arith.andi %gather3A, %and3A_77 : vector<16xi32>
    tpu.vector_store_idx %arg21[%add3A_5, %broadcast_in_dim3A_75], %and3A_78 : memref<32x16xi32, #tpu.memory_space<vmem>>[vector<16xi32>, vector<16xi32>], vector<16xi32>,
    %broadcast_in_dim3A_79 = arith.constant 8 : i32
    %broadcast_in_dim3A_80 = vector.broadcast %broadcast_in_dim3A_79 : i32 to vector<16xi32>
    %and3A_81 = arith.constant 3 : i32
    %and3A_82 = vector.broadcast %and3A_81 : i32 to vector<16xi32>
    %and3A_83 = arith.andi %gather3A_64, %and3A_82 : vector<16xi32>
    tpu.vector_store_idx %arg21[%add3A_5, %broadcast_in_dim3A_80], %and3A_83 : memref<32x16xi32, #tpu.memory_space<vmem>>[vector<16xi32>, vector<16xi32>], vector<16xi32>,
    %mul3A_84 = arith.constant 4 : i32
    %mul3A_85 = vector.broadcast %mul3A_84 : i32 to vector<16xi32>
    %mul3A_86 = arith.muli %mul3A_85, %convert_element_type3A : vector<16xi32>
    %add3A_87 = arith.constant 1 : i32
    %add3A_88 = vector.broadcast %add3A_87 : i32 to vector<16xi32>
    %add3A_89 = arith.addi %mul3A_86, %add3A_88 : vector<16xi32>
    %gather3A_90 = tpu.vector_load_idx %arg13[%add3A_89, %add3A_5] : memref<16x32xi32, #tpu.memory_space<vmem>>[vector<16xi32>, vector<16xi32>], vector<16xi32>,
    %gather3A_91 = tpu.vector_load_idx %arg14[%add3A_89, %add3A_5] : memref<16x32xi32, #tpu.memory_space<vmem>>[vector<16xi32>, vector<16xi32>], vector<16xi32>,
    %add3A_92 = arith.constant 32 : i32
    %add3A_93 = vector.broadcast %add3A_92 : i32 to vector<16xi32>
    %add3A_94 = arith.addi %add3A_5, %add3A_93 : vector<16xi32>
    %shift_right_logical3A_95 = arith.constant 2 : i32
    %shift_right_logical3A_96 = vector.broadcast %shift_right_logical3A_95 : i32 to vector<16xi32>
    %shift_right_logical3A_97 = arith.shrui %gather3A_90, %shift_right_logical3A_96 : vector<16xi32>
    tpu.vector_store_idx %arg19[%add3A_94], %shift_right_logical3A_97 : memref<128xi32, #tpu.memory_space<vmem>>[vector<16xi32>], vector<16xi32>,
    %shift_right_logical3A_98 = arith.constant 2 : i32
    %shift_right_logical3A_99 = vector.broadcast %shift_right_logical3A_98 : i32 to vector<16xi32>
    %shift_right_logical3A_100 = arith.shrui %gather3A_91, %shift_right_logical3A_99 : vector<16xi32>
    tpu.vector_store_idx %arg20[%add3A_94], %shift_right_logical3A_100 : memref<128xi32, #tpu.memory_space<vmem>>[vector<16xi32>], vector<16xi32>,
    %broadcast_in_dim3A_101 = arith.constant 5 : i32
    %broadcast_in_dim3A_102 = vector.broadcast %broadcast_in_dim3A_101 : i32 to vector<16xi32>
    %and3A_103 = arith.constant 3 : i32
    %and3A_104 = vector.broadcast %and3A_103 : i32 to vector<16xi32>
    %and3A_105 = arith.andi %gather3A_90, %and3A_104 : vector<16xi32>
    tpu.vector_store_idx %arg21[%add3A_5, %broadcast_in_dim3A_102], %and3A_105 : memref<32x16xi32, #tpu.memory_space<vmem>>[vector<16xi32>, vector<16xi32>], vector<16xi32>,
    %broadcast_in_dim3A_106 = arith.constant 9 : i32
    %broadcast_in_dim3A_107 = vector.broadcast %broadcast_in_dim3A_106 : i32 to vector<16xi32>
    %and3A_108 = arith.constant 3 : i32
    %and3A_109 = vector.broadcast %and3A_108 : i32 to vector<16xi32>
    %and3A_110 = arith.andi %gather3A_91, %and3A_109 : vector<16xi32>
    tpu.vector_store_idx %arg21[%add3A_5, %broadcast_in_dim3A_107], %and3A_110 : memref<32x16xi32, #tpu.memory_space<vmem>>[vector<16xi32>, vector<16xi32>], vector<16xi32>,
    %mul3A_111 = arith.constant 4 : i32
    %mul3A_112 = vector.broadcast %mul3A_111 : i32 to vector<16xi32>
    %mul3A_113 = arith.muli %mul3A_112, %convert_element_type3A : vector<16xi32>
    %add3A_114 = arith.constant 2 : i32
    %add3A_115 = vector.broadcast %add3A_114 : i32 to vector<16xi32>
    %add3A_116 = arith.addi %mul3A_113, %add3A_115 : vector<16xi32>
    %gather3A_117 = tpu.vector_load_idx %arg13[%add3A_116, %add3A_5] : memref<16x32xi32, #tpu.memory_space<vmem>>[vector<16xi32>, vector<16xi32>], vector<16xi32>,
    %gather3A_118 = tpu.vector_load_idx %arg14[%add3A_116, %add3A_5] : memref<16x32xi32, #tpu.memory_space<vmem>>[vector<16xi32>, vector<16xi32>], vector<16xi32>,
    %add3A_119 = arith.constant 64 : i32
    %add3A_120 = vector.broadcast %add3A_119 : i32 to vector<16xi32>
    %add3A_121 = arith.addi %add3A_5, %add3A_120 : vector<16xi32>
    %shift_right_logical3A_122 = arith.constant 2 : i32
    %shift_right_logical3A_123 = vector.broadcast %shift_right_logical3A_122 : i32 to vector<16xi32>
    %shift_right_logical3A_124 = arith.shrui %gather3A_117, %shift_right_logical3A_123 : vector<16xi32>
    tpu.vector_store_idx %arg19[%add3A_121], %shift_right_logical3A_124 : memref<128xi32, #tpu.memory_space<vmem>>[vector<16xi32>], vector<16xi32>,
    %shift_right_logical3A_125 = arith.constant 2 : i32
    %shift_right_logical3A_126 = vector.broadcast %shift_right_logical3A_125 : i32 to vector<16xi32>
    %shift_right_logical3A_127 = arith.shrui %gather3A_118, %shift_right_logical3A_126 : vector<16xi32>
    tpu.vector_store_idx %arg20[%add3A_121], %shift_right_logical3A_127 : memref<128xi32, #tpu.memory_space<vmem>>[vector<16xi32>], vector<16xi32>,
    %broadcast_in_dim3A_128 = arith.constant 6 : i32
    %broadcast_in_dim3A_129 = vector.broadcast %broadcast_in_dim3A_128 : i32 to vector<16xi32>
    %and3A_130 = arith.constant 3 : i32
    %and3A_131 = vector.broadcast %and3A_130 : i32 to vector<16xi32>
    %and3A_132 = arith.andi %gather3A_117, %and3A_131 : vector<16xi32>
    tpu.vector_store_idx %arg21[%add3A_5, %broadcast_in_dim3A_129], %and3A_132 : memref<32x16xi32, #tpu.memory_space<vmem>>[vector<16xi32>, vector<16xi32>], vector<16xi32>,
    %broadcast_in_dim3A_133 = arith.constant 10 : i32
    %broadcast_in_dim3A_134 = vector.broadcast %broadcast_in_dim3A_133 : i32 to vector<16xi32>
    %and3A_135 = arith.constant 3 : i32
    %and3A_136 = vector.broadcast %and3A_135 : i32 to vector<16xi32>
    %and3A_137 = arith.andi %gather3A_118, %and3A_136 : vector<16xi32>
    tpu.vector_store_idx %arg21[%add3A_5, %broadcast_in_dim3A_134], %and3A_137 : memref<32x16xi32, #tpu.memory_space<vmem>>[vector<16xi32>, vector<16xi32>], vector<16xi32>,
    %mul3A_138 = arith.constant 4 : i32
    %mul3A_139 = vector.broadcast %mul3A_138 : i32 to vector<16xi32>
    %mul3A_140 = arith.muli %mul3A_139, %convert_element_type3A : vector<16xi32>
    %add3A_141 = arith.constant 3 : i32
    %add3A_142 = vector.broadcast %add3A_141 : i32 to vector<16xi32>
    %add3A_143 = arith.addi %mul3A_140, %add3A_142 : vector<16xi32>
    %gather3A_144 = tpu.vector_load_idx %arg13[%add3A_143, %add3A_5] : memref<16x32xi32, #tpu.memory_space<vmem>>[vector<16xi32>, vector<16xi32>], vector<16xi32>,
    %gather3A_145 = tpu.vector_load_idx %arg14[%add3A_143, %add3A_5] : memref<16x32xi32, #tpu.memory_space<vmem>>[vector<16xi32>, vector<16xi32>], vector<16xi32>,
    %add3A_146 = arith.constant 96 : i32
    %add3A_147 = vector.broadcast %add3A_146 : i32 to vector<16xi32>
    %add3A_148 = arith.addi %add3A_5, %add3A_147 : vector<16xi32>
    %shift_right_logical3A_149 = arith.constant 2 : i32
    %shift_right_logical3A_150 = vector.broadcast %shift_right_logical3A_149 : i32 to vector<16xi32>
    %shift_right_logical3A_151 = arith.shrui %gather3A_144, %shift_right_logical3A_150 : vector<16xi32>
    tpu.vector_store_idx %arg19[%add3A_148], %shift_right_logical3A_151 : memref<128xi32, #tpu.memory_space<vmem>>[vector<16xi32>], vector<16xi32>,
    %shift_right_logical3A_152 = arith.constant 2 : i32
    %shift_right_logical3A_153 = vector.broadcast %shift_right_logical3A_152 : i32 to vector<16xi32>
    %shift_right_logical3A_154 = arith.shrui %gather3A_145, %shift_right_logical3A_153 : vector<16xi32>
    tpu.vector_store_idx %arg20[%add3A_148], %shift_right_logical3A_154 : memref<128xi32, #tpu.memory_space<vmem>>[vector<16xi32>], vector<16xi32>,
    %broadcast_in_dim3A_155 = arith.constant 7 : i32
    %broadcast_in_dim3A_156 = vector.broadcast %broadcast_in_dim3A_155 : i32 to vector<16xi32>
    %and3A_157 = arith.constant 3 : i32
    %and3A_158 = vector.broadcast %and3A_157 : i32 to vector<16xi32>
    %and3A_159 = arith.andi %gather3A_144, %and3A_158 : vector<16xi32>
    tpu.vector_store_idx %arg21[%add3A_5, %broadcast_in_dim3A_156], %and3A_159 : memref<32x16xi32, #tpu.memory_space<vmem>>[vector<16xi32>, vector<16xi32>], vector<16xi32>,
    %broadcast_in_dim3A_160 = arith.constant 11 : i32
    %broadcast_in_dim3A_161 = vector.broadcast %broadcast_in_dim3A_160 : i32 to vector<16xi32>
    %and3A_162 = arith.constant 3 : i32
    %and3A_163 = vector.broadcast %and3A_162 : i32 to vector<16xi32>
    %and3A_164 = arith.andi %gather3A_145, %and3A_163 : vector<16xi32>
    tpu.vector_store_idx %arg21[%add3A_5, %broadcast_in_dim3A_161], %and3A_164 : memref<32x16xi32, #tpu.memory_space<vmem>>[vector<16xi32>, vector<16xi32>], vector<16xi32>,
    %iota3A_165 = tpu.iota {dimensions = array<i32: 0>} : vector<16xi32>
    %add3A_166 = arith.constant 16 : i32
    %add3A_167 = vector.broadcast %add3A_166 : i32 to vector<16xi32>
    %add3A_168 = arith.addi %iota3A_165, %add3A_167 : vector<16xi32>
    %get3A_169 = arith.constant 1 : i32
    %get3A_170 = arith.index_cast %get3A_169 : i32 to index
    %get3A_171 = arith.constant 16 : index
    %get3A_172 = tpu.vector_load %arg12[%get3A_170, %get3A_171] {strides = array<i32>} : memref<16x32xf32, #tpu.memory_space<vmem>>, vector<16xf32>,
    %get3A_173 = arith.constant 2 : i32
    %get3A_174 = arith.index_cast %get3A_173 : i32 to index
    %get3A_175 = arith.constant 16 : index
    %get3A_176 = tpu.vector_load %arg12[%get3A_174, %get3A_175] {strides = array<i32>} : memref<16x32xf32, #tpu.memory_space<vmem>>, vector<16xf32>,
    %mul3A_177 = arith.constant 2.000000e+00 : f32
    %mul3A_178 = vector.broadcast %mul3A_177 : f32 to vector<16xf32>
    %mul3A_179 = arith.mulf %mul3A_178, %get3A_176 : vector<16xf32>
    %add3A_180 = arith.addf %get3A_172, %mul3A_179 : vector<16xf32>
    %get3A_181 = arith.constant 3 : i32
    %get3A_182 = arith.index_cast %get3A_181 : i32 to index
    %get3A_183 = arith.constant 16 : index
    %get3A_184 = tpu.vector_load %arg12[%get3A_182, %get3A_183] {strides = array<i32>} : memref<16x32xf32, #tpu.memory_space<vmem>>, vector<16xf32>,
    %mul3A_185 = arith.constant 3.000000e+00 : f32
    %mul3A_186 = vector.broadcast %mul3A_185 : f32 to vector<16xf32>
    %mul3A_187 = arith.mulf %mul3A_186, %get3A_184 : vector<16xf32>
    %add3A_188 = arith.addf %add3A_180, %mul3A_187 : vector<16xf32>
    %convert_element_type3A_189 = arith.fptosi %add3A_188 : vector<16xf32> to vector<16xi32>
    %get3A_190 = arith.constant 0 : i32
    %get3A_191 = arith.index_cast %get3A_190 : i32 to index
    %get3A_192 = arith.constant 16 : index
    %get3A_193 = tpu.vector_load %arg15[%get3A_191, %get3A_192] {strides = array<i32>} : memref<3x32xi32, #tpu.memory_space<vmem>>, vector<16xi32>,
    %get3A_194 = arith.constant 1 : i32
    %get3A_195 = arith.index_cast %get3A_194 : i32 to index
    %get3A_196 = arith.constant 16 : index
    %get3A_197 = tpu.vector_load %arg15[%get3A_195, %get3A_196] {strides = array<i32>} : memref<3x32xi32, #tpu.memory_space<vmem>>, vector<16xi32>,
    %get3A_198 = arith.constant 2 : i32
    %get3A_199 = arith.index_cast %get3A_198 : i32 to index
    %get3A_200 = arith.constant 16 : index
    %get3A_201 = tpu.vector_load %arg15[%get3A_199, %get3A_200] {strides = array<i32>} : memref<3x32xi32, #tpu.memory_space<vmem>>, vector<16xi32>,
    %shift_right_logical3A_202 = arith.constant 2 : i32
    %shift_right_logical3A_203 = vector.broadcast %shift_right_logical3A_202 : i32 to vector<16xi32>
    %shift_right_logical3A_204 = arith.shrui %get3A_193, %shift_right_logical3A_203 : vector<16xi32>
    tpu.vector_store_idx %arg16[%add3A_168], %shift_right_logical3A_204 : memref<32xi32, #tpu.memory_space<vmem>>[vector<16xi32>], vector<16xi32>,
    %shift_right_logical3A_205 = arith.constant 2 : i32
    %shift_right_logical3A_206 = vector.broadcast %shift_right_logical3A_205 : i32 to vector<16xi32>
    %shift_right_logical3A_207 = arith.shrui %get3A_197, %shift_right_logical3A_206 : vector<16xi32>
    tpu.vector_store_idx %arg17[%add3A_168], %shift_right_logical3A_207 : memref<32xi32, #tpu.memory_space<vmem>>[vector<16xi32>], vector<16xi32>,
    %shift_right_logical3A_208 = arith.constant 2 : i32
    %shift_right_logical3A_209 = vector.broadcast %shift_right_logical3A_208 : i32 to vector<16xi32>
    %shift_right_logical3A_210 = arith.shrui %get3A_201, %shift_right_logical3A_209 : vector<16xi32>
    tpu.vector_store_idx %arg18[%add3A_168], %shift_right_logical3A_210 : memref<32xi32, #tpu.memory_space<vmem>>[vector<16xi32>], vector<16xi32>,
    %broadcast_in_dim3A_211 = arith.constant 0 : i32
    %broadcast_in_dim3A_212 = vector.broadcast %broadcast_in_dim3A_211 : i32 to vector<16xi32>
    %and3A_213 = arith.constant 3 : i32
    %and3A_214 = vector.broadcast %and3A_213 : i32 to vector<16xi32>
    %and3A_215 = arith.andi %get3A_193, %and3A_214 : vector<16xi32>
    tpu.vector_store_idx %arg21[%add3A_168, %broadcast_in_dim3A_212], %and3A_215 : memref<32x16xi32, #tpu.memory_space<vmem>>[vector<16xi32>, vector<16xi32>], vector<16xi32>,
    %broadcast_in_dim3A_216 = arith.constant 1 : i32
    %broadcast_in_dim3A_217 = vector.broadcast %broadcast_in_dim3A_216 : i32 to vector<16xi32>
    %and3A_218 = arith.constant 3 : i32
    %and3A_219 = vector.broadcast %and3A_218 : i32 to vector<16xi32>
    %and3A_220 = arith.andi %get3A_197, %and3A_219 : vector<16xi32>
    tpu.vector_store_idx %arg21[%add3A_168, %broadcast_in_dim3A_217], %and3A_220 : memref<32x16xi32, #tpu.memory_space<vmem>>[vector<16xi32>, vector<16xi32>], vector<16xi32>,
    %broadcast_in_dim3A_221 = arith.constant 2 : i32
    %broadcast_in_dim3A_222 = vector.broadcast %broadcast_in_dim3A_221 : i32 to vector<16xi32>
    %and3A_223 = arith.constant 3 : i32
    %and3A_224 = vector.broadcast %and3A_223 : i32 to vector<16xi32>
    %and3A_225 = arith.andi %get3A_201, %and3A_224 : vector<16xi32>
    tpu.vector_store_idx %arg21[%add3A_168, %broadcast_in_dim3A_222], %and3A_225 : memref<32x16xi32, #tpu.memory_space<vmem>>[vector<16xi32>, vector<16xi32>], vector<16xi32>,
    %mul3A_226 = arith.constant 4 : i32
    %mul3A_227 = vector.broadcast %mul3A_226 : i32 to vector<16xi32>
    %mul3A_228 = arith.muli %mul3A_227, %convert_element_type3A_189 : vector<16xi32>
    %add3A_229 = arith.constant 0 : i32
    %add3A_230 = vector.broadcast %add3A_229 : i32 to vector<16xi32>
    %add3A_231 = arith.addi %mul3A_228, %add3A_230 : vector<16xi32>
    %gather3A_232 = tpu.vector_load_idx %arg13[%add3A_231, %add3A_168] : memref<16x32xi32, #tpu.memory_space<vmem>>[vector<16xi32>, vector<16xi32>], vector<16xi32>,
    %gather3A_233 = tpu.vector_load_idx %arg14[%add3A_231, %add3A_168] : memref<16x32xi32, #tpu.memory_space<vmem>>[vector<16xi32>, vector<16xi32>], vector<16xi32>,
    %add3A_234 = arith.constant 0 : i32
    %add3A_235 = vector.broadcast %add3A_234 : i32 to vector<16xi32>
    %add3A_236 = arith.addi %add3A_168, %add3A_235 : vector<16xi32>
    %shift_right_logical3A_237 = arith.constant 2 : i32
    %shift_right_logical3A_238 = vector.broadcast %shift_right_logical3A_237 : i32 to vector<16xi32>
    %shift_right_logical3A_239 = arith.shrui %gather3A_232, %shift_right_logical3A_238 : vector<16xi32>
    tpu.vector_store_idx %arg19[%add3A_236], %shift_right_logical3A_239 : memref<128xi32, #tpu.memory_space<vmem>>[vector<16xi32>], vector<16xi32>,
    %shift_right_logical3A_240 = arith.constant 2 : i32
    %shift_right_logical3A_241 = vector.broadcast %shift_right_logical3A_240 : i32 to vector<16xi32>
    %shift_right_logical3A_242 = arith.shrui %gather3A_233, %shift_right_logical3A_241 : vector<16xi32>
    tpu.vector_store_idx %arg20[%add3A_236], %shift_right_logical3A_242 : memref<128xi32, #tpu.memory_space<vmem>>[vector<16xi32>], vector<16xi32>,
    %broadcast_in_dim3A_243 = arith.constant 4 : i32
    %broadcast_in_dim3A_244 = vector.broadcast %broadcast_in_dim3A_243 : i32 to vector<16xi32>
    %and3A_245 = arith.constant 3 : i32
    %and3A_246 = vector.broadcast %and3A_245 : i32 to vector<16xi32>
    %and3A_247 = arith.andi %gather3A_232, %and3A_246 : vector<16xi32>
    tpu.vector_store_idx %arg21[%add3A_168, %broadcast_in_dim3A_244], %and3A_247 : memref<32x16xi32, #tpu.memory_space<vmem>>[vector<16xi32>, vector<16xi32>], vector<16xi32>,
    %broadcast_in_dim3A_248 = arith.constant 8 : i32
    %broadcast_in_dim3A_249 = vector.broadcast %broadcast_in_dim3A_248 : i32 to vector<16xi32>
    %and3A_250 = arith.constant 3 : i32
    %and3A_251 = vector.broadcast %and3A_250 : i32 to vector<16xi32>
    %and3A_252 = arith.andi %gather3A_233, %and3A_251 : vector<16xi32>
    tpu.vector_store_idx %arg21[%add3A_168, %broadcast_in_dim3A_249], %and3A_252 : memref<32x16xi32, #tpu.memory_space<vmem>>[vector<16xi32>, vector<16xi32>], vector<16xi32>,
    %mul3A_253 = arith.constant 4 : i32
    %mul3A_254 = vector.broadcast %mul3A_253 : i32 to vector<16xi32>
    %mul3A_255 = arith.muli %mul3A_254, %convert_element_type3A_189 : vector<16xi32>
    %add3A_256 = arith.constant 1 : i32
    %add3A_257 = vector.broadcast %add3A_256 : i32 to vector<16xi32>
    %add3A_258 = arith.addi %mul3A_255, %add3A_257 : vector<16xi32>
    %gather3A_259 = tpu.vector_load_idx %arg13[%add3A_258, %add3A_168] : memref<16x32xi32, #tpu.memory_space<vmem>>[vector<16xi32>, vector<16xi32>], vector<16xi32>,
    %gather3A_260 = tpu.vector_load_idx %arg14[%add3A_258, %add3A_168] : memref<16x32xi32, #tpu.memory_space<vmem>>[vector<16xi32>, vector<16xi32>], vector<16xi32>,
    %add3A_261 = arith.constant 32 : i32
    %add3A_262 = vector.broadcast %add3A_261 : i32 to vector<16xi32>
    %add3A_263 = arith.addi %add3A_168, %add3A_262 : vector<16xi32>
    %shift_right_logical3A_264 = arith.constant 2 : i32
    %shift_right_logical3A_265 = vector.broadcast %shift_right_logical3A_264 : i32 to vector<16xi32>
    %shift_right_logical3A_266 = arith.shrui %gather3A_259, %shift_right_logical3A_265 : vector<16xi32>
    tpu.vector_store_idx %arg19[%add3A_263], %shift_right_logical3A_266 : memref<128xi32, #tpu.memory_space<vmem>>[vector<16xi32>], vector<16xi32>,
    %shift_right_logical3A_267 = arith.constant 2 : i32
    %shift_right_logical3A_268 = vector.broadcast %shift_right_logical3A_267 : i32 to vector<16xi32>
    %shift_right_logical3A_269 = arith.shrui %gather3A_260, %shift_right_logical3A_268 : vector<16xi32>
    tpu.vector_store_idx %arg20[%add3A_263], %shift_right_logical3A_269 : memref<128xi32, #tpu.memory_space<vmem>>[vector<16xi32>], vector<16xi32>,
    %broadcast_in_dim3A_270 = arith.constant 5 : i32
    %broadcast_in_dim3A_271 = vector.broadcast %broadcast_in_dim3A_270 : i32 to vector<16xi32>
    %and3A_272 = arith.constant 3 : i32
    %and3A_273 = vector.broadcast %and3A_272 : i32 to vector<16xi32>
    %and3A_274 = arith.andi %gather3A_259, %and3A_273 : vector<16xi32>
    tpu.vector_store_idx %arg21[%add3A_168, %broadcast_in_dim3A_271], %and3A_274 : memref<32x16xi32, #tpu.memory_space<vmem>>[vector<16xi32>, vector<16xi32>], vector<16xi32>,
    %broadcast_in_dim3A_275 = arith.constant 9 : i32
    %broadcast_in_dim3A_276 = vector.broadcast %broadcast_in_dim3A_275 : i32 to vector<16xi32>
    %and3A_277 = arith.constant 3 : i32
    %and3A_278 = vector.broadcast %and3A_277 : i32 to vector<16xi32>
    %and3A_279 = arith.andi %gather3A_260, %and3A_278 : vector<16xi32>
    tpu.vector_store_idx %arg21[%add3A_168, %broadcast_in_dim3A_276], %and3A_279 : memref<32x16xi32, #tpu.memory_space<vmem>>[vector<16xi32>, vector<16xi32>], vector<16xi32>,
    %mul3A_280 = arith.constant 4 : i32
    %mul3A_281 = vector.broadcast %mul3A_280 : i32 to vector<16xi32>
    %mul3A_282 = arith.muli %mul3A_281, %convert_element_type3A_189 : vector<16xi32>
    %add3A_283 = arith.constant 2 : i32
    %add3A_284 = vector.broadcast %add3A_283 : i32 to vector<16xi32>
    %add3A_285 = arith.addi %mul3A_282, %add3A_284 : vector<16xi32>
    %gather3A_286 = tpu.vector_load_idx %arg13[%add3A_285, %add3A_168] : memref<16x32xi32, #tpu.memory_space<vmem>>[vector<16xi32>, vector<16xi32>], vector<16xi32>,
    %gather3A_287 = tpu.vector_load_idx %arg14[%add3A_285, %add3A_168] : memref<16x32xi32, #tpu.memory_space<vmem>>[vector<16xi32>, vector<16xi32>], vector<16xi32>,
    %add3A_288 = arith.constant 64 : i32
    %add3A_289 = vector.broadcast %add3A_288 : i32 to vector<16xi32>
    %add3A_290 = arith.addi %add3A_168, %add3A_289 : vector<16xi32>
    %shift_right_logical3A_291 = arith.constant 2 : i32
    %shift_right_logical3A_292 = vector.broadcast %shift_right_logical3A_291 : i32 to vector<16xi32>
    %shift_right_logical3A_293 = arith.shrui %gather3A_286, %shift_right_logical3A_292 : vector<16xi32>
    tpu.vector_store_idx %arg19[%add3A_290], %shift_right_logical3A_293 : memref<128xi32, #tpu.memory_space<vmem>>[vector<16xi32>], vector<16xi32>,
    %shift_right_logical3A_294 = arith.constant 2 : i32
    %shift_right_logical3A_295 = vector.broadcast %shift_right_logical3A_294 : i32 to vector<16xi32>
    %shift_right_logical3A_296 = arith.shrui %gather3A_287, %shift_right_logical3A_295 : vector<16xi32>
    tpu.vector_store_idx %arg20[%add3A_290], %shift_right_logical3A_296 : memref<128xi32, #tpu.memory_space<vmem>>[vector<16xi32>], vector<16xi32>,
    %broadcast_in_dim3A_297 = arith.constant 6 : i32
    %broadcast_in_dim3A_298 = vector.broadcast %broadcast_in_dim3A_297 : i32 to vector<16xi32>
    %and3A_299 = arith.constant 3 : i32
    %and3A_300 = vector.broadcast %and3A_299 : i32 to vector<16xi32>
    %and3A_301 = arith.andi %gather3A_286, %and3A_300 : vector<16xi32>
    tpu.vector_store_idx %arg21[%add3A_168, %broadcast_in_dim3A_298], %and3A_301 : memref<32x16xi32, #tpu.memory_space<vmem>>[vector<16xi32>, vector<16xi32>], vector<16xi32>,
    %broadcast_in_dim3A_302 = arith.constant 10 : i32
    %broadcast_in_dim3A_303 = vector.broadcast %broadcast_in_dim3A_302 : i32 to vector<16xi32>
    %and3A_304 = arith.constant 3 : i32
    %and3A_305 = vector.broadcast %and3A_304 : i32 to vector<16xi32>
    %and3A_306 = arith.andi %gather3A_287, %and3A_305 : vector<16xi32>
    tpu.vector_store_idx %arg21[%add3A_168, %broadcast_in_dim3A_303], %and3A_306 : memref<32x16xi32, #tpu.memory_space<vmem>>[vector<16xi32>, vector<16xi32>], vector<16xi32>,
    %mul3A_307 = arith.constant 4 : i32
    %mul3A_308 = vector.broadcast %mul3A_307 : i32 to vector<16xi32>
    %mul3A_309 = arith.muli %mul3A_308, %convert_element_type3A_189 : vector<16xi32>
    %add3A_310 = arith.constant 3 : i32
    %add3A_311 = vector.broadcast %add3A_310 : i32 to vector<16xi32>
    %add3A_312 = arith.addi %mul3A_309, %add3A_311 : vector<16xi32>
    %gather3A_313 = tpu.vector_load_idx %arg13[%add3A_312, %add3A_168] : memref<16x32xi32, #tpu.memory_space<vmem>>[vector<16xi32>, vector<16xi32>], vector<16xi32>,
    %gather3A_314 = tpu.vector_load_idx %arg14[%add3A_312, %add3A_168] : memref<16x32xi32, #tpu.memory_space<vmem>>[vector<16xi32>, vector<16xi32>], vector<16xi32>,
    %add3A_315 = arith.constant 96 : i32
    %add3A_316 = vector.broadcast %add3A_315 : i32 to vector<16xi32>
    %add3A_317 = arith.addi %add3A_168, %add3A_316 : vector<16xi32>
    %shift_right_logical3A_318 = arith.constant 2 : i32
    %shift_right_logical3A_319 = vector.broadcast %shift_right_logical3A_318 : i32 to vector<16xi32>
    %shift_right_logical3A_320 = arith.shrui %gather3A_313, %shift_right_logical3A_319 : vector<16xi32>
    tpu.vector_store_idx %arg19[%add3A_317], %shift_right_logical3A_320 : memref<128xi32, #tpu.memory_space<vmem>>[vector<16xi32>], vector<16xi32>,
    %shift_right_logical3A_321 = arith.constant 2 : i32
    %shift_right_logical3A_322 = vector.broadcast %shift_right_logical3A_321 : i32 to vector<16xi32>
    %shift_right_logical3A_323 = arith.shrui %gather3A_314, %shift_right_logical3A_322 : vector<16xi32>
    tpu.vector_store_idx %arg20[%add3A_317], %shift_right_logical3A_323 : memref<128xi32, #tpu.memory_space<vmem>>[vector<16xi32>], vector<16xi32>,
    %broadcast_in_dim3A_324 = arith.constant 7 : i32
    %broadcast_in_dim3A_325 = vector.broadcast %broadcast_in_dim3A_324 : i32 to vector<16xi32>
    %and3A_326 = arith.constant 3 : i32
    %and3A_327 = vector.broadcast %and3A_326 : i32 to vector<16xi32>
    %and3A_328 = arith.andi %gather3A_313, %and3A_327 : vector<16xi32>
    tpu.vector_store_idx %arg21[%add3A_168, %broadcast_in_dim3A_325], %and3A_328 : memref<32x16xi32, #tpu.memory_space<vmem>>[vector<16xi32>, vector<16xi32>], vector<16xi32>,
    %broadcast_in_dim3A_329 = arith.constant 11 : i32
    %broadcast_in_dim3A_330 = vector.broadcast %broadcast_in_dim3A_329 : i32 to vector<16xi32>
    %and3A_331 = arith.constant 3 : i32
    %and3A_332 = vector.broadcast %and3A_331 : i32 to vector<16xi32>
    %and3A_333 = arith.andi %gather3A_314, %and3A_332 : vector<16xi32>
    tpu.vector_store_idx %arg21[%add3A_168, %broadcast_in_dim3A_330], %and3A_333 : memref<32x16xi32, #tpu.memory_space<vmem>>[vector<16xi32>, vector<16xi32>], vector<16xi32>,
    "tpu.region"() ({
      %run_scoped3A = tpu.sem_alloc : memref<!tpu.dma_semaphore, #tpu.memory_space<semaphore_mem>>
      %dma_start3A = tpu.memref_slice %arg6[%mul3A_2] : memref<1024xi32, #tpu.memory_space<hbm>> -> memref<32xi32, #tpu.memory_space<hbm>>
      %dma_start3A_350 = tpu.memref_slice %arg6[%mul3A_2] : memref<1024xi32, #tpu.memory_space<hbm>> -> memref<32xi32, #tpu.memory_space<hbm>>
      tpu.enqueue_dma source(%arg16 : memref<32xi32, #tpu.memory_space<vmem>>) target(%dma_start3A_350 : memref<32xi32, #tpu.memory_space<hbm>>) target_semaphore(%run_scoped3A : memref<!tpu.dma_semaphore, #tpu.memory_space<semaphore_mem>>)
      %dma_wait3A = tpu.memref_slice %arg6[%mul3A_2] : memref<1024xi32, #tpu.memory_space<hbm>> -> memref<32xi32, #tpu.memory_space<hbm>>
      %dma_wait3A_351 = tpu.memref_slice %arg6[%mul3A_2] : memref<1024xi32, #tpu.memory_space<hbm>> -> memref<32xi32, #tpu.memory_space<hbm>>
      tpu.wait_dma2 semaphore(%run_scoped3A : memref<!tpu.dma_semaphore, #tpu.memory_space<semaphore_mem>>) src(%arg16 : memref<32xi32, #tpu.memory_space<vmem>>) dst(%dma_wait3A_351 : memref<32xi32, #tpu.memory_space<hbm>>)
      tpu.yield
    }) : () -> ()
    "tpu.region"() ({
      %run_scoped3A = tpu.sem_alloc : memref<!tpu.dma_semaphore, #tpu.memory_space<semaphore_mem>>
      %dma_start3A = tpu.memref_slice %arg7[%mul3A_2] : memref<1024xi32, #tpu.memory_space<hbm>> -> memref<32xi32, #tpu.memory_space<hbm>>
      %dma_start3A_350 = tpu.memref_slice %arg7[%mul3A_2] : memref<1024xi32, #tpu.memory_space<hbm>> -> memref<32xi32, #tpu.memory_space<hbm>>
      tpu.enqueue_dma source(%arg17 : memref<32xi32, #tpu.memory_space<vmem>>) target(%dma_start3A_350 : memref<32xi32, #tpu.memory_space<hbm>>) target_semaphore(%run_scoped3A : memref<!tpu.dma_semaphore, #tpu.memory_space<semaphore_mem>>)
      %dma_wait3A = tpu.memref_slice %arg7[%mul3A_2] : memref<1024xi32, #tpu.memory_space<hbm>> -> memref<32xi32, #tpu.memory_space<hbm>>
      %dma_wait3A_351 = tpu.memref_slice %arg7[%mul3A_2] : memref<1024xi32, #tpu.memory_space<hbm>> -> memref<32xi32, #tpu.memory_space<hbm>>
      tpu.wait_dma2 semaphore(%run_scoped3A : memref<!tpu.dma_semaphore, #tpu.memory_space<semaphore_mem>>) src(%arg17 : memref<32xi32, #tpu.memory_space<vmem>>) dst(%dma_wait3A_351 : memref<32xi32, #tpu.memory_space<hbm>>)
      tpu.yield
    }) : () -> ()
    "tpu.region"() ({
      %run_scoped3A = tpu.sem_alloc : memref<!tpu.dma_semaphore, #tpu.memory_space<semaphore_mem>>
      %dma_start3A = tpu.memref_slice %arg8[%mul3A_2] : memref<1024xi32, #tpu.memory_space<hbm>> -> memref<32xi32, #tpu.memory_space<hbm>>
      %dma_start3A_350 = tpu.memref_slice %arg8[%mul3A_2] : memref<1024xi32, #tpu.memory_space<hbm>> -> memref<32xi32, #tpu.memory_space<hbm>>
      tpu.enqueue_dma source(%arg18 : memref<32xi32, #tpu.memory_space<vmem>>) target(%dma_start3A_350 : memref<32xi32, #tpu.memory_space<hbm>>) target_semaphore(%run_scoped3A : memref<!tpu.dma_semaphore, #tpu.memory_space<semaphore_mem>>)
      %dma_wait3A = tpu.memref_slice %arg8[%mul3A_2] : memref<1024xi32, #tpu.memory_space<hbm>> -> memref<32xi32, #tpu.memory_space<hbm>>
      %dma_wait3A_351 = tpu.memref_slice %arg8[%mul3A_2] : memref<1024xi32, #tpu.memory_space<hbm>> -> memref<32xi32, #tpu.memory_space<hbm>>
      tpu.wait_dma2 semaphore(%run_scoped3A : memref<!tpu.dma_semaphore, #tpu.memory_space<semaphore_mem>>) src(%arg18 : memref<32xi32, #tpu.memory_space<vmem>>) dst(%dma_wait3A_351 : memref<32xi32, #tpu.memory_space<hbm>>)
      tpu.yield
    }) : () -> ()
    %add3A_334 = arith.constant 0 : i32
    %add3A_335 = arith.addi %add3A_334, %mul3A_2 : i32
    "tpu.region"() ({
      %run_scoped3A = tpu.sem_alloc : memref<!tpu.dma_semaphore, #tpu.memory_space<semaphore_mem>>
      %dma_start3A = arith.constant 0 : i32
      %dma_start3A_350 = tpu.memref_slice %arg19[%dma_start3A] : memref<128xi32, #tpu.memory_space<vmem>> -> memref<32xi32, #tpu.memory_space<vmem>>
      %dma_start3A_351 = tpu.memref_slice %arg9[%add3A_335] : memref<4096xi32, #tpu.memory_space<hbm>> -> memref<32xi32, #tpu.memory_space<hbm>>
      %dma_start3A_352 = tpu.memref_slice %arg9[%add3A_335] : memref<4096xi32, #tpu.memory_space<hbm>> -> memref<32xi32, #tpu.memory_space<hbm>>
      %dma_start3A_353 = arith.constant 0 : i32
      %dma_start3A_354 = tpu.memref_slice %arg19[%dma_start3A_353] : memref<128xi32, #tpu.memory_space<vmem>> -> memref<32xi32, #tpu.memory_space<vmem>>
      tpu.enqueue_dma source(%dma_start3A_354 : memref<32xi32, #tpu.memory_space<vmem>>) target(%dma_start3A_352 : memref<32xi32, #tpu.memory_space<hbm>>) target_semaphore(%run_scoped3A : memref<!tpu.dma_semaphore, #tpu.memory_space<semaphore_mem>>)
      %dma_wait3A = arith.constant 0 : i32
      %dma_wait3A_355 = tpu.memref_slice %arg19[%dma_wait3A] : memref<128xi32, #tpu.memory_space<vmem>> -> memref<32xi32, #tpu.memory_space<vmem>>
      %dma_wait3A_356 = tpu.memref_slice %arg9[%add3A_335] : memref<4096xi32, #tpu.memory_space<hbm>> -> memref<32xi32, #tpu.memory_space<hbm>>
      %dma_wait3A_357 = tpu.memref_slice %arg9[%add3A_335] : memref<4096xi32, #tpu.memory_space<hbm>> -> memref<32xi32, #tpu.memory_space<hbm>>
      %dma_wait3A_358 = arith.constant 0 : i32
      %dma_wait3A_359 = tpu.memref_slice %arg19[%dma_wait3A_358] : memref<128xi32, #tpu.memory_space<vmem>> -> memref<32xi32, #tpu.memory_space<vmem>>
      tpu.wait_dma2 semaphore(%run_scoped3A : memref<!tpu.dma_semaphore, #tpu.memory_space<semaphore_mem>>) src(%dma_wait3A_359 : memref<32xi32, #tpu.memory_space<vmem>>) dst(%dma_wait3A_357 : memref<32xi32, #tpu.memory_space<hbm>>)
      tpu.yield
    }) : () -> ()
    %add3A_336 = arith.constant 0 : i32
    %add3A_337 = arith.addi %add3A_336, %mul3A_2 : i32
    "tpu.region"() ({
      %run_scoped3A = tpu.sem_alloc : memref<!tpu.dma_semaphore, #tpu.memory_space<semaphore_mem>>
      %dma_start3A = arith.constant 0 : i32
      %dma_start3A_350 = tpu.memref_slice %arg20[%dma_start3A] : memref<128xi32, #tpu.memory_space<vmem>> -> memref<32xi32, #tpu.memory_space<vmem>>
      %dma_start3A_351 = tpu.memref_slice %arg10[%add3A_337] : memref<4096xi32, #tpu.memory_space<hbm>> -> memref<32xi32, #tpu.memory_space<hbm>>
      %dma_start3A_352 = tpu.memref_slice %arg10[%add3A_337] : memref<4096xi32, #tpu.memory_space<hbm>> -> memref<32xi32, #tpu.memory_space<hbm>>
      %dma_start3A_353 = arith.constant 0 : i32
      %dma_start3A_354 = tpu.memref_slice %arg20[%dma_start3A_353] : memref<128xi32, #tpu.memory_space<vmem>> -> memref<32xi32, #tpu.memory_space<vmem>>
      tpu.enqueue_dma source(%dma_start3A_354 : memref<32xi32, #tpu.memory_space<vmem>>) target(%dma_start3A_352 : memref<32xi32, #tpu.memory_space<hbm>>) target_semaphore(%run_scoped3A : memref<!tpu.dma_semaphore, #tpu.memory_space<semaphore_mem>>)
      %dma_wait3A = arith.constant 0 : i32
      %dma_wait3A_355 = tpu.memref_slice %arg20[%dma_wait3A] : memref<128xi32, #tpu.memory_space<vmem>> -> memref<32xi32, #tpu.memory_space<vmem>>
      %dma_wait3A_356 = tpu.memref_slice %arg10[%add3A_337] : memref<4096xi32, #tpu.memory_space<hbm>> -> memref<32xi32, #tpu.memory_space<hbm>>
      %dma_wait3A_357 = tpu.memref_slice %arg10[%add3A_337] : memref<4096xi32, #tpu.memory_space<hbm>> -> memref<32xi32, #tpu.memory_space<hbm>>
      %dma_wait3A_358 = arith.constant 0 : i32
      %dma_wait3A_359 = tpu.memref_slice %arg20[%dma_wait3A_358] : memref<128xi32, #tpu.memory_space<vmem>> -> memref<32xi32, #tpu.memory_space<vmem>>
      tpu.wait_dma2 semaphore(%run_scoped3A : memref<!tpu.dma_semaphore, #tpu.memory_space<semaphore_mem>>) src(%dma_wait3A_359 : memref<32xi32, #tpu.memory_space<vmem>>) dst(%dma_wait3A_357 : memref<32xi32, #tpu.memory_space<hbm>>)
      tpu.yield
    }) : () -> ()
    %add3A_338 = arith.constant 1024 : i32
    %add3A_339 = arith.addi %add3A_338, %mul3A_2 : i32
    "tpu.region"() ({
      %run_scoped3A = tpu.sem_alloc : memref<!tpu.dma_semaphore, #tpu.memory_space<semaphore_mem>>
      %dma_start3A = arith.constant 32 : i32
      %dma_start3A_350 = tpu.memref_slice %arg19[%dma_start3A] : memref<128xi32, #tpu.memory_space<vmem>> -> memref<32xi32, #tpu.memory_space<vmem>>
      %dma_start3A_351 = tpu.memref_slice %arg9[%add3A_339] : memref<4096xi32, #tpu.memory_space<hbm>> -> memref<32xi32, #tpu.memory_space<hbm>>
      %dma_start3A_352 = tpu.memref_slice %arg9[%add3A_339] : memref<4096xi32, #tpu.memory_space<hbm>> -> memref<32xi32, #tpu.memory_space<hbm>>
      %dma_start3A_353 = arith.constant 32 : i32
      %dma_start3A_354 = tpu.memref_slice %arg19[%dma_start3A_353] : memref<128xi32, #tpu.memory_space<vmem>> -> memref<32xi32, #tpu.memory_space<vmem>>
      tpu.enqueue_dma source(%dma_start3A_354 : memref<32xi32, #tpu.memory_space<vmem>>) target(%dma_start3A_352 : memref<32xi32, #tpu.memory_space<hbm>>) target_semaphore(%run_scoped3A : memref<!tpu.dma_semaphore, #tpu.memory_space<semaphore_mem>>)
      %dma_wait3A = arith.constant 32 : i32
      %dma_wait3A_355 = tpu.memref_slice %arg19[%dma_wait3A] : memref<128xi32, #tpu.memory_space<vmem>> -> memref<32xi32, #tpu.memory_space<vmem>>
      %dma_wait3A_356 = tpu.memref_slice %arg9[%add3A_339] : memref<4096xi32, #tpu.memory_space<hbm>> -> memref<32xi32, #tpu.memory_space<hbm>>
      %dma_wait3A_357 = tpu.memref_slice %arg9[%add3A_339] : memref<4096xi32, #tpu.memory_space<hbm>> -> memref<32xi32, #tpu.memory_space<hbm>>
      %dma_wait3A_358 = arith.constant 32 : i32
      %dma_wait3A_359 = tpu.memref_slice %arg19[%dma_wait3A_358] : memref<128xi32, #tpu.memory_space<vmem>> -> memref<32xi32, #tpu.memory_space<vmem>>
      tpu.wait_dma2 semaphore(%run_scoped3A : memref<!tpu.dma_semaphore, #tpu.memory_space<semaphore_mem>>) src(%dma_wait3A_359 : memref<32xi32, #tpu.memory_space<vmem>>) dst(%dma_wait3A_357 : memref<32xi32, #tpu.memory_space<hbm>>)
      tpu.yield
    }) : () -> ()
    %add3A_340 = arith.constant 1024 : i32
    %add3A_341 = arith.addi %add3A_340, %mul3A_2 : i32
    "tpu.region"() ({
      %run_scoped3A = tpu.sem_alloc : memref<!tpu.dma_semaphore, #tpu.memory_space<semaphore_mem>>
      %dma_start3A = arith.constant 32 : i32
      %dma_start3A_350 = tpu.memref_slice %arg20[%dma_start3A] : memref<128xi32, #tpu.memory_space<vmem>> -> memref<32xi32, #tpu.memory_space<vmem>>
      %dma_start3A_351 = tpu.memref_slice %arg10[%add3A_341] : memref<4096xi32, #tpu.memory_space<hbm>> -> memref<32xi32, #tpu.memory_space<hbm>>
      %dma_start3A_352 = tpu.memref_slice %arg10[%add3A_341] : memref<4096xi32, #tpu.memory_space<hbm>> -> memref<32xi32, #tpu.memory_space<hbm>>
      %dma_start3A_353 = arith.constant 32 : i32
      %dma_start3A_354 = tpu.memref_slice %arg20[%dma_start3A_353] : memref<128xi32, #tpu.memory_space<vmem>> -> memref<32xi32, #tpu.memory_space<vmem>>
      tpu.enqueue_dma source(%dma_start3A_354 : memref<32xi32, #tpu.memory_space<vmem>>) target(%dma_start3A_352 : memref<32xi32, #tpu.memory_space<hbm>>) target_semaphore(%run_scoped3A : memref<!tpu.dma_semaphore, #tpu.memory_space<semaphore_mem>>)
      %dma_wait3A = arith.constant 32 : i32
      %dma_wait3A_355 = tpu.memref_slice %arg20[%dma_wait3A] : memref<128xi32, #tpu.memory_space<vmem>> -> memref<32xi32, #tpu.memory_space<vmem>>
      %dma_wait3A_356 = tpu.memref_slice %arg10[%add3A_341] : memref<4096xi32, #tpu.memory_space<hbm>> -> memref<32xi32, #tpu.memory_space<hbm>>
      %dma_wait3A_357 = tpu.memref_slice %arg10[%add3A_341] : memref<4096xi32, #tpu.memory_space<hbm>> -> memref<32xi32, #tpu.memory_space<hbm>>
      %dma_wait3A_358 = arith.constant 32 : i32
      %dma_wait3A_359 = tpu.memref_slice %arg20[%dma_wait3A_358] : memref<128xi32, #tpu.memory_space<vmem>> -> memref<32xi32, #tpu.memory_space<vmem>>
      tpu.wait_dma2 semaphore(%run_scoped3A : memref<!tpu.dma_semaphore, #tpu.memory_space<semaphore_mem>>) src(%dma_wait3A_359 : memref<32xi32, #tpu.memory_space<vmem>>) dst(%dma_wait3A_357 : memref<32xi32, #tpu.memory_space<hbm>>)
      tpu.yield
    }) : () -> ()
    %add3A_342 = arith.constant 2048 : i32
    %add3A_343 = arith.addi %add3A_342, %mul3A_2 : i32
    "tpu.region"() ({
      %run_scoped3A = tpu.sem_alloc : memref<!tpu.dma_semaphore, #tpu.memory_space<semaphore_mem>>
      %dma_start3A = arith.constant 64 : i32
      %dma_start3A_350 = tpu.memref_slice %arg19[%dma_start3A] : memref<128xi32, #tpu.memory_space<vmem>> -> memref<32xi32, #tpu.memory_space<vmem>>
      %dma_start3A_351 = tpu.memref_slice %arg9[%add3A_343] : memref<4096xi32, #tpu.memory_space<hbm>> -> memref<32xi32, #tpu.memory_space<hbm>>
      %dma_start3A_352 = tpu.memref_slice %arg9[%add3A_343] : memref<4096xi32, #tpu.memory_space<hbm>> -> memref<32xi32, #tpu.memory_space<hbm>>
      %dma_start3A_353 = arith.constant 64 : i32
      %dma_start3A_354 = tpu.memref_slice %arg19[%dma_start3A_353] : memref<128xi32, #tpu.memory_space<vmem>> -> memref<32xi32, #tpu.memory_space<vmem>>
      tpu.enqueue_dma source(%dma_start3A_354 : memref<32xi32, #tpu.memory_space<vmem>>) target(%dma_start3A_352 : memref<32xi32, #tpu.memory_space<hbm>>) target_semaphore(%run_scoped3A : memref<!tpu.dma_semaphore, #tpu.memory_space<semaphore_mem>>)
      %dma_wait3A = arith.constant 64 : i32
      %dma_wait3A_355 = tpu.memref_slice %arg19[%dma_wait3A] : memref<128xi32, #tpu.memory_space<vmem>> -> memref<32xi32, #tpu.memory_space<vmem>>
      %dma_wait3A_356 = tpu.memref_slice %arg9[%add3A_343] : memref<4096xi32, #tpu.memory_space<hbm>> -> memref<32xi32, #tpu.memory_space<hbm>>
      %dma_wait3A_357 = tpu.memref_slice %arg9[%add3A_343] : memref<4096xi32, #tpu.memory_space<hbm>> -> memref<32xi32, #tpu.memory_space<hbm>>
      %dma_wait3A_358 = arith.constant 64 : i32
      %dma_wait3A_359 = tpu.memref_slice %arg19[%dma_wait3A_358] : memref<128xi32, #tpu.memory_space<vmem>> -> memref<32xi32, #tpu.memory_space<vmem>>
      tpu.wait_dma2 semaphore(%run_scoped3A : memref<!tpu.dma_semaphore, #tpu.memory_space<semaphore_mem>>) src(%dma_wait3A_359 : memref<32xi32, #tpu.memory_space<vmem>>) dst(%dma_wait3A_357 : memref<32xi32, #tpu.memory_space<hbm>>)
      tpu.yield
    }) : () -> ()
    %add3A_344 = arith.constant 2048 : i32
    %add3A_345 = arith.addi %add3A_344, %mul3A_2 : i32
    "tpu.region"() ({
      %run_scoped3A = tpu.sem_alloc : memref<!tpu.dma_semaphore, #tpu.memory_space<semaphore_mem>>
      %dma_start3A = arith.constant 64 : i32
      %dma_start3A_350 = tpu.memref_slice %arg20[%dma_start3A] : memref<128xi32, #tpu.memory_space<vmem>> -> memref<32xi32, #tpu.memory_space<vmem>>
      %dma_start3A_351 = tpu.memref_slice %arg10[%add3A_345] : memref<4096xi32, #tpu.memory_space<hbm>> -> memref<32xi32, #tpu.memory_space<hbm>>
      %dma_start3A_352 = tpu.memref_slice %arg10[%add3A_345] : memref<4096xi32, #tpu.memory_space<hbm>> -> memref<32xi32, #tpu.memory_space<hbm>>
      %dma_start3A_353 = arith.constant 64 : i32
      %dma_start3A_354 = tpu.memref_slice %arg20[%dma_start3A_353] : memref<128xi32, #tpu.memory_space<vmem>> -> memref<32xi32, #tpu.memory_space<vmem>>
      tpu.enqueue_dma source(%dma_start3A_354 : memref<32xi32, #tpu.memory_space<vmem>>) target(%dma_start3A_352 : memref<32xi32, #tpu.memory_space<hbm>>) target_semaphore(%run_scoped3A : memref<!tpu.dma_semaphore, #tpu.memory_space<semaphore_mem>>)
      %dma_wait3A = arith.constant 64 : i32
      %dma_wait3A_355 = tpu.memref_slice %arg20[%dma_wait3A] : memref<128xi32, #tpu.memory_space<vmem>> -> memref<32xi32, #tpu.memory_space<vmem>>
      %dma_wait3A_356 = tpu.memref_slice %arg10[%add3A_345] : memref<4096xi32, #tpu.memory_space<hbm>> -> memref<32xi32, #tpu.memory_space<hbm>>
      %dma_wait3A_357 = tpu.memref_slice %arg10[%add3A_345] : memref<4096xi32, #tpu.memory_space<hbm>> -> memref<32xi32, #tpu.memory_space<hbm>>
      %dma_wait3A_358 = arith.constant 64 : i32
      %dma_wait3A_359 = tpu.memref_slice %arg20[%dma_wait3A_358] : memref<128xi32, #tpu.memory_space<vmem>> -> memref<32xi32, #tpu.memory_space<vmem>>
      tpu.wait_dma2 semaphore(%run_scoped3A : memref<!tpu.dma_semaphore, #tpu.memory_space<semaphore_mem>>) src(%dma_wait3A_359 : memref<32xi32, #tpu.memory_space<vmem>>) dst(%dma_wait3A_357 : memref<32xi32, #tpu.memory_space<hbm>>)
      tpu.yield
    }) : () -> ()
    %add3A_346 = arith.constant 3072 : i32
    %add3A_347 = arith.addi %add3A_346, %mul3A_2 : i32
    "tpu.region"() ({
      %run_scoped3A = tpu.sem_alloc : memref<!tpu.dma_semaphore, #tpu.memory_space<semaphore_mem>>
      %dma_start3A = arith.constant 96 : i32
      %dma_start3A_350 = tpu.memref_slice %arg19[%dma_start3A] : memref<128xi32, #tpu.memory_space<vmem>> -> memref<32xi32, #tpu.memory_space<vmem>>
      %dma_start3A_351 = tpu.memref_slice %arg9[%add3A_347] : memref<4096xi32, #tpu.memory_space<hbm>> -> memref<32xi32, #tpu.memory_space<hbm>>
      %dma_start3A_352 = tpu.memref_slice %arg9[%add3A_347] : memref<4096xi32, #tpu.memory_space<hbm>> -> memref<32xi32, #tpu.memory_space<hbm>>
      %dma_start3A_353 = arith.constant 96 : i32
      %dma_start3A_354 = tpu.memref_slice %arg19[%dma_start3A_353] : memref<128xi32, #tpu.memory_space<vmem>> -> memref<32xi32, #tpu.memory_space<vmem>>
      tpu.enqueue_dma source(%dma_start3A_354 : memref<32xi32, #tpu.memory_space<vmem>>) target(%dma_start3A_352 : memref<32xi32, #tpu.memory_space<hbm>>) target_semaphore(%run_scoped3A : memref<!tpu.dma_semaphore, #tpu.memory_space<semaphore_mem>>)
      %dma_wait3A = arith.constant 96 : i32
      %dma_wait3A_355 = tpu.memref_slice %arg19[%dma_wait3A] : memref<128xi32, #tpu.memory_space<vmem>> -> memref<32xi32, #tpu.memory_space<vmem>>
      %dma_wait3A_356 = tpu.memref_slice %arg9[%add3A_347] : memref<4096xi32, #tpu.memory_space<hbm>> -> memref<32xi32, #tpu.memory_space<hbm>>
      %dma_wait3A_357 = tpu.memref_slice %arg9[%add3A_347] : memref<4096xi32, #tpu.memory_space<hbm>> -> memref<32xi32, #tpu.memory_space<hbm>>
      %dma_wait3A_358 = arith.constant 96 : i32
      %dma_wait3A_359 = tpu.memref_slice %arg19[%dma_wait3A_358] : memref<128xi32, #tpu.memory_space<vmem>> -> memref<32xi32, #tpu.memory_space<vmem>>
      tpu.wait_dma2 semaphore(%run_scoped3A : memref<!tpu.dma_semaphore, #tpu.memory_space<semaphore_mem>>) src(%dma_wait3A_359 : memref<32xi32, #tpu.memory_space<vmem>>) dst(%dma_wait3A_357 : memref<32xi32, #tpu.memory_space<hbm>>)
      tpu.yield
    }) : () -> ()
    %add3A_348 = arith.constant 3072 : i32
    %add3A_349 = arith.addi %add3A_348, %mul3A_2 : i32
    "tpu.region"() ({
      %run_scoped3A = tpu.sem_alloc : memref<!tpu.dma_semaphore, #tpu.memory_space<semaphore_mem>>
      %dma_start3A = arith.constant 96 : i32
      %dma_start3A_350 = tpu.memref_slice %arg20[%dma_start3A] : memref<128xi32, #tpu.memory_space<vmem>> -> memref<32xi32, #tpu.memory_space<vmem>>
      %dma_start3A_351 = tpu.memref_slice %arg10[%add3A_349] : memref<4096xi32, #tpu.memory_space<hbm>> -> memref<32xi32, #tpu.memory_space<hbm>>
      %dma_start3A_352 = tpu.memref_slice %arg10[%add3A_349] : memref<4096xi32, #tpu.memory_space<hbm>> -> memref<32xi32, #tpu.memory_space<hbm>>
      %dma_start3A_353 = arith.constant 96 : i32
      %dma_start3A_354 = tpu.memref_slice %arg20[%dma_start3A_353] : memref<128xi32, #tpu.memory_space<vmem>> -> memref<32xi32, #tpu.memory_space<vmem>>
      tpu.enqueue_dma source(%dma_start3A_354 : memref<32xi32, #tpu.memory_space<vmem>>) target(%dma_start3A_352 : memref<32xi32, #tpu.memory_space<hbm>>) target_semaphore(%run_scoped3A : memref<!tpu.dma_semaphore, #tpu.memory_space<semaphore_mem>>)
      %dma_wait3A = arith.constant 96 : i32
      %dma_wait3A_355 = tpu.memref_slice %arg20[%dma_wait3A] : memref<128xi32, #tpu.memory_space<vmem>> -> memref<32xi32, #tpu.memory_space<vmem>>
      %dma_wait3A_356 = tpu.memref_slice %arg10[%add3A_349] : memref<4096xi32, #tpu.memory_space<hbm>> -> memref<32xi32, #tpu.memory_space<hbm>>
      %dma_wait3A_357 = tpu.memref_slice %arg10[%add3A_349] : memref<4096xi32, #tpu.memory_space<hbm>> -> memref<32xi32, #tpu.memory_space<hbm>>
      %dma_wait3A_358 = arith.constant 96 : i32
      %dma_wait3A_359 = tpu.memref_slice %arg20[%dma_wait3A_358] : memref<128xi32, #tpu.memory_space<vmem>> -> memref<32xi32, #tpu.memory_space<vmem>>
      tpu.wait_dma2 semaphore(%run_scoped3A : memref<!tpu.dma_semaphore, #tpu.memory_space<semaphore_mem>>) src(%dma_wait3A_359 : memref<32xi32, #tpu.memory_space<vmem>>) dst(%dma_wait3A_357 : memref<32xi32, #tpu.memory_space<hbm>>)
      tpu.yield
    }) : () -> ()
    "tpu.region"() ({
      %run_scoped3A = tpu.sem_alloc : memref<!tpu.dma_semaphore, #tpu.memory_space<semaphore_mem>>
      %dma_start3A = arith.constant 0 : i32
      %dma_start3A_350 = tpu.memref_slice %arg11[%mul3A_2, %dma_start3A] : memref<1024x16xi32, #tpu.memory_space<hbm>> -> memref<32x16xi32, #tpu.memory_space<hbm>>
      %dma_start3A_351 = arith.constant 0 : i32
      %dma_start3A_352 = tpu.memref_slice %arg11[%mul3A_2, %dma_start3A_351] : memref<1024x16xi32, #tpu.memory_space<hbm>> -> memref<32x16xi32, #tpu.memory_space<hbm>>
      tpu.enqueue_dma source(%arg21 : memref<32x16xi32, #tpu.memory_space<vmem>>) target(%dma_start3A_352 : memref<32x16xi32, #tpu.memory_space<hbm>>) target_semaphore(%run_scoped3A : memref<!tpu.dma_semaphore, #tpu.memory_space<semaphore_mem>>)
      %dma_wait3A = arith.constant 0 : i32
      %dma_wait3A_353 = tpu.memref_slice %arg11[%mul3A_2, %dma_wait3A] : memref<1024x16xi32, #tpu.memory_space<hbm>> -> memref<32x16xi32, #tpu.memory_space<hbm>>
      %dma_wait3A_354 = arith.constant 0 : i32
      %dma_wait3A_355 = tpu.memref_slice %arg11[%mul3A_2, %dma_wait3A_354] : memref<1024x16xi32, #tpu.memory_space<hbm>> -> memref<32x16xi32, #tpu.memory_space<hbm>>
      tpu.wait_dma2 semaphore(%run_scoped3A : memref<!tpu.dma_semaphore, #tpu.memory_space<semaphore_mem>>) src(%arg21 : memref<32x16xi32, #tpu.memory_space<vmem>>) dst(%dma_wait3A_355 : memref<32x16xi32, #tpu.memory_space<hbm>>)
      tpu.yield
    }) : () -> ()
    return
  }
}

#map = affine_map<(d0, d1) -> (0, 0)>
#map1 = affine_map<(d0, d1) -> (0)>
module attributes {stable_mosaic.version = 14 : i64} {
  func.func @sc_fetch(%arg0: i32, %arg1: i32, %arg2: memref<250000x128xi32, #tpu.memory_space<hbm>>, %arg3: memref<250x128xi32, #tpu.memory_space<hbm>>, %arg4: memref<1024xi32, #tpu.memory_space<hbm>>, %arg5: memref<1024xi32, #tpu.memory_space<hbm>>, %arg6: memref<1024xi32, #tpu.memory_space<hbm>>, %arg7: memref<4096xi32, #tpu.memory_space<hbm>>, %arg8: memref<4096xi32, #tpu.memory_space<hbm>>, %arg9: memref<1024x128xi32, #tpu.memory_space<hbm>>, %arg10: memref<1024x128xi32, #tpu.memory_space<hbm>>, %arg11: memref<1024x128xi32, #tpu.memory_space<hbm>>, %arg12: memref<4096x128xi32, #tpu.memory_space<hbm>>, %arg13: memref<4096x128xi32, #tpu.memory_space<hbm>>, %arg14: memref<32xi32, #tpu.memory_space<vmem>>, %arg15: memref<32xi32, #tpu.memory_space<vmem>>, %arg16: memref<32xi32, #tpu.memory_space<vmem>>, %arg17: memref<128xi32, #tpu.memory_space<vmem>>, %arg18: memref<128xi32, #tpu.memory_space<vmem>>, %arg19: memref<32x128xi32, #tpu.memory_space<vmem>>, %arg20: memref<32x128xi32, #tpu.memory_space<vmem>>, %arg21: memref<32x128xi32, #tpu.memory_space<vmem>>, %arg22: memref<128x128xi32, #tpu.memory_space<vmem>>, %arg23: memref<128x128xi32, #tpu.memory_space<vmem>>, %arg24: memref<!tpu.dma_semaphore, #tpu.memory_space<semaphore_mem>>) attributes {dimension_semantics = [#tpu.dimension_semantics<core_parallel>, #tpu.dimension_semantics<subcore_parallel>], iteration_bounds = array<i64: 2, 16>, scalar_prefetch = 0 : i64, scratch_operands = 11 : i64, tpu.core_type = #tpu.core_type<sc_vector_subcore>, window_params = [{transform_indices = #map}, {transform_indices = #map}, {transform_indices = #map1}, {transform_indices = #map1}, {transform_indices = #map1}, {transform_indices = #map1}, {transform_indices = #map1}, {transform_indices = #map}, {transform_indices = #map}, {transform_indices = #map}, {transform_indices = #map}, {transform_indices = #map}]} {
    %mul3A = arith.constant 2 : i32
    %mul3A_0 = arith.muli %arg1, %mul3A : i32
    %add3A = arith.addi %mul3A_0, %arg0 : i32
    %mul3A_1 = arith.constant 32 : i32
    %mul3A_2 = arith.muli %add3A, %mul3A_1 : i32
    "tpu.region"() ({
      %run_scoped3A = tpu.sem_alloc : memref<!tpu.dma_semaphore, #tpu.memory_space<semaphore_mem>>
      %dma_start3A_63 = tpu.memref_slice %arg4[%mul3A_2] : memref<1024xi32, #tpu.memory_space<hbm>> -> memref<32xi32, #tpu.memory_space<hbm>>
      %dma_start3A_64 = tpu.memref_slice %arg4[%mul3A_2] : memref<1024xi32, #tpu.memory_space<hbm>> -> memref<32xi32, #tpu.memory_space<hbm>>
      tpu.enqueue_dma source(%dma_start3A_64 : memref<32xi32, #tpu.memory_space<hbm>>) target(%arg14 : memref<32xi32, #tpu.memory_space<vmem>>) target_semaphore(%run_scoped3A : memref<!tpu.dma_semaphore, #tpu.memory_space<semaphore_mem>>)
      %dma_wait3A_65 = tpu.memref_slice %arg4[%mul3A_2] : memref<1024xi32, #tpu.memory_space<hbm>> -> memref<32xi32, #tpu.memory_space<hbm>>
      %dma_wait3A_66 = tpu.memref_slice %arg4[%mul3A_2] : memref<1024xi32, #tpu.memory_space<hbm>> -> memref<32xi32, #tpu.memory_space<hbm>>
      tpu.wait_dma2 semaphore(%run_scoped3A : memref<!tpu.dma_semaphore, #tpu.memory_space<semaphore_mem>>) src(%dma_wait3A_66 : memref<32xi32, #tpu.memory_space<hbm>>) dst(%arg14 : memref<32xi32, #tpu.memory_space<vmem>>)
      tpu.yield
    }) : () -> ()
    "tpu.region"() ({
      %run_scoped3A = tpu.sem_alloc : memref<!tpu.dma_semaphore, #tpu.memory_space<semaphore_mem>>
      %dma_start3A_63 = tpu.memref_slice %arg5[%mul3A_2] : memref<1024xi32, #tpu.memory_space<hbm>> -> memref<32xi32, #tpu.memory_space<hbm>>
      %dma_start3A_64 = tpu.memref_slice %arg5[%mul3A_2] : memref<1024xi32, #tpu.memory_space<hbm>> -> memref<32xi32, #tpu.memory_space<hbm>>
      tpu.enqueue_dma source(%dma_start3A_64 : memref<32xi32, #tpu.memory_space<hbm>>) target(%arg15 : memref<32xi32, #tpu.memory_space<vmem>>) target_semaphore(%run_scoped3A : memref<!tpu.dma_semaphore, #tpu.memory_space<semaphore_mem>>)
      %dma_wait3A_65 = tpu.memref_slice %arg5[%mul3A_2] : memref<1024xi32, #tpu.memory_space<hbm>> -> memref<32xi32, #tpu.memory_space<hbm>>
      %dma_wait3A_66 = tpu.memref_slice %arg5[%mul3A_2] : memref<1024xi32, #tpu.memory_space<hbm>> -> memref<32xi32, #tpu.memory_space<hbm>>
      tpu.wait_dma2 semaphore(%run_scoped3A : memref<!tpu.dma_semaphore, #tpu.memory_space<semaphore_mem>>) src(%dma_wait3A_66 : memref<32xi32, #tpu.memory_space<hbm>>) dst(%arg15 : memref<32xi32, #tpu.memory_space<vmem>>)
      tpu.yield
    }) : () -> ()
    "tpu.region"() ({
      %run_scoped3A = tpu.sem_alloc : memref<!tpu.dma_semaphore, #tpu.memory_space<semaphore_mem>>
      %dma_start3A_63 = tpu.memref_slice %arg6[%mul3A_2] : memref<1024xi32, #tpu.memory_space<hbm>> -> memref<32xi32, #tpu.memory_space<hbm>>
      %dma_start3A_64 = tpu.memref_slice %arg6[%mul3A_2] : memref<1024xi32, #tpu.memory_space<hbm>> -> memref<32xi32, #tpu.memory_space<hbm>>
      tpu.enqueue_dma source(%dma_start3A_64 : memref<32xi32, #tpu.memory_space<hbm>>) target(%arg16 : memref<32xi32, #tpu.memory_space<vmem>>) target_semaphore(%run_scoped3A : memref<!tpu.dma_semaphore, #tpu.memory_space<semaphore_mem>>)
      %dma_wait3A_65 = tpu.memref_slice %arg6[%mul3A_2] : memref<1024xi32, #tpu.memory_space<hbm>> -> memref<32xi32, #tpu.memory_space<hbm>>
      %dma_wait3A_66 = tpu.memref_slice %arg6[%mul3A_2] : memref<1024xi32, #tpu.memory_space<hbm>> -> memref<32xi32, #tpu.memory_space<hbm>>
      tpu.wait_dma2 semaphore(%run_scoped3A : memref<!tpu.dma_semaphore, #tpu.memory_space<semaphore_mem>>) src(%dma_wait3A_66 : memref<32xi32, #tpu.memory_space<hbm>>) dst(%arg16 : memref<32xi32, #tpu.memory_space<vmem>>)
      tpu.yield
    }) : () -> ()
    %add3A_3 = arith.constant 0 : i32
    %add3A_4 = arith.addi %add3A_3, %mul3A_2 : i32
    "tpu.region"() ({
      %run_scoped3A = tpu.sem_alloc : memref<!tpu.dma_semaphore, #tpu.memory_space<semaphore_mem>>
      %dma_start3A_63 = arith.constant 0 : i32
      %dma_start3A_64 = tpu.memref_slice %arg17[%dma_start3A_63] : memref<128xi32, #tpu.memory_space<vmem>> -> memref<32xi32, #tpu.memory_space<vmem>>
      %dma_start3A_65 = tpu.memref_slice %arg7[%add3A_4] : memref<4096xi32, #tpu.memory_space<hbm>> -> memref<32xi32, #tpu.memory_space<hbm>>
      %dma_start3A_66 = arith.constant 0 : i32
      %dma_start3A_67 = tpu.memref_slice %arg17[%dma_start3A_66] : memref<128xi32, #tpu.memory_space<vmem>> -> memref<32xi32, #tpu.memory_space<vmem>>
      %dma_start3A_68 = tpu.memref_slice %arg7[%add3A_4] : memref<4096xi32, #tpu.memory_space<hbm>> -> memref<32xi32, #tpu.memory_space<hbm>>
      tpu.enqueue_dma source(%dma_start3A_68 : memref<32xi32, #tpu.memory_space<hbm>>) target(%dma_start3A_67 : memref<32xi32, #tpu.memory_space<vmem>>) target_semaphore(%run_scoped3A : memref<!tpu.dma_semaphore, #tpu.memory_space<semaphore_mem>>)
      %dma_wait3A_69 = arith.constant 0 : i32
      %dma_wait3A_70 = tpu.memref_slice %arg17[%dma_wait3A_69] : memref<128xi32, #tpu.memory_space<vmem>> -> memref<32xi32, #tpu.memory_space<vmem>>
      %dma_wait3A_71 = tpu.memref_slice %arg7[%add3A_4] : memref<4096xi32, #tpu.memory_space<hbm>> -> memref<32xi32, #tpu.memory_space<hbm>>
      %dma_wait3A_72 = arith.constant 0 : i32
      %dma_wait3A_73 = tpu.memref_slice %arg17[%dma_wait3A_72] : memref<128xi32, #tpu.memory_space<vmem>> -> memref<32xi32, #tpu.memory_space<vmem>>
      %dma_wait3A_74 = tpu.memref_slice %arg7[%add3A_4] : memref<4096xi32, #tpu.memory_space<hbm>> -> memref<32xi32, #tpu.memory_space<hbm>>
      tpu.wait_dma2 semaphore(%run_scoped3A : memref<!tpu.dma_semaphore, #tpu.memory_space<semaphore_mem>>) src(%dma_wait3A_74 : memref<32xi32, #tpu.memory_space<hbm>>) dst(%dma_wait3A_73 : memref<32xi32, #tpu.memory_space<vmem>>)
      tpu.yield
    }) : () -> ()
    %add3A_5 = arith.constant 0 : i32
    %add3A_6 = arith.addi %add3A_5, %mul3A_2 : i32
    "tpu.region"() ({
      %run_scoped3A = tpu.sem_alloc : memref<!tpu.dma_semaphore, #tpu.memory_space<semaphore_mem>>
      %dma_start3A_63 = arith.constant 0 : i32
      %dma_start3A_64 = tpu.memref_slice %arg18[%dma_start3A_63] : memref<128xi32, #tpu.memory_space<vmem>> -> memref<32xi32, #tpu.memory_space<vmem>>
      %dma_start3A_65 = tpu.memref_slice %arg8[%add3A_6] : memref<4096xi32, #tpu.memory_space<hbm>> -> memref<32xi32, #tpu.memory_space<hbm>>
      %dma_start3A_66 = arith.constant 0 : i32
      %dma_start3A_67 = tpu.memref_slice %arg18[%dma_start3A_66] : memref<128xi32, #tpu.memory_space<vmem>> -> memref<32xi32, #tpu.memory_space<vmem>>
      %dma_start3A_68 = tpu.memref_slice %arg8[%add3A_6] : memref<4096xi32, #tpu.memory_space<hbm>> -> memref<32xi32, #tpu.memory_space<hbm>>
      tpu.enqueue_dma source(%dma_start3A_68 : memref<32xi32, #tpu.memory_space<hbm>>) target(%dma_start3A_67 : memref<32xi32, #tpu.memory_space<vmem>>) target_semaphore(%run_scoped3A : memref<!tpu.dma_semaphore, #tpu.memory_space<semaphore_mem>>)
      %dma_wait3A_69 = arith.constant 0 : i32
      %dma_wait3A_70 = tpu.memref_slice %arg18[%dma_wait3A_69] : memref<128xi32, #tpu.memory_space<vmem>> -> memref<32xi32, #tpu.memory_space<vmem>>
      %dma_wait3A_71 = tpu.memref_slice %arg8[%add3A_6] : memref<4096xi32, #tpu.memory_space<hbm>> -> memref<32xi32, #tpu.memory_space<hbm>>
      %dma_wait3A_72 = arith.constant 0 : i32
      %dma_wait3A_73 = tpu.memref_slice %arg18[%dma_wait3A_72] : memref<128xi32, #tpu.memory_space<vmem>> -> memref<32xi32, #tpu.memory_space<vmem>>
      %dma_wait3A_74 = tpu.memref_slice %arg8[%add3A_6] : memref<4096xi32, #tpu.memory_space<hbm>> -> memref<32xi32, #tpu.memory_space<hbm>>
      tpu.wait_dma2 semaphore(%run_scoped3A : memref<!tpu.dma_semaphore, #tpu.memory_space<semaphore_mem>>) src(%dma_wait3A_74 : memref<32xi32, #tpu.memory_space<hbm>>) dst(%dma_wait3A_73 : memref<32xi32, #tpu.memory_space<vmem>>)
      tpu.yield
    }) : () -> ()
    %add3A_7 = arith.constant 1024 : i32
    %add3A_8 = arith.addi %add3A_7, %mul3A_2 : i32
    "tpu.region"() ({
      %run_scoped3A = tpu.sem_alloc : memref<!tpu.dma_semaphore, #tpu.memory_space<semaphore_mem>>
      %dma_start3A_63 = arith.constant 32 : i32
      %dma_start3A_64 = tpu.memref_slice %arg17[%dma_start3A_63] : memref<128xi32, #tpu.memory_space<vmem>> -> memref<32xi32, #tpu.memory_space<vmem>>
      %dma_start3A_65 = tpu.memref_slice %arg7[%add3A_8] : memref<4096xi32, #tpu.memory_space<hbm>> -> memref<32xi32, #tpu.memory_space<hbm>>
      %dma_start3A_66 = arith.constant 32 : i32
      %dma_start3A_67 = tpu.memref_slice %arg17[%dma_start3A_66] : memref<128xi32, #tpu.memory_space<vmem>> -> memref<32xi32, #tpu.memory_space<vmem>>
      %dma_start3A_68 = tpu.memref_slice %arg7[%add3A_8] : memref<4096xi32, #tpu.memory_space<hbm>> -> memref<32xi32, #tpu.memory_space<hbm>>
      tpu.enqueue_dma source(%dma_start3A_68 : memref<32xi32, #tpu.memory_space<hbm>>) target(%dma_start3A_67 : memref<32xi32, #tpu.memory_space<vmem>>) target_semaphore(%run_scoped3A : memref<!tpu.dma_semaphore, #tpu.memory_space<semaphore_mem>>)
      %dma_wait3A_69 = arith.constant 32 : i32
      %dma_wait3A_70 = tpu.memref_slice %arg17[%dma_wait3A_69] : memref<128xi32, #tpu.memory_space<vmem>> -> memref<32xi32, #tpu.memory_space<vmem>>
      %dma_wait3A_71 = tpu.memref_slice %arg7[%add3A_8] : memref<4096xi32, #tpu.memory_space<hbm>> -> memref<32xi32, #tpu.memory_space<hbm>>
      %dma_wait3A_72 = arith.constant 32 : i32
      %dma_wait3A_73 = tpu.memref_slice %arg17[%dma_wait3A_72] : memref<128xi32, #tpu.memory_space<vmem>> -> memref<32xi32, #tpu.memory_space<vmem>>
      %dma_wait3A_74 = tpu.memref_slice %arg7[%add3A_8] : memref<4096xi32, #tpu.memory_space<hbm>> -> memref<32xi32, #tpu.memory_space<hbm>>
      tpu.wait_dma2 semaphore(%run_scoped3A : memref<!tpu.dma_semaphore, #tpu.memory_space<semaphore_mem>>) src(%dma_wait3A_74 : memref<32xi32, #tpu.memory_space<hbm>>) dst(%dma_wait3A_73 : memref<32xi32, #tpu.memory_space<vmem>>)
      tpu.yield
    }) : () -> ()
    %add3A_9 = arith.constant 1024 : i32
    %add3A_10 = arith.addi %add3A_9, %mul3A_2 : i32
    "tpu.region"() ({
      %run_scoped3A = tpu.sem_alloc : memref<!tpu.dma_semaphore, #tpu.memory_space<semaphore_mem>>
      %dma_start3A_63 = arith.constant 32 : i32
      %dma_start3A_64 = tpu.memref_slice %arg18[%dma_start3A_63] : memref<128xi32, #tpu.memory_space<vmem>> -> memref<32xi32, #tpu.memory_space<vmem>>
      %dma_start3A_65 = tpu.memref_slice %arg8[%add3A_10] : memref<4096xi32, #tpu.memory_space<hbm>> -> memref<32xi32, #tpu.memory_space<hbm>>
      %dma_start3A_66 = arith.constant 32 : i32
      %dma_start3A_67 = tpu.memref_slice %arg18[%dma_start3A_66] : memref<128xi32, #tpu.memory_space<vmem>> -> memref<32xi32, #tpu.memory_space<vmem>>
      %dma_start3A_68 = tpu.memref_slice %arg8[%add3A_10] : memref<4096xi32, #tpu.memory_space<hbm>> -> memref<32xi32, #tpu.memory_space<hbm>>
      tpu.enqueue_dma source(%dma_start3A_68 : memref<32xi32, #tpu.memory_space<hbm>>) target(%dma_start3A_67 : memref<32xi32, #tpu.memory_space<vmem>>) target_semaphore(%run_scoped3A : memref<!tpu.dma_semaphore, #tpu.memory_space<semaphore_mem>>)
      %dma_wait3A_69 = arith.constant 32 : i32
      %dma_wait3A_70 = tpu.memref_slice %arg18[%dma_wait3A_69] : memref<128xi32, #tpu.memory_space<vmem>> -> memref<32xi32, #tpu.memory_space<vmem>>
      %dma_wait3A_71 = tpu.memref_slice %arg8[%add3A_10] : memref<4096xi32, #tpu.memory_space<hbm>> -> memref<32xi32, #tpu.memory_space<hbm>>
      %dma_wait3A_72 = arith.constant 32 : i32
      %dma_wait3A_73 = tpu.memref_slice %arg18[%dma_wait3A_72] : memref<128xi32, #tpu.memory_space<vmem>> -> memref<32xi32, #tpu.memory_space<vmem>>
      %dma_wait3A_74 = tpu.memref_slice %arg8[%add3A_10] : memref<4096xi32, #tpu.memory_space<hbm>> -> memref<32xi32, #tpu.memory_space<hbm>>
      tpu.wait_dma2 semaphore(%run_scoped3A : memref<!tpu.dma_semaphore, #tpu.memory_space<semaphore_mem>>) src(%dma_wait3A_74 : memref<32xi32, #tpu.memory_space<hbm>>) dst(%dma_wait3A_73 : memref<32xi32, #tpu.memory_space<vmem>>)
      tpu.yield
    }) : () -> ()
    %add3A_11 = arith.constant 2048 : i32
    %add3A_12 = arith.addi %add3A_11, %mul3A_2 : i32
    "tpu.region"() ({
      %run_scoped3A = tpu.sem_alloc : memref<!tpu.dma_semaphore, #tpu.memory_space<semaphore_mem>>
      %dma_start3A_63 = arith.constant 64 : i32
      %dma_start3A_64 = tpu.memref_slice %arg17[%dma_start3A_63] : memref<128xi32, #tpu.memory_space<vmem>> -> memref<32xi32, #tpu.memory_space<vmem>>
      %dma_start3A_65 = tpu.memref_slice %arg7[%add3A_12] : memref<4096xi32, #tpu.memory_space<hbm>> -> memref<32xi32, #tpu.memory_space<hbm>>
      %dma_start3A_66 = arith.constant 64 : i32
      %dma_start3A_67 = tpu.memref_slice %arg17[%dma_start3A_66] : memref<128xi32, #tpu.memory_space<vmem>> -> memref<32xi32, #tpu.memory_space<vmem>>
      %dma_start3A_68 = tpu.memref_slice %arg7[%add3A_12] : memref<4096xi32, #tpu.memory_space<hbm>> -> memref<32xi32, #tpu.memory_space<hbm>>
      tpu.enqueue_dma source(%dma_start3A_68 : memref<32xi32, #tpu.memory_space<hbm>>) target(%dma_start3A_67 : memref<32xi32, #tpu.memory_space<vmem>>) target_semaphore(%run_scoped3A : memref<!tpu.dma_semaphore, #tpu.memory_space<semaphore_mem>>)
      %dma_wait3A_69 = arith.constant 64 : i32
      %dma_wait3A_70 = tpu.memref_slice %arg17[%dma_wait3A_69] : memref<128xi32, #tpu.memory_space<vmem>> -> memref<32xi32, #tpu.memory_space<vmem>>
      %dma_wait3A_71 = tpu.memref_slice %arg7[%add3A_12] : memref<4096xi32, #tpu.memory_space<hbm>> -> memref<32xi32, #tpu.memory_space<hbm>>
      %dma_wait3A_72 = arith.constant 64 : i32
      %dma_wait3A_73 = tpu.memref_slice %arg17[%dma_wait3A_72] : memref<128xi32, #tpu.memory_space<vmem>> -> memref<32xi32, #tpu.memory_space<vmem>>
      %dma_wait3A_74 = tpu.memref_slice %arg7[%add3A_12] : memref<4096xi32, #tpu.memory_space<hbm>> -> memref<32xi32, #tpu.memory_space<hbm>>
      tpu.wait_dma2 semaphore(%run_scoped3A : memref<!tpu.dma_semaphore, #tpu.memory_space<semaphore_mem>>) src(%dma_wait3A_74 : memref<32xi32, #tpu.memory_space<hbm>>) dst(%dma_wait3A_73 : memref<32xi32, #tpu.memory_space<vmem>>)
      tpu.yield
    }) : () -> ()
    %add3A_13 = arith.constant 2048 : i32
    %add3A_14 = arith.addi %add3A_13, %mul3A_2 : i32
    "tpu.region"() ({
      %run_scoped3A = tpu.sem_alloc : memref<!tpu.dma_semaphore, #tpu.memory_space<semaphore_mem>>
      %dma_start3A_63 = arith.constant 64 : i32
      %dma_start3A_64 = tpu.memref_slice %arg18[%dma_start3A_63] : memref<128xi32, #tpu.memory_space<vmem>> -> memref<32xi32, #tpu.memory_space<vmem>>
      %dma_start3A_65 = tpu.memref_slice %arg8[%add3A_14] : memref<4096xi32, #tpu.memory_space<hbm>> -> memref<32xi32, #tpu.memory_space<hbm>>
      %dma_start3A_66 = arith.constant 64 : i32
      %dma_start3A_67 = tpu.memref_slice %arg18[%dma_start3A_66] : memref<128xi32, #tpu.memory_space<vmem>> -> memref<32xi32, #tpu.memory_space<vmem>>
      %dma_start3A_68 = tpu.memref_slice %arg8[%add3A_14] : memref<4096xi32, #tpu.memory_space<hbm>> -> memref<32xi32, #tpu.memory_space<hbm>>
      tpu.enqueue_dma source(%dma_start3A_68 : memref<32xi32, #tpu.memory_space<hbm>>) target(%dma_start3A_67 : memref<32xi32, #tpu.memory_space<vmem>>) target_semaphore(%run_scoped3A : memref<!tpu.dma_semaphore, #tpu.memory_space<semaphore_mem>>)
      %dma_wait3A_69 = arith.constant 64 : i32
      %dma_wait3A_70 = tpu.memref_slice %arg18[%dma_wait3A_69] : memref<128xi32, #tpu.memory_space<vmem>> -> memref<32xi32, #tpu.memory_space<vmem>>
      %dma_wait3A_71 = tpu.memref_slice %arg8[%add3A_14] : memref<4096xi32, #tpu.memory_space<hbm>> -> memref<32xi32, #tpu.memory_space<hbm>>
      %dma_wait3A_72 = arith.constant 64 : i32
      %dma_wait3A_73 = tpu.memref_slice %arg18[%dma_wait3A_72] : memref<128xi32, #tpu.memory_space<vmem>> -> memref<32xi32, #tpu.memory_space<vmem>>
      %dma_wait3A_74 = tpu.memref_slice %arg8[%add3A_14] : memref<4096xi32, #tpu.memory_space<hbm>> -> memref<32xi32, #tpu.memory_space<hbm>>
      tpu.wait_dma2 semaphore(%run_scoped3A : memref<!tpu.dma_semaphore, #tpu.memory_space<semaphore_mem>>) src(%dma_wait3A_74 : memref<32xi32, #tpu.memory_space<hbm>>) dst(%dma_wait3A_73 : memref<32xi32, #tpu.memory_space<vmem>>)
      tpu.yield
    }) : () -> ()
    %add3A_15 = arith.constant 3072 : i32
    %add3A_16 = arith.addi %add3A_15, %mul3A_2 : i32
    "tpu.region"() ({
      %run_scoped3A = tpu.sem_alloc : memref<!tpu.dma_semaphore, #tpu.memory_space<semaphore_mem>>
      %dma_start3A_63 = arith.constant 96 : i32
      %dma_start3A_64 = tpu.memref_slice %arg17[%dma_start3A_63] : memref<128xi32, #tpu.memory_space<vmem>> -> memref<32xi32, #tpu.memory_space<vmem>>
      %dma_start3A_65 = tpu.memref_slice %arg7[%add3A_16] : memref<4096xi32, #tpu.memory_space<hbm>> -> memref<32xi32, #tpu.memory_space<hbm>>
      %dma_start3A_66 = arith.constant 96 : i32
      %dma_start3A_67 = tpu.memref_slice %arg17[%dma_start3A_66] : memref<128xi32, #tpu.memory_space<vmem>> -> memref<32xi32, #tpu.memory_space<vmem>>
      %dma_start3A_68 = tpu.memref_slice %arg7[%add3A_16] : memref<4096xi32, #tpu.memory_space<hbm>> -> memref<32xi32, #tpu.memory_space<hbm>>
      tpu.enqueue_dma source(%dma_start3A_68 : memref<32xi32, #tpu.memory_space<hbm>>) target(%dma_start3A_67 : memref<32xi32, #tpu.memory_space<vmem>>) target_semaphore(%run_scoped3A : memref<!tpu.dma_semaphore, #tpu.memory_space<semaphore_mem>>)
      %dma_wait3A_69 = arith.constant 96 : i32
      %dma_wait3A_70 = tpu.memref_slice %arg17[%dma_wait3A_69] : memref<128xi32, #tpu.memory_space<vmem>> -> memref<32xi32, #tpu.memory_space<vmem>>
      %dma_wait3A_71 = tpu.memref_slice %arg7[%add3A_16] : memref<4096xi32, #tpu.memory_space<hbm>> -> memref<32xi32, #tpu.memory_space<hbm>>
      %dma_wait3A_72 = arith.constant 96 : i32
      %dma_wait3A_73 = tpu.memref_slice %arg17[%dma_wait3A_72] : memref<128xi32, #tpu.memory_space<vmem>> -> memref<32xi32, #tpu.memory_space<vmem>>
      %dma_wait3A_74 = tpu.memref_slice %arg7[%add3A_16] : memref<4096xi32, #tpu.memory_space<hbm>> -> memref<32xi32, #tpu.memory_space<hbm>>
      tpu.wait_dma2 semaphore(%run_scoped3A : memref<!tpu.dma_semaphore, #tpu.memory_space<semaphore_mem>>) src(%dma_wait3A_74 : memref<32xi32, #tpu.memory_space<hbm>>) dst(%dma_wait3A_73 : memref<32xi32, #tpu.memory_space<vmem>>)
      tpu.yield
    }) : () -> ()
    %add3A_17 = arith.constant 3072 : i32
    %add3A_18 = arith.addi %add3A_17, %mul3A_2 : i32
    "tpu.region"() ({
      %run_scoped3A = tpu.sem_alloc : memref<!tpu.dma_semaphore, #tpu.memory_space<semaphore_mem>>
      %dma_start3A_63 = arith.constant 96 : i32
      %dma_start3A_64 = tpu.memref_slice %arg18[%dma_start3A_63] : memref<128xi32, #tpu.memory_space<vmem>> -> memref<32xi32, #tpu.memory_space<vmem>>
      %dma_start3A_65 = tpu.memref_slice %arg8[%add3A_18] : memref<4096xi32, #tpu.memory_space<hbm>> -> memref<32xi32, #tpu.memory_space<hbm>>
      %dma_start3A_66 = arith.constant 96 : i32
      %dma_start3A_67 = tpu.memref_slice %arg18[%dma_start3A_66] : memref<128xi32, #tpu.memory_space<vmem>> -> memref<32xi32, #tpu.memory_space<vmem>>
      %dma_start3A_68 = tpu.memref_slice %arg8[%add3A_18] : memref<4096xi32, #tpu.memory_space<hbm>> -> memref<32xi32, #tpu.memory_space<hbm>>
      tpu.enqueue_dma source(%dma_start3A_68 : memref<32xi32, #tpu.memory_space<hbm>>) target(%dma_start3A_67 : memref<32xi32, #tpu.memory_space<vmem>>) target_semaphore(%run_scoped3A : memref<!tpu.dma_semaphore, #tpu.memory_space<semaphore_mem>>)
      %dma_wait3A_69 = arith.constant 96 : i32
      %dma_wait3A_70 = tpu.memref_slice %arg18[%dma_wait3A_69] : memref<128xi32, #tpu.memory_space<vmem>> -> memref<32xi32, #tpu.memory_space<vmem>>
      %dma_wait3A_71 = tpu.memref_slice %arg8[%add3A_18] : memref<4096xi32, #tpu.memory_space<hbm>> -> memref<32xi32, #tpu.memory_space<hbm>>
      %dma_wait3A_72 = arith.constant 96 : i32
      %dma_wait3A_73 = tpu.memref_slice %arg18[%dma_wait3A_72] : memref<128xi32, #tpu.memory_space<vmem>> -> memref<32xi32, #tpu.memory_space<vmem>>
      %dma_wait3A_74 = tpu.memref_slice %arg8[%add3A_18] : memref<4096xi32, #tpu.memory_space<hbm>> -> memref<32xi32, #tpu.memory_space<hbm>>
      tpu.wait_dma2 semaphore(%run_scoped3A : memref<!tpu.dma_semaphore, #tpu.memory_space<semaphore_mem>>) src(%dma_wait3A_74 : memref<32xi32, #tpu.memory_space<hbm>>) dst(%dma_wait3A_73 : memref<32xi32, #tpu.memory_space<vmem>>)
      tpu.yield
    }) : () -> ()
    %dma_start3A = arith.constant 0 : i32
    %dma_start3A_19 = arith.constant 0 : i32
    %dma_start3A_20 = tpu.memref_slice %arg2[%dma_start3A, %dma_start3A_19] : memref<250000x128xi32, #tpu.memory_space<hbm>> -> memref<250000x128xi32, #tpu.memory_space<hbm>>
    tpu.enqueue_indirect_dma source(%dma_start3A_20 : memref<250000x128xi32, #tpu.memory_space<hbm>>) target(%arg19 : memref<32x128xi32, #tpu.memory_space<vmem>>) offsets(%arg14 : memref<32xi32, #tpu.memory_space<vmem>>) semaphore(%arg24 : memref<!tpu.dma_semaphore, #tpu.memory_space<semaphore_mem>>)
    %dma_start3A_21 = arith.constant 0 : i32
    %dma_start3A_22 = arith.constant 0 : i32
    %dma_start3A_23 = tpu.memref_slice %arg3[%dma_start3A_21, %dma_start3A_22] : memref<250x128xi32, #tpu.memory_space<hbm>> -> memref<250x128xi32, #tpu.memory_space<hbm>>
    tpu.enqueue_indirect_dma source(%dma_start3A_23 : memref<250x128xi32, #tpu.memory_space<hbm>>) target(%arg20 : memref<32x128xi32, #tpu.memory_space<vmem>>) offsets(%arg15 : memref<32xi32, #tpu.memory_space<vmem>>) semaphore(%arg24 : memref<!tpu.dma_semaphore, #tpu.memory_space<semaphore_mem>>)
    %dma_start3A_24 = arith.constant 0 : i32
    %dma_start3A_25 = arith.constant 0 : i32
    %dma_start3A_26 = tpu.memref_slice %arg2[%dma_start3A_24, %dma_start3A_25] : memref<250000x128xi32, #tpu.memory_space<hbm>> -> memref<250000x128xi32, #tpu.memory_space<hbm>>
    tpu.enqueue_indirect_dma source(%dma_start3A_26 : memref<250000x128xi32, #tpu.memory_space<hbm>>) target(%arg21 : memref<32x128xi32, #tpu.memory_space<vmem>>) offsets(%arg16 : memref<32xi32, #tpu.memory_space<vmem>>) semaphore(%arg24 : memref<!tpu.dma_semaphore, #tpu.memory_space<semaphore_mem>>)
    %dma_start3A_27 = arith.constant 0 : i32
    %dma_start3A_28 = arith.constant 0 : i32
    %dma_start3A_29 = tpu.memref_slice %arg2[%dma_start3A_27, %dma_start3A_28] : memref<250000x128xi32, #tpu.memory_space<hbm>> -> memref<250000x128xi32, #tpu.memory_space<hbm>>
    tpu.enqueue_indirect_dma source(%dma_start3A_29 : memref<250000x128xi32, #tpu.memory_space<hbm>>) target(%arg22 : memref<128x128xi32, #tpu.memory_space<vmem>>) offsets(%arg17 : memref<128xi32, #tpu.memory_space<vmem>>) semaphore(%arg24 : memref<!tpu.dma_semaphore, #tpu.memory_space<semaphore_mem>>)
    %dma_start3A_30 = arith.constant 0 : i32
    %dma_start3A_31 = arith.constant 0 : i32
    %dma_start3A_32 = tpu.memref_slice %arg2[%dma_start3A_30, %dma_start3A_31] : memref<250000x128xi32, #tpu.memory_space<hbm>> -> memref<250000x128xi32, #tpu.memory_space<hbm>>
    tpu.enqueue_indirect_dma source(%dma_start3A_32 : memref<250000x128xi32, #tpu.memory_space<hbm>>) target(%arg23 : memref<128x128xi32, #tpu.memory_space<vmem>>) offsets(%arg18 : memref<128xi32, #tpu.memory_space<vmem>>) semaphore(%arg24 : memref<!tpu.dma_semaphore, #tpu.memory_space<semaphore_mem>>)
    %dma_wait3A = arith.constant 0 : i32
    %dma_wait3A_33 = arith.constant 0 : i32
    %dma_wait3A_34 = tpu.memref_slice %arg2[%dma_wait3A, %dma_wait3A_33] : memref<250000x128xi32, #tpu.memory_space<hbm>> -> memref<250000x128xi32, #tpu.memory_space<hbm>>
    tpu.wait_indirect_dma semaphore(%arg24 : memref<!tpu.dma_semaphore, #tpu.memory_space<semaphore_mem>>) src(%dma_wait3A_34 : memref<250000x128xi32, #tpu.memory_space<hbm>>) dst(%arg19 : memref<32x128xi32, #tpu.memory_space<vmem>>)
    %dma_wait3A_35 = arith.constant 0 : i32
    %dma_wait3A_36 = arith.constant 0 : i32
    %dma_wait3A_37 = tpu.memref_slice %arg3[%dma_wait3A_35, %dma_wait3A_36] : memref<250x128xi32, #tpu.memory_space<hbm>> -> memref<250x128xi32, #tpu.memory_space<hbm>>
    tpu.wait_indirect_dma semaphore(%arg24 : memref<!tpu.dma_semaphore, #tpu.memory_space<semaphore_mem>>) src(%dma_wait3A_37 : memref<250x128xi32, #tpu.memory_space<hbm>>) dst(%arg20 : memref<32x128xi32, #tpu.memory_space<vmem>>)
    %dma_wait3A_38 = arith.constant 0 : i32
    %dma_wait3A_39 = arith.constant 0 : i32
    %dma_wait3A_40 = tpu.memref_slice %arg2[%dma_wait3A_38, %dma_wait3A_39] : memref<250000x128xi32, #tpu.memory_space<hbm>> -> memref<250000x128xi32, #tpu.memory_space<hbm>>
    tpu.wait_indirect_dma semaphore(%arg24 : memref<!tpu.dma_semaphore, #tpu.memory_space<semaphore_mem>>) src(%dma_wait3A_40 : memref<250000x128xi32, #tpu.memory_space<hbm>>) dst(%arg21 : memref<32x128xi32, #tpu.memory_space<vmem>>)
    %dma_wait3A_41 = arith.constant 0 : i32
    %dma_wait3A_42 = arith.constant 0 : i32
    %dma_wait3A_43 = tpu.memref_slice %arg2[%dma_wait3A_41, %dma_wait3A_42] : memref<250000x128xi32, #tpu.memory_space<hbm>> -> memref<250000x128xi32, #tpu.memory_space<hbm>>
    tpu.wait_indirect_dma semaphore(%arg24 : memref<!tpu.dma_semaphore, #tpu.memory_space<semaphore_mem>>) src(%dma_wait3A_43 : memref<250000x128xi32, #tpu.memory_space<hbm>>) dst(%arg22 : memref<128x128xi32, #tpu.memory_space<vmem>>)
    %dma_wait3A_44 = arith.constant 0 : i32
    %dma_wait3A_45 = arith.constant 0 : i32
    %dma_wait3A_46 = tpu.memref_slice %arg2[%dma_wait3A_44, %dma_wait3A_45] : memref<250000x128xi32, #tpu.memory_space<hbm>> -> memref<250000x128xi32, #tpu.memory_space<hbm>>
    tpu.wait_indirect_dma semaphore(%arg24 : memref<!tpu.dma_semaphore, #tpu.memory_space<semaphore_mem>>) src(%dma_wait3A_46 : memref<250000x128xi32, #tpu.memory_space<hbm>>) dst(%arg23 : memref<128x128xi32, #tpu.memory_space<vmem>>)
    "tpu.region"() ({
      %run_scoped3A = tpu.sem_alloc : memref<!tpu.dma_semaphore, #tpu.memory_space<semaphore_mem>>
      %dma_start3A_63 = arith.constant 0 : i32
      %dma_start3A_64 = tpu.memref_slice %arg9[%mul3A_2, %dma_start3A_63] : memref<1024x128xi32, #tpu.memory_space<hbm>> -> memref<32x128xi32, #tpu.memory_space<hbm>>
      %dma_start3A_65 = arith.constant 0 : i32
      %dma_start3A_66 = tpu.memref_slice %arg9[%mul3A_2, %dma_start3A_65] : memref<1024x128xi32, #tpu.memory_space<hbm>> -> memref<32x128xi32, #tpu.memory_space<hbm>>
      tpu.enqueue_dma source(%arg19 : memref<32x128xi32, #tpu.memory_space<vmem>>) target(%dma_start3A_66 : memref<32x128xi32, #tpu.memory_space<hbm>>) target_semaphore(%run_scoped3A : memref<!tpu.dma_semaphore, #tpu.memory_space<semaphore_mem>>)
      %dma_wait3A_67 = arith.constant 0 : i32
      %dma_wait3A_68 = tpu.memref_slice %arg9[%mul3A_2, %dma_wait3A_67] : memref<1024x128xi32, #tpu.memory_space<hbm>> -> memref<32x128xi32, #tpu.memory_space<hbm>>
      %dma_wait3A_69 = arith.constant 0 : i32
      %dma_wait3A_70 = tpu.memref_slice %arg9[%mul3A_2, %dma_wait3A_69] : memref<1024x128xi32, #tpu.memory_space<hbm>> -> memref<32x128xi32, #tpu.memory_space<hbm>>
      tpu.wait_dma2 semaphore(%run_scoped3A : memref<!tpu.dma_semaphore, #tpu.memory_space<semaphore_mem>>) src(%arg19 : memref<32x128xi32, #tpu.memory_space<vmem>>) dst(%dma_wait3A_70 : memref<32x128xi32, #tpu.memory_space<hbm>>)
      tpu.yield
    }) : () -> ()
    "tpu.region"() ({
      %run_scoped3A = tpu.sem_alloc : memref<!tpu.dma_semaphore, #tpu.memory_space<semaphore_mem>>
      %dma_start3A_63 = arith.constant 0 : i32
      %dma_start3A_64 = tpu.memref_slice %arg10[%mul3A_2, %dma_start3A_63] : memref<1024x128xi32, #tpu.memory_space<hbm>> -> memref<32x128xi32, #tpu.memory_space<hbm>>
      %dma_start3A_65 = arith.constant 0 : i32
      %dma_start3A_66 = tpu.memref_slice %arg10[%mul3A_2, %dma_start3A_65] : memref<1024x128xi32, #tpu.memory_space<hbm>> -> memref<32x128xi32, #tpu.memory_space<hbm>>
      tpu.enqueue_dma source(%arg20 : memref<32x128xi32, #tpu.memory_space<vmem>>) target(%dma_start3A_66 : memref<32x128xi32, #tpu.memory_space<hbm>>) target_semaphore(%run_scoped3A : memref<!tpu.dma_semaphore, #tpu.memory_space<semaphore_mem>>)
      %dma_wait3A_67 = arith.constant 0 : i32
      %dma_wait3A_68 = tpu.memref_slice %arg10[%mul3A_2, %dma_wait3A_67] : memref<1024x128xi32, #tpu.memory_space<hbm>> -> memref<32x128xi32, #tpu.memory_space<hbm>>
      %dma_wait3A_69 = arith.constant 0 : i32
      %dma_wait3A_70 = tpu.memref_slice %arg10[%mul3A_2, %dma_wait3A_69] : memref<1024x128xi32, #tpu.memory_space<hbm>> -> memref<32x128xi32, #tpu.memory_space<hbm>>
      tpu.wait_dma2 semaphore(%run_scoped3A : memref<!tpu.dma_semaphore, #tpu.memory_space<semaphore_mem>>) src(%arg20 : memref<32x128xi32, #tpu.memory_space<vmem>>) dst(%dma_wait3A_70 : memref<32x128xi32, #tpu.memory_space<hbm>>)
      tpu.yield
    }) : () -> ()
    "tpu.region"() ({
      %run_scoped3A = tpu.sem_alloc : memref<!tpu.dma_semaphore, #tpu.memory_space<semaphore_mem>>
      %dma_start3A_63 = arith.constant 0 : i32
      %dma_start3A_64 = tpu.memref_slice %arg11[%mul3A_2, %dma_start3A_63] : memref<1024x128xi32, #tpu.memory_space<hbm>> -> memref<32x128xi32, #tpu.memory_space<hbm>>
      %dma_start3A_65 = arith.constant 0 : i32
      %dma_start3A_66 = tpu.memref_slice %arg11[%mul3A_2, %dma_start3A_65] : memref<1024x128xi32, #tpu.memory_space<hbm>> -> memref<32x128xi32, #tpu.memory_space<hbm>>
      tpu.enqueue_dma source(%arg21 : memref<32x128xi32, #tpu.memory_space<vmem>>) target(%dma_start3A_66 : memref<32x128xi32, #tpu.memory_space<hbm>>) target_semaphore(%run_scoped3A : memref<!tpu.dma_semaphore, #tpu.memory_space<semaphore_mem>>)
      %dma_wait3A_67 = arith.constant 0 : i32
      %dma_wait3A_68 = tpu.memref_slice %arg11[%mul3A_2, %dma_wait3A_67] : memref<1024x128xi32, #tpu.memory_space<hbm>> -> memref<32x128xi32, #tpu.memory_space<hbm>>
      %dma_wait3A_69 = arith.constant 0 : i32
      %dma_wait3A_70 = tpu.memref_slice %arg11[%mul3A_2, %dma_wait3A_69] : memref<1024x128xi32, #tpu.memory_space<hbm>> -> memref<32x128xi32, #tpu.memory_space<hbm>>
      tpu.wait_dma2 semaphore(%run_scoped3A : memref<!tpu.dma_semaphore, #tpu.memory_space<semaphore_mem>>) src(%arg21 : memref<32x128xi32, #tpu.memory_space<vmem>>) dst(%dma_wait3A_70 : memref<32x128xi32, #tpu.memory_space<hbm>>)
      tpu.yield
    }) : () -> ()
    %add3A_47 = arith.constant 0 : i32
    %add3A_48 = arith.addi %add3A_47, %mul3A_2 : i32
    "tpu.region"() ({
      %run_scoped3A = tpu.sem_alloc : memref<!tpu.dma_semaphore, #tpu.memory_space<semaphore_mem>>
      %dma_start3A_63 = arith.constant 0 : i32
      %dma_start3A_64 = arith.constant 0 : i32
      %dma_start3A_65 = tpu.memref_slice %arg22[%dma_start3A_63, %dma_start3A_64] : memref<128x128xi32, #tpu.memory_space<vmem>> -> memref<32x128xi32, #tpu.memory_space<vmem>>
      %dma_start3A_66 = arith.constant 0 : i32
      %dma_start3A_67 = tpu.memref_slice %arg12[%add3A_48, %dma_start3A_66] : memref<4096x128xi32, #tpu.memory_space<hbm>> -> memref<32x128xi32, #tpu.memory_space<hbm>>
      %dma_start3A_68 = arith.constant 0 : i32
      %dma_start3A_69 = tpu.memref_slice %arg12[%add3A_48, %dma_start3A_68] : memref<4096x128xi32, #tpu.memory_space<hbm>> -> memref<32x128xi32, #tpu.memory_space<hbm>>
      %dma_start3A_70 = arith.constant 0 : i32
      %dma_start3A_71 = arith.constant 0 : i32
      %dma_start3A_72 = tpu.memref_slice %arg22[%dma_start3A_70, %dma_start3A_71] : memref<128x128xi32, #tpu.memory_space<vmem>> -> memref<32x128xi32, #tpu.memory_space<vmem>>
      tpu.enqueue_dma source(%dma_start3A_72 : memref<32x128xi32, #tpu.memory_space<vmem>>) target(%dma_start3A_69 : memref<32x128xi32, #tpu.memory_space<hbm>>) target_semaphore(%run_scoped3A : memref<!tpu.dma_semaphore, #tpu.memory_space<semaphore_mem>>)
      %dma_wait3A_73 = arith.constant 0 : i32
      %dma_wait3A_74 = arith.constant 0 : i32
      %dma_wait3A_75 = tpu.memref_slice %arg22[%dma_wait3A_73, %dma_wait3A_74] : memref<128x128xi32, #tpu.memory_space<vmem>> -> memref<32x128xi32, #tpu.memory_space<vmem>>
      %dma_wait3A_76 = arith.constant 0 : i32
      %dma_wait3A_77 = tpu.memref_slice %arg12[%add3A_48, %dma_wait3A_76] : memref<4096x128xi32, #tpu.memory_space<hbm>> -> memref<32x128xi32, #tpu.memory_space<hbm>>
      %dma_wait3A_78 = arith.constant 0 : i32
      %dma_wait3A_79 = tpu.memref_slice %arg12[%add3A_48, %dma_wait3A_78] : memref<4096x128xi32, #tpu.memory_space<hbm>> -> memref<32x128xi32, #tpu.memory_space<hbm>>
      %dma_wait3A_80 = arith.constant 0 : i32
      %dma_wait3A_81 = arith.constant 0 : i32
      %dma_wait3A_82 = tpu.memref_slice %arg22[%dma_wait3A_80, %dma_wait3A_81] : memref<128x128xi32, #tpu.memory_space<vmem>> -> memref<32x128xi32, #tpu.memory_space<vmem>>
      tpu.wait_dma2 semaphore(%run_scoped3A : memref<!tpu.dma_semaphore, #tpu.memory_space<semaphore_mem>>) src(%dma_wait3A_82 : memref<32x128xi32, #tpu.memory_space<vmem>>) dst(%dma_wait3A_79 : memref<32x128xi32, #tpu.memory_space<hbm>>)
      tpu.yield
    }) : () -> ()
    %add3A_49 = arith.constant 0 : i32
    %add3A_50 = arith.addi %add3A_49, %mul3A_2 : i32
    "tpu.region"() ({
      %run_scoped3A = tpu.sem_alloc : memref<!tpu.dma_semaphore, #tpu.memory_space<semaphore_mem>>
      %dma_start3A_63 = arith.constant 0 : i32
      %dma_start3A_64 = arith.constant 0 : i32
      %dma_start3A_65 = tpu.memref_slice %arg23[%dma_start3A_63, %dma_start3A_64] : memref<128x128xi32, #tpu.memory_space<vmem>> -> memref<32x128xi32, #tpu.memory_space<vmem>>
      %dma_start3A_66 = arith.constant 0 : i32
      %dma_start3A_67 = tpu.memref_slice %arg13[%add3A_50, %dma_start3A_66] : memref<4096x128xi32, #tpu.memory_space<hbm>> -> memref<32x128xi32, #tpu.memory_space<hbm>>
      %dma_start3A_68 = arith.constant 0 : i32
      %dma_start3A_69 = tpu.memref_slice %arg13[%add3A_50, %dma_start3A_68] : memref<4096x128xi32, #tpu.memory_space<hbm>> -> memref<32x128xi32, #tpu.memory_space<hbm>>
      %dma_start3A_70 = arith.constant 0 : i32
      %dma_start3A_71 = arith.constant 0 : i32
      %dma_start3A_72 = tpu.memref_slice %arg23[%dma_start3A_70, %dma_start3A_71] : memref<128x128xi32, #tpu.memory_space<vmem>> -> memref<32x128xi32, #tpu.memory_space<vmem>>
      tpu.enqueue_dma source(%dma_start3A_72 : memref<32x128xi32, #tpu.memory_space<vmem>>) target(%dma_start3A_69 : memref<32x128xi32, #tpu.memory_space<hbm>>) target_semaphore(%run_scoped3A : memref<!tpu.dma_semaphore, #tpu.memory_space<semaphore_mem>>)
      %dma_wait3A_73 = arith.constant 0 : i32
      %dma_wait3A_74 = arith.constant 0 : i32
      %dma_wait3A_75 = tpu.memref_slice %arg23[%dma_wait3A_73, %dma_wait3A_74] : memref<128x128xi32, #tpu.memory_space<vmem>> -> memref<32x128xi32, #tpu.memory_space<vmem>>
      %dma_wait3A_76 = arith.constant 0 : i32
      %dma_wait3A_77 = tpu.memref_slice %arg13[%add3A_50, %dma_wait3A_76] : memref<4096x128xi32, #tpu.memory_space<hbm>> -> memref<32x128xi32, #tpu.memory_space<hbm>>
      %dma_wait3A_78 = arith.constant 0 : i32
      %dma_wait3A_79 = tpu.memref_slice %arg13[%add3A_50, %dma_wait3A_78] : memref<4096x128xi32, #tpu.memory_space<hbm>> -> memref<32x128xi32, #tpu.memory_space<hbm>>
      %dma_wait3A_80 = arith.constant 0 : i32
      %dma_wait3A_81 = arith.constant 0 : i32
      %dma_wait3A_82 = tpu.memref_slice %arg23[%dma_wait3A_80, %dma_wait3A_81] : memref<128x128xi32, #tpu.memory_space<vmem>> -> memref<32x128xi32, #tpu.memory_space<vmem>>
      tpu.wait_dma2 semaphore(%run_scoped3A : memref<!tpu.dma_semaphore, #tpu.memory_space<semaphore_mem>>) src(%dma_wait3A_82 : memref<32x128xi32, #tpu.memory_space<vmem>>) dst(%dma_wait3A_79 : memref<32x128xi32, #tpu.memory_space<hbm>>)
      tpu.yield
    }) : () -> ()
    %add3A_51 = arith.constant 1024 : i32
    %add3A_52 = arith.addi %add3A_51, %mul3A_2 : i32
    "tpu.region"() ({
      %run_scoped3A = tpu.sem_alloc : memref<!tpu.dma_semaphore, #tpu.memory_space<semaphore_mem>>
      %dma_start3A_63 = arith.constant 32 : i32
      %dma_start3A_64 = arith.constant 0 : i32
      %dma_start3A_65 = tpu.memref_slice %arg22[%dma_start3A_63, %dma_start3A_64] : memref<128x128xi32, #tpu.memory_space<vmem>> -> memref<32x128xi32, #tpu.memory_space<vmem>>
      %dma_start3A_66 = arith.constant 0 : i32
      %dma_start3A_67 = tpu.memref_slice %arg12[%add3A_52, %dma_start3A_66] : memref<4096x128xi32, #tpu.memory_space<hbm>> -> memref<32x128xi32, #tpu.memory_space<hbm>>
      %dma_start3A_68 = arith.constant 0 : i32
      %dma_start3A_69 = tpu.memref_slice %arg12[%add3A_52, %dma_start3A_68] : memref<4096x128xi32, #tpu.memory_space<hbm>> -> memref<32x128xi32, #tpu.memory_space<hbm>>
      %dma_start3A_70 = arith.constant 32 : i32
      %dma_start3A_71 = arith.constant 0 : i32
      %dma_start3A_72 = tpu.memref_slice %arg22[%dma_start3A_70, %dma_start3A_71] : memref<128x128xi32, #tpu.memory_space<vmem>> -> memref<32x128xi32, #tpu.memory_space<vmem>>
      tpu.enqueue_dma source(%dma_start3A_72 : memref<32x128xi32, #tpu.memory_space<vmem>>) target(%dma_start3A_69 : memref<32x128xi32, #tpu.memory_space<hbm>>) target_semaphore(%run_scoped3A : memref<!tpu.dma_semaphore, #tpu.memory_space<semaphore_mem>>)
      %dma_wait3A_73 = arith.constant 32 : i32
      %dma_wait3A_74 = arith.constant 0 : i32
      %dma_wait3A_75 = tpu.memref_slice %arg22[%dma_wait3A_73, %dma_wait3A_74] : memref<128x128xi32, #tpu.memory_space<vmem>> -> memref<32x128xi32, #tpu.memory_space<vmem>>
      %dma_wait3A_76 = arith.constant 0 : i32
      %dma_wait3A_77 = tpu.memref_slice %arg12[%add3A_52, %dma_wait3A_76] : memref<4096x128xi32, #tpu.memory_space<hbm>> -> memref<32x128xi32, #tpu.memory_space<hbm>>
      %dma_wait3A_78 = arith.constant 0 : i32
      %dma_wait3A_79 = tpu.memref_slice %arg12[%add3A_52, %dma_wait3A_78] : memref<4096x128xi32, #tpu.memory_space<hbm>> -> memref<32x128xi32, #tpu.memory_space<hbm>>
      %dma_wait3A_80 = arith.constant 32 : i32
      %dma_wait3A_81 = arith.constant 0 : i32
      %dma_wait3A_82 = tpu.memref_slice %arg22[%dma_wait3A_80, %dma_wait3A_81] : memref<128x128xi32, #tpu.memory_space<vmem>> -> memref<32x128xi32, #tpu.memory_space<vmem>>
      tpu.wait_dma2 semaphore(%run_scoped3A : memref<!tpu.dma_semaphore, #tpu.memory_space<semaphore_mem>>) src(%dma_wait3A_82 : memref<32x128xi32, #tpu.memory_space<vmem>>) dst(%dma_wait3A_79 : memref<32x128xi32, #tpu.memory_space<hbm>>)
      tpu.yield
    }) : () -> ()
    %add3A_53 = arith.constant 1024 : i32
    %add3A_54 = arith.addi %add3A_53, %mul3A_2 : i32
    "tpu.region"() ({
      %run_scoped3A = tpu.sem_alloc : memref<!tpu.dma_semaphore, #tpu.memory_space<semaphore_mem>>
      %dma_start3A_63 = arith.constant 32 : i32
      %dma_start3A_64 = arith.constant 0 : i32
      %dma_start3A_65 = tpu.memref_slice %arg23[%dma_start3A_63, %dma_start3A_64] : memref<128x128xi32, #tpu.memory_space<vmem>> -> memref<32x128xi32, #tpu.memory_space<vmem>>
      %dma_start3A_66 = arith.constant 0 : i32
      %dma_start3A_67 = tpu.memref_slice %arg13[%add3A_54, %dma_start3A_66] : memref<4096x128xi32, #tpu.memory_space<hbm>> -> memref<32x128xi32, #tpu.memory_space<hbm>>
      %dma_start3A_68 = arith.constant 0 : i32
      %dma_start3A_69 = tpu.memref_slice %arg13[%add3A_54, %dma_start3A_68] : memref<4096x128xi32, #tpu.memory_space<hbm>> -> memref<32x128xi32, #tpu.memory_space<hbm>>
      %dma_start3A_70 = arith.constant 32 : i32
      %dma_start3A_71 = arith.constant 0 : i32
      %dma_start3A_72 = tpu.memref_slice %arg23[%dma_start3A_70, %dma_start3A_71] : memref<128x128xi32, #tpu.memory_space<vmem>> -> memref<32x128xi32, #tpu.memory_space<vmem>>
      tpu.enqueue_dma source(%dma_start3A_72 : memref<32x128xi32, #tpu.memory_space<vmem>>) target(%dma_start3A_69 : memref<32x128xi32, #tpu.memory_space<hbm>>) target_semaphore(%run_scoped3A : memref<!tpu.dma_semaphore, #tpu.memory_space<semaphore_mem>>)
      %dma_wait3A_73 = arith.constant 32 : i32
      %dma_wait3A_74 = arith.constant 0 : i32
      %dma_wait3A_75 = tpu.memref_slice %arg23[%dma_wait3A_73, %dma_wait3A_74] : memref<128x128xi32, #tpu.memory_space<vmem>> -> memref<32x128xi32, #tpu.memory_space<vmem>>
      %dma_wait3A_76 = arith.constant 0 : i32
      %dma_wait3A_77 = tpu.memref_slice %arg13[%add3A_54, %dma_wait3A_76] : memref<4096x128xi32, #tpu.memory_space<hbm>> -> memref<32x128xi32, #tpu.memory_space<hbm>>
      %dma_wait3A_78 = arith.constant 0 : i32
      %dma_wait3A_79 = tpu.memref_slice %arg13[%add3A_54, %dma_wait3A_78] : memref<4096x128xi32, #tpu.memory_space<hbm>> -> memref<32x128xi32, #tpu.memory_space<hbm>>
      %dma_wait3A_80 = arith.constant 32 : i32
      %dma_wait3A_81 = arith.constant 0 : i32
      %dma_wait3A_82 = tpu.memref_slice %arg23[%dma_wait3A_80, %dma_wait3A_81] : memref<128x128xi32, #tpu.memory_space<vmem>> -> memref<32x128xi32, #tpu.memory_space<vmem>>
      tpu.wait_dma2 semaphore(%run_scoped3A : memref<!tpu.dma_semaphore, #tpu.memory_space<semaphore_mem>>) src(%dma_wait3A_82 : memref<32x128xi32, #tpu.memory_space<vmem>>) dst(%dma_wait3A_79 : memref<32x128xi32, #tpu.memory_space<hbm>>)
      tpu.yield
    }) : () -> ()
    %add3A_55 = arith.constant 2048 : i32
    %add3A_56 = arith.addi %add3A_55, %mul3A_2 : i32
    "tpu.region"() ({
      %run_scoped3A = tpu.sem_alloc : memref<!tpu.dma_semaphore, #tpu.memory_space<semaphore_mem>>
      %dma_start3A_63 = arith.constant 64 : i32
      %dma_start3A_64 = arith.constant 0 : i32
      %dma_start3A_65 = tpu.memref_slice %arg22[%dma_start3A_63, %dma_start3A_64] : memref<128x128xi32, #tpu.memory_space<vmem>> -> memref<32x128xi32, #tpu.memory_space<vmem>>
      %dma_start3A_66 = arith.constant 0 : i32
      %dma_start3A_67 = tpu.memref_slice %arg12[%add3A_56, %dma_start3A_66] : memref<4096x128xi32, #tpu.memory_space<hbm>> -> memref<32x128xi32, #tpu.memory_space<hbm>>
      %dma_start3A_68 = arith.constant 0 : i32
      %dma_start3A_69 = tpu.memref_slice %arg12[%add3A_56, %dma_start3A_68] : memref<4096x128xi32, #tpu.memory_space<hbm>> -> memref<32x128xi32, #tpu.memory_space<hbm>>
      %dma_start3A_70 = arith.constant 64 : i32
      %dma_start3A_71 = arith.constant 0 : i32
      %dma_start3A_72 = tpu.memref_slice %arg22[%dma_start3A_70, %dma_start3A_71] : memref<128x128xi32, #tpu.memory_space<vmem>> -> memref<32x128xi32, #tpu.memory_space<vmem>>
      tpu.enqueue_dma source(%dma_start3A_72 : memref<32x128xi32, #tpu.memory_space<vmem>>) target(%dma_start3A_69 : memref<32x128xi32, #tpu.memory_space<hbm>>) target_semaphore(%run_scoped3A : memref<!tpu.dma_semaphore, #tpu.memory_space<semaphore_mem>>)
      %dma_wait3A_73 = arith.constant 64 : i32
      %dma_wait3A_74 = arith.constant 0 : i32
      %dma_wait3A_75 = tpu.memref_slice %arg22[%dma_wait3A_73, %dma_wait3A_74] : memref<128x128xi32, #tpu.memory_space<vmem>> -> memref<32x128xi32, #tpu.memory_space<vmem>>
      %dma_wait3A_76 = arith.constant 0 : i32
      %dma_wait3A_77 = tpu.memref_slice %arg12[%add3A_56, %dma_wait3A_76] : memref<4096x128xi32, #tpu.memory_space<hbm>> -> memref<32x128xi32, #tpu.memory_space<hbm>>
      %dma_wait3A_78 = arith.constant 0 : i32
      %dma_wait3A_79 = tpu.memref_slice %arg12[%add3A_56, %dma_wait3A_78] : memref<4096x128xi32, #tpu.memory_space<hbm>> -> memref<32x128xi32, #tpu.memory_space<hbm>>
      %dma_wait3A_80 = arith.constant 64 : i32
      %dma_wait3A_81 = arith.constant 0 : i32
      %dma_wait3A_82 = tpu.memref_slice %arg22[%dma_wait3A_80, %dma_wait3A_81] : memref<128x128xi32, #tpu.memory_space<vmem>> -> memref<32x128xi32, #tpu.memory_space<vmem>>
      tpu.wait_dma2 semaphore(%run_scoped3A : memref<!tpu.dma_semaphore, #tpu.memory_space<semaphore_mem>>) src(%dma_wait3A_82 : memref<32x128xi32, #tpu.memory_space<vmem>>) dst(%dma_wait3A_79 : memref<32x128xi32, #tpu.memory_space<hbm>>)
      tpu.yield
    }) : () -> ()
    %add3A_57 = arith.constant 2048 : i32
    %add3A_58 = arith.addi %add3A_57, %mul3A_2 : i32
    "tpu.region"() ({
      %run_scoped3A = tpu.sem_alloc : memref<!tpu.dma_semaphore, #tpu.memory_space<semaphore_mem>>
      %dma_start3A_63 = arith.constant 64 : i32
      %dma_start3A_64 = arith.constant 0 : i32
      %dma_start3A_65 = tpu.memref_slice %arg23[%dma_start3A_63, %dma_start3A_64] : memref<128x128xi32, #tpu.memory_space<vmem>> -> memref<32x128xi32, #tpu.memory_space<vmem>>
      %dma_start3A_66 = arith.constant 0 : i32
      %dma_start3A_67 = tpu.memref_slice %arg13[%add3A_58, %dma_start3A_66] : memref<4096x128xi32, #tpu.memory_space<hbm>> -> memref<32x128xi32, #tpu.memory_space<hbm>>
      %dma_start3A_68 = arith.constant 0 : i32
      %dma_start3A_69 = tpu.memref_slice %arg13[%add3A_58, %dma_start3A_68] : memref<4096x128xi32, #tpu.memory_space<hbm>> -> memref<32x128xi32, #tpu.memory_space<hbm>>
      %dma_start3A_70 = arith.constant 64 : i32
      %dma_start3A_71 = arith.constant 0 : i32
      %dma_start3A_72 = tpu.memref_slice %arg23[%dma_start3A_70, %dma_start3A_71] : memref<128x128xi32, #tpu.memory_space<vmem>> -> memref<32x128xi32, #tpu.memory_space<vmem>>
      tpu.enqueue_dma source(%dma_start3A_72 : memref<32x128xi32, #tpu.memory_space<vmem>>) target(%dma_start3A_69 : memref<32x128xi32, #tpu.memory_space<hbm>>) target_semaphore(%run_scoped3A : memref<!tpu.dma_semaphore, #tpu.memory_space<semaphore_mem>>)
      %dma_wait3A_73 = arith.constant 64 : i32
      %dma_wait3A_74 = arith.constant 0 : i32
      %dma_wait3A_75 = tpu.memref_slice %arg23[%dma_wait3A_73, %dma_wait3A_74] : memref<128x128xi32, #tpu.memory_space<vmem>> -> memref<32x128xi32, #tpu.memory_space<vmem>>
      %dma_wait3A_76 = arith.constant 0 : i32
      %dma_wait3A_77 = tpu.memref_slice %arg13[%add3A_58, %dma_wait3A_76] : memref<4096x128xi32, #tpu.memory_space<hbm>> -> memref<32x128xi32, #tpu.memory_space<hbm>>
      %dma_wait3A_78 = arith.constant 0 : i32
      %dma_wait3A_79 = tpu.memref_slice %arg13[%add3A_58, %dma_wait3A_78] : memref<4096x128xi32, #tpu.memory_space<hbm>> -> memref<32x128xi32, #tpu.memory_space<hbm>>
      %dma_wait3A_80 = arith.constant 64 : i32
      %dma_wait3A_81 = arith.constant 0 : i32
      %dma_wait3A_82 = tpu.memref_slice %arg23[%dma_wait3A_80, %dma_wait3A_81] : memref<128x128xi32, #tpu.memory_space<vmem>> -> memref<32x128xi32, #tpu.memory_space<vmem>>
      tpu.wait_dma2 semaphore(%run_scoped3A : memref<!tpu.dma_semaphore, #tpu.memory_space<semaphore_mem>>) src(%dma_wait3A_82 : memref<32x128xi32, #tpu.memory_space<vmem>>) dst(%dma_wait3A_79 : memref<32x128xi32, #tpu.memory_space<hbm>>)
      tpu.yield
    }) : () -> ()
    %add3A_59 = arith.constant 3072 : i32
    %add3A_60 = arith.addi %add3A_59, %mul3A_2 : i32
    "tpu.region"() ({
      %run_scoped3A = tpu.sem_alloc : memref<!tpu.dma_semaphore, #tpu.memory_space<semaphore_mem>>
      %dma_start3A_63 = arith.constant 96 : i32
      %dma_start3A_64 = arith.constant 0 : i32
      %dma_start3A_65 = tpu.memref_slice %arg22[%dma_start3A_63, %dma_start3A_64] : memref<128x128xi32, #tpu.memory_space<vmem>> -> memref<32x128xi32, #tpu.memory_space<vmem>>
      %dma_start3A_66 = arith.constant 0 : i32
      %dma_start3A_67 = tpu.memref_slice %arg12[%add3A_60, %dma_start3A_66] : memref<4096x128xi32, #tpu.memory_space<hbm>> -> memref<32x128xi32, #tpu.memory_space<hbm>>
      %dma_start3A_68 = arith.constant 0 : i32
      %dma_start3A_69 = tpu.memref_slice %arg12[%add3A_60, %dma_start3A_68] : memref<4096x128xi32, #tpu.memory_space<hbm>> -> memref<32x128xi32, #tpu.memory_space<hbm>>
      %dma_start3A_70 = arith.constant 96 : i32
      %dma_start3A_71 = arith.constant 0 : i32
      %dma_start3A_72 = tpu.memref_slice %arg22[%dma_start3A_70, %dma_start3A_71] : memref<128x128xi32, #tpu.memory_space<vmem>> -> memref<32x128xi32, #tpu.memory_space<vmem>>
      tpu.enqueue_dma source(%dma_start3A_72 : memref<32x128xi32, #tpu.memory_space<vmem>>) target(%dma_start3A_69 : memref<32x128xi32, #tpu.memory_space<hbm>>) target_semaphore(%run_scoped3A : memref<!tpu.dma_semaphore, #tpu.memory_space<semaphore_mem>>)
      %dma_wait3A_73 = arith.constant 96 : i32
      %dma_wait3A_74 = arith.constant 0 : i32
      %dma_wait3A_75 = tpu.memref_slice %arg22[%dma_wait3A_73, %dma_wait3A_74] : memref<128x128xi32, #tpu.memory_space<vmem>> -> memref<32x128xi32, #tpu.memory_space<vmem>>
      %dma_wait3A_76 = arith.constant 0 : i32
      %dma_wait3A_77 = tpu.memref_slice %arg12[%add3A_60, %dma_wait3A_76] : memref<4096x128xi32, #tpu.memory_space<hbm>> -> memref<32x128xi32, #tpu.memory_space<hbm>>
      %dma_wait3A_78 = arith.constant 0 : i32
      %dma_wait3A_79 = tpu.memref_slice %arg12[%add3A_60, %dma_wait3A_78] : memref<4096x128xi32, #tpu.memory_space<hbm>> -> memref<32x128xi32, #tpu.memory_space<hbm>>
      %dma_wait3A_80 = arith.constant 96 : i32
      %dma_wait3A_81 = arith.constant 0 : i32
      %dma_wait3A_82 = tpu.memref_slice %arg22[%dma_wait3A_80, %dma_wait3A_81] : memref<128x128xi32, #tpu.memory_space<vmem>> -> memref<32x128xi32, #tpu.memory_space<vmem>>
      tpu.wait_dma2 semaphore(%run_scoped3A : memref<!tpu.dma_semaphore, #tpu.memory_space<semaphore_mem>>) src(%dma_wait3A_82 : memref<32x128xi32, #tpu.memory_space<vmem>>) dst(%dma_wait3A_79 : memref<32x128xi32, #tpu.memory_space<hbm>>)
      tpu.yield
    }) : () -> ()
    %add3A_61 = arith.constant 3072 : i32
    %add3A_62 = arith.addi %add3A_61, %mul3A_2 : i32
    "tpu.region"() ({
      %run_scoped3A = tpu.sem_alloc : memref<!tpu.dma_semaphore, #tpu.memory_space<semaphore_mem>>
      %dma_start3A_63 = arith.constant 96 : i32
      %dma_start3A_64 = arith.constant 0 : i32
      %dma_start3A_65 = tpu.memref_slice %arg23[%dma_start3A_63, %dma_start3A_64] : memref<128x128xi32, #tpu.memory_space<vmem>> -> memref<32x128xi32, #tpu.memory_space<vmem>>
      %dma_start3A_66 = arith.constant 0 : i32
      %dma_start3A_67 = tpu.memref_slice %arg13[%add3A_62, %dma_start3A_66] : memref<4096x128xi32, #tpu.memory_space<hbm>> -> memref<32x128xi32, #tpu.memory_space<hbm>>
      %dma_start3A_68 = arith.constant 0 : i32
      %dma_start3A_69 = tpu.memref_slice %arg13[%add3A_62, %dma_start3A_68] : memref<4096x128xi32, #tpu.memory_space<hbm>> -> memref<32x128xi32, #tpu.memory_space<hbm>>
      %dma_start3A_70 = arith.constant 96 : i32
      %dma_start3A_71 = arith.constant 0 : i32
      %dma_start3A_72 = tpu.memref_slice %arg23[%dma_start3A_70, %dma_start3A_71] : memref<128x128xi32, #tpu.memory_space<vmem>> -> memref<32x128xi32, #tpu.memory_space<vmem>>
      tpu.enqueue_dma source(%dma_start3A_72 : memref<32x128xi32, #tpu.memory_space<vmem>>) target(%dma_start3A_69 : memref<32x128xi32, #tpu.memory_space<hbm>>) target_semaphore(%run_scoped3A : memref<!tpu.dma_semaphore, #tpu.memory_space<semaphore_mem>>)
      %dma_wait3A_73 = arith.constant 96 : i32
      %dma_wait3A_74 = arith.constant 0 : i32
      %dma_wait3A_75 = tpu.memref_slice %arg23[%dma_wait3A_73, %dma_wait3A_74] : memref<128x128xi32, #tpu.memory_space<vmem>> -> memref<32x128xi32, #tpu.memory_space<vmem>>
      %dma_wait3A_76 = arith.constant 0 : i32
      %dma_wait3A_77 = tpu.memref_slice %arg13[%add3A_62, %dma_wait3A_76] : memref<4096x128xi32, #tpu.memory_space<hbm>> -> memref<32x128xi32, #tpu.memory_space<hbm>>
      %dma_wait3A_78 = arith.constant 0 : i32
      %dma_wait3A_79 = tpu.memref_slice %arg13[%add3A_62, %dma_wait3A_78] : memref<4096x128xi32, #tpu.memory_space<hbm>> -> memref<32x128xi32, #tpu.memory_space<hbm>>
      %dma_wait3A_80 = arith.constant 96 : i32
      %dma_wait3A_81 = arith.constant 0 : i32
      %dma_wait3A_82 = tpu.memref_slice %arg23[%dma_wait3A_80, %dma_wait3A_81] : memref<128x128xi32, #tpu.memory_space<vmem>> -> memref<32x128xi32, #tpu.memory_space<vmem>>
      tpu.wait_dma2 semaphore(%run_scoped3A : memref<!tpu.dma_semaphore, #tpu.memory_space<semaphore_mem>>) src(%dma_wait3A_82 : memref<32x128xi32, #tpu.memory_space<vmem>>) dst(%dma_wait3A_79 : memref<32x128xi32, #tpu.memory_space<hbm>>)
      tpu.yield
    }) : () -> ()
    return
  }
}

module attributes {stable_mosaic.version = 14 : i64} {
  func.func @_prep_body(%arg0: memref<4x64x64xf32, #tpu.memory_space<vmem>>, %arg1: memref<768x64xf32, #tpu.memory_space<vmem>>, %arg2: memref<4x64x64xf32, #tpu.memory_space<vmem>>, %arg3: memref<768x64xf32, #tpu.memory_space<vmem>>, %arg4: memref<3072x64xf32, #tpu.memory_space<vmem>>, %arg5: memref<3072x64xf32, #tpu.memory_space<vmem>>) attributes {dimension_semantics = [], scalar_prefetch = 0 : i64, scratch_operands = 0 : i64, tpu.core_type = #tpu.core_type<tc>} {
    %get3A = arith.constant 0 : index
    %get3A_0 = arith.constant 0 : index
    %get3A_1 = vector.load %arg1[%get3A, %get3A_0] : memref<768x64xf32, #tpu.memory_space<vmem>>, vector<768x64xf32>
    %get3A_2 = arith.constant 0 : index
    %get3A_3 = arith.constant 0 : index
    %get3A_4 = arith.constant 0 : index
    %get3A_5 = vector.load %arg0[%get3A_2, %get3A_3, %get3A_4] : memref<4x64x64xf32, #tpu.memory_space<vmem>>, vector<1x64x64xf32>
    %get3A_6 = vector.shape_cast %get3A_5 : vector<1x64x64xf32> to vector<64x64xf32>
    %dot_general3A = arith.constant dense<0.000000e+00> : vector<768x64xf32>
    %dot_general3A_7 = tpu.matmul %get3A_1, %get3A_6, %dot_general3A {dimension_numbers = #tpu.dot_dimension_numbers<[1], [0], [0], [1], [0, 0, 1, 1], [], []>, transpose_lhs_hint = false} : vector<768x64xf32>, vector<64x64xf32>, vector<768x64xf32> -> vector<768x64xf32>
    %swap3A = arith.constant 0 : index
    %swap3A_8 = arith.constant 0 : index
    %swap3A_9 = vector.load %arg4[%swap3A, %swap3A_8] : memref<3072x64xf32, #tpu.memory_space<vmem>>, vector<768x64xf32>
    tpu.vector_store %arg4[%swap3A, %swap3A_8], %dot_general3A_7 {strides = array<i32>} : memref<3072x64xf32, #tpu.memory_space<vmem>>, vector<768x64xf32>,
    %get3A_10 = arith.constant 0 : index
    %get3A_11 = arith.constant 0 : index
    %get3A_12 = vector.load %arg3[%get3A_10, %get3A_11] : memref<768x64xf32, #tpu.memory_space<vmem>>, vector<768x64xf32>
    %get3A_13 = arith.constant 0 : index
    %get3A_14 = arith.constant 0 : index
    %get3A_15 = arith.constant 0 : index
    %get3A_16 = vector.load %arg2[%get3A_13, %get3A_14, %get3A_15] : memref<4x64x64xf32, #tpu.memory_space<vmem>>, vector<1x64x64xf32>
    %get3A_17 = vector.shape_cast %get3A_16 : vector<1x64x64xf32> to vector<64x64xf32>
    %dot_general3A_18 = arith.constant dense<0.000000e+00> : vector<768x64xf32>
    %dot_general3A_19 = tpu.matmul %get3A_12, %get3A_17, %dot_general3A_18 {dimension_numbers = #tpu.dot_dimension_numbers<[1], [0], [0], [1], [0, 0, 1, 1], [], []>, transpose_lhs_hint = false} : vector<768x64xf32>, vector<64x64xf32>, vector<768x64xf32> -> vector<768x64xf32>
    %swap3A_20 = arith.constant 0 : index
    %swap3A_21 = arith.constant 0 : index
    %swap3A_22 = vector.load %arg5[%swap3A_20, %swap3A_21] : memref<3072x64xf32, #tpu.memory_space<vmem>>, vector<768x64xf32>
    tpu.vector_store %arg5[%swap3A_20, %swap3A_21], %dot_general3A_19 {strides = array<i32>} : memref<3072x64xf32, #tpu.memory_space<vmem>>, vector<768x64xf32>,
    %get3A_23 = arith.constant 0 : index
    %get3A_24 = arith.constant 0 : index
    %get3A_25 = vector.load %arg1[%get3A_23, %get3A_24] : memref<768x64xf32, #tpu.memory_space<vmem>>, vector<768x64xf32>
    %get3A_26 = arith.constant 1 : index
    %get3A_27 = arith.constant 0 : index
    %get3A_28 = arith.constant 0 : index
    %get3A_29 = vector.load %arg0[%get3A_26, %get3A_27, %get3A_28] : memref<4x64x64xf32, #tpu.memory_space<vmem>>, vector<1x64x64xf32>
    %get3A_30 = vector.shape_cast %get3A_29 : vector<1x64x64xf32> to vector<64x64xf32>
    %dot_general3A_31 = arith.constant dense<0.000000e+00> : vector<768x64xf32>
    %dot_general3A_32 = tpu.matmul %get3A_25, %get3A_30, %dot_general3A_31 {dimension_numbers = #tpu.dot_dimension_numbers<[1], [0], [0], [1], [0, 0, 1, 1], [], []>, transpose_lhs_hint = false} : vector<768x64xf32>, vector<64x64xf32>, vector<768x64xf32> -> vector<768x64xf32>
    %swap3A_33 = arith.constant 768 : index
    %swap3A_34 = arith.constant 0 : index
    %swap3A_35 = vector.load %arg4[%swap3A_33, %swap3A_34] : memref<3072x64xf32, #tpu.memory_space<vmem>>, vector<768x64xf32>
    tpu.vector_store %arg4[%swap3A_33, %swap3A_34], %dot_general3A_32 {strides = array<i32>} : memref<3072x64xf32, #tpu.memory_space<vmem>>, vector<768x64xf32>,
    %get3A_36 = arith.constant 0 : index
    %get3A_37 = arith.constant 0 : index
    %get3A_38 = vector.load %arg3[%get3A_36, %get3A_37] : memref<768x64xf32, #tpu.memory_space<vmem>>, vector<768x64xf32>
    %get3A_39 = arith.constant 1 : index
    %get3A_40 = arith.constant 0 : index
    %get3A_41 = arith.constant 0 : index
    %get3A_42 = vector.load %arg2[%get3A_39, %get3A_40, %get3A_41] : memref<4x64x64xf32, #tpu.memory_space<vmem>>, vector<1x64x64xf32>
    %get3A_43 = vector.shape_cast %get3A_42 : vector<1x64x64xf32> to vector<64x64xf32>
    %dot_general3A_44 = arith.constant dense<0.000000e+00> : vector<768x64xf32>
    %dot_general3A_45 = tpu.matmul %get3A_38, %get3A_43, %dot_general3A_44 {dimension_numbers = #tpu.dot_dimension_numbers<[1], [0], [0], [1], [0, 0, 1, 1], [], []>, transpose_lhs_hint = false} : vector<768x64xf32>, vector<64x64xf32>, vector<768x64xf32> -> vector<768x64xf32>
    %swap3A_46 = arith.constant 768 : index
    %swap3A_47 = arith.constant 0 : index
    %swap3A_48 = vector.load %arg5[%swap3A_46, %swap3A_47] : memref<3072x64xf32, #tpu.memory_space<vmem>>, vector<768x64xf32>
    tpu.vector_store %arg5[%swap3A_46, %swap3A_47], %dot_general3A_45 {strides = array<i32>} : memref<3072x64xf32, #tpu.memory_space<vmem>>, vector<768x64xf32>,
    %get3A_49 = arith.constant 0 : index
    %get3A_50 = arith.constant 0 : index
    %get3A_51 = vector.load %arg1[%get3A_49, %get3A_50] : memref<768x64xf32, #tpu.memory_space<vmem>>, vector<768x64xf32>
    %get3A_52 = arith.constant 2 : index
    %get3A_53 = arith.constant 0 : index
    %get3A_54 = arith.constant 0 : index
    %get3A_55 = vector.load %arg0[%get3A_52, %get3A_53, %get3A_54] : memref<4x64x64xf32, #tpu.memory_space<vmem>>, vector<1x64x64xf32>
    %get3A_56 = vector.shape_cast %get3A_55 : vector<1x64x64xf32> to vector<64x64xf32>
    %dot_general3A_57 = arith.constant dense<0.000000e+00> : vector<768x64xf32>
    %dot_general3A_58 = tpu.matmul %get3A_51, %get3A_56, %dot_general3A_57 {dimension_numbers = #tpu.dot_dimension_numbers<[1], [0], [0], [1], [0, 0, 1, 1], [], []>, transpose_lhs_hint = false} : vector<768x64xf32>, vector<64x64xf32>, vector<768x64xf32> -> vector<768x64xf32>
    %swap3A_59 = arith.constant 1536 : index
    %swap3A_60 = arith.constant 0 : index
    %swap3A_61 = vector.load %arg4[%swap3A_59, %swap3A_60] : memref<3072x64xf32, #tpu.memory_space<vmem>>, vector<768x64xf32>
    tpu.vector_store %arg4[%swap3A_59, %swap3A_60], %dot_general3A_58 {strides = array<i32>} : memref<3072x64xf32, #tpu.memory_space<vmem>>, vector<768x64xf32>,
    %get3A_62 = arith.constant 0 : index
    %get3A_63 = arith.constant 0 : index
    %get3A_64 = vector.load %arg3[%get3A_62, %get3A_63] : memref<768x64xf32, #tpu.memory_space<vmem>>, vector<768x64xf32>
    %get3A_65 = arith.constant 2 : index
    %get3A_66 = arith.constant 0 : index
    %get3A_67 = arith.constant 0 : index
    %get3A_68 = vector.load %arg2[%get3A_65, %get3A_66, %get3A_67] : memref<4x64x64xf32, #tpu.memory_space<vmem>>, vector<1x64x64xf32>
    %get3A_69 = vector.shape_cast %get3A_68 : vector<1x64x64xf32> to vector<64x64xf32>
    %dot_general3A_70 = arith.constant dense<0.000000e+00> : vector<768x64xf32>
    %dot_general3A_71 = tpu.matmul %get3A_64, %get3A_69, %dot_general3A_70 {dimension_numbers = #tpu.dot_dimension_numbers<[1], [0], [0], [1], [0, 0, 1, 1], [], []>, transpose_lhs_hint = false} : vector<768x64xf32>, vector<64x64xf32>, vector<768x64xf32> -> vector<768x64xf32>
    %swap3A_72 = arith.constant 1536 : index
    %swap3A_73 = arith.constant 0 : index
    %swap3A_74 = vector.load %arg5[%swap3A_72, %swap3A_73] : memref<3072x64xf32, #tpu.memory_space<vmem>>, vector<768x64xf32>
    tpu.vector_store %arg5[%swap3A_72, %swap3A_73], %dot_general3A_71 {strides = array<i32>} : memref<3072x64xf32, #tpu.memory_space<vmem>>, vector<768x64xf32>,
    %get3A_75 = arith.constant 0 : index
    %get3A_76 = arith.constant 0 : index
    %get3A_77 = vector.load %arg1[%get3A_75, %get3A_76] : memref<768x64xf32, #tpu.memory_space<vmem>>, vector<768x64xf32>
    %get3A_78 = arith.constant 3 : index
    %get3A_79 = arith.constant 0 : index
    %get3A_80 = arith.constant 0 : index
    %get3A_81 = vector.load %arg0[%get3A_78, %get3A_79, %get3A_80] : memref<4x64x64xf32, #tpu.memory_space<vmem>>, vector<1x64x64xf32>
    %get3A_82 = vector.shape_cast %get3A_81 : vector<1x64x64xf32> to vector<64x64xf32>
    %dot_general3A_83 = arith.constant dense<0.000000e+00> : vector<768x64xf32>
    %dot_general3A_84 = tpu.matmul %get3A_77, %get3A_82, %dot_general3A_83 {dimension_numbers = #tpu.dot_dimension_numbers<[1], [0], [0], [1], [0, 0, 1, 1], [], []>, transpose_lhs_hint = false} : vector<768x64xf32>, vector<64x64xf32>, vector<768x64xf32> -> vector<768x64xf32>
    %swap3A_85 = arith.constant 2304 : index
    %swap3A_86 = arith.constant 0 : index
    %swap3A_87 = vector.load %arg4[%swap3A_85, %swap3A_86] : memref<3072x64xf32, #tpu.memory_space<vmem>>, vector<768x64xf32>
    tpu.vector_store %arg4[%swap3A_85, %swap3A_86], %dot_general3A_84 {strides = array<i32>} : memref<3072x64xf32, #tpu.memory_space<vmem>>, vector<768x64xf32>,
    %get3A_88 = arith.constant 0 : index
    %get3A_89 = arith.constant 0 : index
    %get3A_90 = vector.load %arg3[%get3A_88, %get3A_89] : memref<768x64xf32, #tpu.memory_space<vmem>>, vector<768x64xf32>
    %get3A_91 = arith.constant 3 : index
    %get3A_92 = arith.constant 0 : index
    %get3A_93 = arith.constant 0 : index
    %get3A_94 = vector.load %arg2[%get3A_91, %get3A_92, %get3A_93] : memref<4x64x64xf32, #tpu.memory_space<vmem>>, vector<1x64x64xf32>
    %get3A_95 = vector.shape_cast %get3A_94 : vector<1x64x64xf32> to vector<64x64xf32>
    %dot_general3A_96 = arith.constant dense<0.000000e+00> : vector<768x64xf32>
    %dot_general3A_97 = tpu.matmul %get3A_90, %get3A_95, %dot_general3A_96 {dimension_numbers = #tpu.dot_dimension_numbers<[1], [0], [0], [1], [0, 0, 1, 1], [], []>, transpose_lhs_hint = false} : vector<768x64xf32>, vector<64x64xf32>, vector<768x64xf32> -> vector<768x64xf32>
    %swap3A_98 = arith.constant 2304 : index
    %swap3A_99 = arith.constant 0 : index
    %swap3A_100 = vector.load %arg5[%swap3A_98, %swap3A_99] : memref<3072x64xf32, #tpu.memory_space<vmem>>, vector<768x64xf32>
    tpu.vector_store %arg5[%swap3A_98, %swap3A_99], %dot_general3A_97 {strides = array<i32>} : memref<3072x64xf32, #tpu.memory_space<vmem>>, vector<768x64xf32>,
    return
  }
}

module attributes {stable_mosaic.version = 14 : i64} {
  func.func @_main_body(%arg0: i32, %arg1: memref<16x128xf32, #tpu.memory_space<vmem>>, %arg2: memref<128x16xi32, #tpu.memory_space<vmem>>, %arg3: memref<128x128xi32, #tpu.memory_space<vmem>>, %arg4: memref<128x128xi32, #tpu.memory_space<vmem>>, %arg5: memref<128x128xi32, #tpu.memory_space<vmem>>, %arg6: memref<4x128x128xi32, #tpu.memory_space<vmem>>, %arg7: memref<4x128x128xi32, #tpu.memory_space<vmem>>, %arg8: memref<3072x64xf32, #tpu.memory_space<vmem>>, %arg9: memref<3072x64xf32, #tpu.memory_space<vmem>>, %arg10: memref<768x128xf32, #tpu.memory_space<vmem>>, %arg11: memref<768x128xf32, #tpu.memory_space<vmem>>, %arg12: memref<768x128xf32, #tpu.memory_space<vmem>>, %arg13: memref<4x3072x128xf32, #tpu.memory_space<vmem>>, %arg14: memref<4x3072x128xf32, #tpu.memory_space<vmem>>) attributes {dimension_semantics = [#tpu.dimension_semantics<arbitrary>], iteration_bounds = array<i64: 8>, scalar_prefetch = 0 : i64, scratch_operands = 0 : i64, tpu.core_type = #tpu.core_type<tc>, window_params = [{transform_indices = @transform_0, window_bounds = array<i64: 16, 128>}, {transform_indices = @transform_1, window_bounds = array<i64: 128, 16>}, {transform_indices = @transform_2, window_bounds = array<i64: 128, 128>}, {transform_indices = @transform_3, window_bounds = array<i64: 128, 128>}, {transform_indices = @transform_4, window_bounds = array<i64: 128, 128>}, {transform_indices = @transform_5, window_bounds = array<i64: 4, 128, 128>}, {transform_indices = @transform_6, window_bounds = array<i64: 4, 128, 128>}, {pipeline_mode = #tpu.pipeline_mode<synchronous>, transform_indices = @transform_7, window_bounds = array<i64: 3072, 64>}, {pipeline_mode = #tpu.pipeline_mode<synchronous>, transform_indices = @transform_8, window_bounds = array<i64: 3072, 64>}, {transform_indices = @transform_9, window_bounds = array<i64: 768, 128>}, {transform_indices = @transform_10, window_bounds = array<i64: 768, 128>}, {transform_indices = @transform_11, window_bounds = array<i64: 768, 128>}, {transform_indices = @transform_12, window_bounds = array<i64: 4, 3072, 128>}, {transform_indices = @transform_13, window_bounds = array<i64: 4, 3072, 128>}]} {
    %get3A = arith.constant 0 : index
    %get3A_0 = arith.constant 0 : index
    %get3A_1 = vector.load %arg8[%get3A, %get3A_0] : memref<3072x64xf32, #tpu.memory_space<vmem>>, vector<3072x64xf32>
    %get3A_2 = arith.constant 0 : index
    %get3A_3 = arith.constant 4 : index
    %get3A_4 = vector.load %arg2[%get3A_2, %get3A_3] : memref<128x16xi32, #tpu.memory_space<vmem>>, vector<128x1xi32>
    %eq3A = arith.constant 0 : i32
    %eq3A_5 = vector.broadcast %eq3A : i32 to vector<128x1xi32>
    %eq3A_6 = arith.cmpi eq, %get3A_4, %eq3A_5 : vector<128x1xi32>
    %get3A_7 = arith.constant 0 : i32
    %get3A_8 = arith.constant 0 : i32
    %get3A_9 = arith.constant 0 : i32
    %get3A_10 = tpu.memref_slice %arg6[%get3A_7, %get3A_8, %get3A_9] : memref<4x128x128xi32, #tpu.memory_space<vmem>> -> memref<1x128x128xi32, #tpu.memory_space<vmem>>
    %get3A_11 = tpu.memref_squeeze %get3A_10 : memref<1x128x128xi32, #tpu.memory_space<vmem>> -> memref<128x128xi32, #tpu.memory_space<vmem>>
    %get3A_12 = arith.constant 0 : index
    %get3A_13 = arith.constant 0 : index
    %get3A_14 = vector.load %get3A_11[%get3A_12, %get3A_13] : memref<128x128xi32, #tpu.memory_space<vmem>>, vector<128x32xi32>
    %jit3A = arith.constant 0 : i32
    %broadcast_in_dim3A = vector.shape_cast %eq3A_6 : vector<128x1xi1> to vector<128x1xi1>
    %broadcast_in_dim3A_15 = vector.broadcast %broadcast_in_dim3A : vector<128x1xi1> to vector<128x32xi1>
    %broadcast_in_dim3A_16 = vector.broadcast %jit3A : i32 to vector<128x32xi32>
    %select_n3A = arith.select %broadcast_in_dim3A_15, %get3A_14, %broadcast_in_dim3A_16 : vector<128x32xi1>, vector<128x32xi32>
    %get3A_17 = arith.constant 0 : i32
    %get3A_18 = arith.constant 0 : i32
    %get3A_19 = arith.constant 0 : i32
    %get3A_20 = tpu.memref_slice %arg6[%get3A_17, %get3A_18, %get3A_19] : memref<4x128x128xi32, #tpu.memory_space<vmem>> -> memref<1x128x128xi32, #tpu.memory_space<vmem>>
    %get3A_21 = tpu.memref_squeeze %get3A_20 : memref<1x128x128xi32, #tpu.memory_space<vmem>> -> memref<128x128xi32, #tpu.memory_space<vmem>>
    %get3A_22 = arith.constant 0 : index
    %get3A_23 = arith.constant 32 : index
    %get3A_24 = vector.load %get3A_21[%get3A_22, %get3A_23] : memref<128x128xi32, #tpu.memory_space<vmem>>, vector<128x32xi32>
    %eq3A_25 = arith.constant 1 : i32
    %eq3A_26 = vector.broadcast %eq3A_25 : i32 to vector<128x1xi32>
    %eq3A_27 = arith.cmpi eq, %get3A_4, %eq3A_26 : vector<128x1xi32>
    %jit3A_28 = arith.constant 0 : i32
    %broadcast_in_dim3A_29 = vector.shape_cast %eq3A_27 : vector<128x1xi1> to vector<128x1xi1>
    %broadcast_in_dim3A_30 = vector.broadcast %broadcast_in_dim3A_29 : vector<128x1xi1> to vector<128x32xi1>
    %broadcast_in_dim3A_31 = vector.broadcast %jit3A_28 : i32 to vector<128x32xi32>
    %select_n3A_32 = arith.select %broadcast_in_dim3A_30, %get3A_24, %broadcast_in_dim3A_31 : vector<128x32xi1>, vector<128x32xi32>
    %or3A = arith.ori %select_n3A, %select_n3A_32 : vector<128x32xi32>
    %get3A_33 = arith.constant 0 : i32
    %get3A_34 = arith.constant 0 : i32
    %get3A_35 = arith.constant 0 : i32
    %get3A_36 = tpu.memref_slice %arg6[%get3A_33, %get3A_34, %get3A_35] : memref<4x128x128xi32, #tpu.memory_space<vmem>> -> memref<1x128x128xi32, #tpu.memory_space<vmem>>
    %get3A_37 = tpu.memref_squeeze %get3A_36 : memref<1x128x128xi32, #tpu.memory_space<vmem>> -> memref<128x128xi32, #tpu.memory_space<vmem>>
    %get3A_38 = arith.constant 0 : index
    %get3A_39 = arith.constant 64 : index
    %get3A_40 = vector.load %get3A_37[%get3A_38, %get3A_39] : memref<128x128xi32, #tpu.memory_space<vmem>>, vector<128x32xi32>
    %eq3A_41 = arith.constant 2 : i32
    %eq3A_42 = vector.broadcast %eq3A_41 : i32 to vector<128x1xi32>
    %eq3A_43 = arith.cmpi eq, %get3A_4, %eq3A_42 : vector<128x1xi32>
    %jit3A_44 = arith.constant 0 : i32
    %broadcast_in_dim3A_45 = vector.shape_cast %eq3A_43 : vector<128x1xi1> to vector<128x1xi1>
    %broadcast_in_dim3A_46 = vector.broadcast %broadcast_in_dim3A_45 : vector<128x1xi1> to vector<128x32xi1>
    %broadcast_in_dim3A_47 = vector.broadcast %jit3A_44 : i32 to vector<128x32xi32>
    %select_n3A_48 = arith.select %broadcast_in_dim3A_46, %get3A_40, %broadcast_in_dim3A_47 : vector<128x32xi1>, vector<128x32xi32>
    %or3A_49 = arith.ori %or3A, %select_n3A_48 : vector<128x32xi32>
    %get3A_50 = arith.constant 0 : i32
    %get3A_51 = arith.constant 0 : i32
    %get3A_52 = arith.constant 0 : i32
    %get3A_53 = tpu.memref_slice %arg6[%get3A_50, %get3A_51, %get3A_52] : memref<4x128x128xi32, #tpu.memory_space<vmem>> -> memref<1x128x128xi32, #tpu.memory_space<vmem>>
    %get3A_54 = tpu.memref_squeeze %get3A_53 : memref<1x128x128xi32, #tpu.memory_space<vmem>> -> memref<128x128xi32, #tpu.memory_space<vmem>>
    %get3A_55 = arith.constant 0 : index
    %get3A_56 = arith.constant 96 : index
    %get3A_57 = vector.load %get3A_54[%get3A_55, %get3A_56] : memref<128x128xi32, #tpu.memory_space<vmem>>, vector<128x32xi32>
    %eq3A_58 = arith.constant 3 : i32
    %eq3A_59 = vector.broadcast %eq3A_58 : i32 to vector<128x1xi32>
    %eq3A_60 = arith.cmpi eq, %get3A_4, %eq3A_59 : vector<128x1xi32>
    %jit3A_61 = arith.constant 0 : i32
    %broadcast_in_dim3A_62 = vector.shape_cast %eq3A_60 : vector<128x1xi1> to vector<128x1xi1>
    %broadcast_in_dim3A_63 = vector.broadcast %broadcast_in_dim3A_62 : vector<128x1xi1> to vector<128x32xi1>
    %broadcast_in_dim3A_64 = vector.broadcast %jit3A_61 : i32 to vector<128x32xi32>
    %select_n3A_65 = arith.select %broadcast_in_dim3A_63, %get3A_57, %broadcast_in_dim3A_64 : vector<128x32xi1>, vector<128x32xi32>
    %or3A_66 = arith.ori %or3A_49, %select_n3A_65 : vector<128x32xi32>
    %shift_left3A = arith.constant 16 : i32
    %shift_left3A_67 = vector.broadcast %shift_left3A : i32 to vector<128x32xi32>
    %shift_left3A_68 = arith.shli %or3A_66, %shift_left3A_67 : vector<128x32xi32>
    %bitcast_convert_type3A = tpu.bitcast %shift_left3A_68 : vector<128x32xi32> -> vector<128x32xf32>
    %and3A = arith.constant -65536 : i32
    %and3A_69 = vector.broadcast %and3A : i32 to vector<128x32xi32>
    %and3A_70 = arith.andi %or3A_66, %and3A_69 : vector<128x32xi32>
    %bitcast_convert_type3A_71 = tpu.bitcast %and3A_70 : vector<128x32xi32> -> vector<128x32xf32>
    %concatenate3A = tpu.concatenate %bitcast_convert_type3A, %bitcast_convert_type3A_71 in 1 : vector<128x32xf32>, vector<128x32xf32> -> vector<128x64xf32>
    %dot_general3A = arith.constant dense<0.000000e+00> : vector<3072x128xf32>
    %dot_general3A_72 = tpu.matmul %get3A_1, %concatenate3A, %dot_general3A {dimension_numbers = #tpu.dot_dimension_numbers<[1], [1], [0], [0], [0, 0, 1, 0], [], []>, transpose_lhs_hint = false} : vector<3072x64xf32>, vector<128x64xf32>, vector<3072x128xf32> -> vector<3072x128xf32>
    %swap3A = arith.constant 0 : index
    %swap3A_73 = arith.constant 0 : index
    %swap3A_74 = arith.constant 0 : index
    %swap3A_75 = vector.load %arg13[%swap3A, %swap3A_73, %swap3A_74] : memref<4x3072x128xf32, #tpu.memory_space<vmem>>, vector<1x3072x128xf32>
    %swap3A_76 = vector.shape_cast %swap3A_75 : vector<1x3072x128xf32> to vector<3072x128xf32>
    %swap3A_77 = vector.shape_cast %dot_general3A_72 : vector<3072x128xf32> to vector<1x3072x128xf32>
    tpu.vector_store %arg13[%swap3A, %swap3A_73, %swap3A_74], %swap3A_77 {strides = array<i32>} : memref<4x3072x128xf32, #tpu.memory_space<vmem>>, vector<1x3072x128xf32>,
    %get3A_78 = arith.constant 0 : index
    %get3A_79 = arith.constant 8 : index
    %get3A_80 = vector.load %arg2[%get3A_78, %get3A_79] : memref<128x16xi32, #tpu.memory_space<vmem>>, vector<128x1xi32>
    %eq3A_81 = arith.constant 0 : i32
    %eq3A_82 = vector.broadcast %eq3A_81 : i32 to vector<128x1xi32>
    %eq3A_83 = arith.cmpi eq, %get3A_80, %eq3A_82 : vector<128x1xi32>
    %get3A_84 = arith.constant 0 : i32
    %get3A_85 = arith.constant 0 : i32
    %get3A_86 = arith.constant 0 : i32
    %get3A_87 = tpu.memref_slice %arg7[%get3A_84, %get3A_85, %get3A_86] : memref<4x128x128xi32, #tpu.memory_space<vmem>> -> memref<1x128x128xi32, #tpu.memory_space<vmem>>
    %get3A_88 = tpu.memref_squeeze %get3A_87 : memref<1x128x128xi32, #tpu.memory_space<vmem>> -> memref<128x128xi32, #tpu.memory_space<vmem>>
    %get3A_89 = arith.constant 0 : index
    %get3A_90 = arith.constant 0 : index
    %get3A_91 = vector.load %get3A_88[%get3A_89, %get3A_90] : memref<128x128xi32, #tpu.memory_space<vmem>>, vector<128x32xi32>
    %jit3A_92 = arith.constant 0 : i32
    %broadcast_in_dim3A_93 = vector.shape_cast %eq3A_83 : vector<128x1xi1> to vector<128x1xi1>
    %broadcast_in_dim3A_94 = vector.broadcast %broadcast_in_dim3A_93 : vector<128x1xi1> to vector<128x32xi1>
    %broadcast_in_dim3A_95 = vector.broadcast %jit3A_92 : i32 to vector<128x32xi32>
    %select_n3A_96 = arith.select %broadcast_in_dim3A_94, %get3A_91, %broadcast_in_dim3A_95 : vector<128x32xi1>, vector<128x32xi32>
    %get3A_97 = arith.constant 0 : i32
    %get3A_98 = arith.constant 0 : i32
    %get3A_99 = arith.constant 0 : i32
    %get3A_100 = tpu.memref_slice %arg7[%get3A_97, %get3A_98, %get3A_99] : memref<4x128x128xi32, #tpu.memory_space<vmem>> -> memref<1x128x128xi32, #tpu.memory_space<vmem>>
    %get3A_101 = tpu.memref_squeeze %get3A_100 : memref<1x128x128xi32, #tpu.memory_space<vmem>> -> memref<128x128xi32, #tpu.memory_space<vmem>>
    %get3A_102 = arith.constant 0 : index
    %get3A_103 = arith.constant 32 : index
    %get3A_104 = vector.load %get3A_101[%get3A_102, %get3A_103] : memref<128x128xi32, #tpu.memory_space<vmem>>, vector<128x32xi32>
    %eq3A_105 = arith.constant 1 : i32
    %eq3A_106 = vector.broadcast %eq3A_105 : i32 to vector<128x1xi32>
    %eq3A_107 = arith.cmpi eq, %get3A_80, %eq3A_106 : vector<128x1xi32>
    %jit3A_108 = arith.constant 0 : i32
    %broadcast_in_dim3A_109 = vector.shape_cast %eq3A_107 : vector<128x1xi1> to vector<128x1xi1>
    %broadcast_in_dim3A_110 = vector.broadcast %broadcast_in_dim3A_109 : vector<128x1xi1> to vector<128x32xi1>
    %broadcast_in_dim3A_111 = vector.broadcast %jit3A_108 : i32 to vector<128x32xi32>
    %select_n3A_112 = arith.select %broadcast_in_dim3A_110, %get3A_104, %broadcast_in_dim3A_111 : vector<128x32xi1>, vector<128x32xi32>
    %or3A_113 = arith.ori %select_n3A_96, %select_n3A_112 : vector<128x32xi32>
    %get3A_114 = arith.constant 0 : i32
    %get3A_115 = arith.constant 0 : i32
    %get3A_116 = arith.constant 0 : i32
    %get3A_117 = tpu.memref_slice %arg7[%get3A_114, %get3A_115, %get3A_116] : memref<4x128x128xi32, #tpu.memory_space<vmem>> -> memref<1x128x128xi32, #tpu.memory_space<vmem>>
    %get3A_118 = tpu.memref_squeeze %get3A_117 : memref<1x128x128xi32, #tpu.memory_space<vmem>> -> memref<128x128xi32, #tpu.memory_space<vmem>>
    %get3A_119 = arith.constant 0 : index
    %get3A_120 = arith.constant 64 : index
    %get3A_121 = vector.load %get3A_118[%get3A_119, %get3A_120] : memref<128x128xi32, #tpu.memory_space<vmem>>, vector<128x32xi32>
    %eq3A_122 = arith.constant 2 : i32
    %eq3A_123 = vector.broadcast %eq3A_122 : i32 to vector<128x1xi32>
    %eq3A_124 = arith.cmpi eq, %get3A_80, %eq3A_123 : vector<128x1xi32>
    %jit3A_125 = arith.constant 0 : i32
    %broadcast_in_dim3A_126 = vector.shape_cast %eq3A_124 : vector<128x1xi1> to vector<128x1xi1>
    %broadcast_in_dim3A_127 = vector.broadcast %broadcast_in_dim3A_126 : vector<128x1xi1> to vector<128x32xi1>
    %broadcast_in_dim3A_128 = vector.broadcast %jit3A_125 : i32 to vector<128x32xi32>
    %select_n3A_129 = arith.select %broadcast_in_dim3A_127, %get3A_121, %broadcast_in_dim3A_128 : vector<128x32xi1>, vector<128x32xi32>
    %or3A_130 = arith.ori %or3A_113, %select_n3A_129 : vector<128x32xi32>
    %get3A_131 = arith.constant 0 : i32
    %get3A_132 = arith.constant 0 : i32
    %get3A_133 = arith.constant 0 : i32
    %get3A_134 = tpu.memref_slice %arg7[%get3A_131, %get3A_132, %get3A_133] : memref<4x128x128xi32, #tpu.memory_space<vmem>> -> memref<1x128x128xi32, #tpu.memory_space<vmem>>
    %get3A_135 = tpu.memref_squeeze %get3A_134 : memref<1x128x128xi32, #tpu.memory_space<vmem>> -> memref<128x128xi32, #tpu.memory_space<vmem>>
    %get3A_136 = arith.constant 0 : index
    %get3A_137 = arith.constant 96 : index
    %get3A_138 = vector.load %get3A_135[%get3A_136, %get3A_137] : memref<128x128xi32, #tpu.memory_space<vmem>>, vector<128x32xi32>
    %eq3A_139 = arith.constant 3 : i32
    %eq3A_140 = vector.broadcast %eq3A_139 : i32 to vector<128x1xi32>
    %eq3A_141 = arith.cmpi eq, %get3A_80, %eq3A_140 : vector<128x1xi32>
    %jit3A_142 = arith.constant 0 : i32
    %broadcast_in_dim3A_143 = vector.shape_cast %eq3A_141 : vector<128x1xi1> to vector<128x1xi1>
    %broadcast_in_dim3A_144 = vector.broadcast %broadcast_in_dim3A_143 : vector<128x1xi1> to vector<128x32xi1>
    %broadcast_in_dim3A_145 = vector.broadcast %jit3A_142 : i32 to vector<128x32xi32>
    %select_n3A_146 = arith.select %broadcast_in_dim3A_144, %get3A_138, %broadcast_in_dim3A_145 : vector<128x32xi1>, vector<128x32xi32>
    %or3A_147 = arith.ori %or3A_130, %select_n3A_146 : vector<128x32xi32>
    %shift_left3A_148 = arith.constant 16 : i32
    %shift_left3A_149 = vector.broadcast %shift_left3A_148 : i32 to vector<128x32xi32>
    %shift_left3A_150 = arith.shli %or3A_147, %shift_left3A_149 : vector<128x32xi32>
    %bitcast_convert_type3A_151 = tpu.bitcast %shift_left3A_150 : vector<128x32xi32> -> vector<128x32xf32>
    %and3A_152 = arith.constant -65536 : i32
    %and3A_153 = vector.broadcast %and3A_152 : i32 to vector<128x32xi32>
    %and3A_154 = arith.andi %or3A_147, %and3A_153 : vector<128x32xi32>
    %bitcast_convert_type3A_155 = tpu.bitcast %and3A_154 : vector<128x32xi32> -> vector<128x32xf32>
    %concatenate3A_156 = tpu.concatenate %bitcast_convert_type3A_151, %bitcast_convert_type3A_155 in 1 : vector<128x32xf32>, vector<128x32xf32> -> vector<128x64xf32>
    %dot_general3A_157 = arith.constant dense<0.000000e+00> : vector<3072x128xf32>
    %dot_general3A_158 = tpu.matmul %get3A_1, %concatenate3A_156, %dot_general3A_157 {dimension_numbers = #tpu.dot_dimension_numbers<[1], [1], [0], [0], [0, 0, 1, 0], [], []>, transpose_lhs_hint = false} : vector<3072x64xf32>, vector<128x64xf32>, vector<3072x128xf32> -> vector<3072x128xf32>
    %swap3A_159 = arith.constant 0 : index
    %swap3A_160 = arith.constant 0 : index
    %swap3A_161 = arith.constant 0 : index
    %swap3A_162 = vector.load %arg14[%swap3A_159, %swap3A_160, %swap3A_161] : memref<4x3072x128xf32, #tpu.memory_space<vmem>>, vector<1x3072x128xf32>
    %swap3A_163 = vector.shape_cast %swap3A_162 : vector<1x3072x128xf32> to vector<3072x128xf32>
    %swap3A_164 = vector.shape_cast %dot_general3A_158 : vector<3072x128xf32> to vector<1x3072x128xf32>
    tpu.vector_store %arg14[%swap3A_159, %swap3A_160, %swap3A_161], %swap3A_164 {strides = array<i32>} : memref<4x3072x128xf32, #tpu.memory_space<vmem>>, vector<1x3072x128xf32>,
    %get3A_165 = arith.constant 0 : index
    %get3A_166 = arith.constant 5 : index
    %get3A_167 = vector.load %arg2[%get3A_165, %get3A_166] : memref<128x16xi32, #tpu.memory_space<vmem>>, vector<128x1xi32>
    %eq3A_168 = arith.constant 0 : i32
    %eq3A_169 = vector.broadcast %eq3A_168 : i32 to vector<128x1xi32>
    %eq3A_170 = arith.cmpi eq, %get3A_167, %eq3A_169 : vector<128x1xi32>
    %get3A_171 = arith.constant 1 : i32
    %get3A_172 = arith.constant 0 : i32
    %get3A_173 = arith.constant 0 : i32
    %get3A_174 = tpu.memref_slice %arg6[%get3A_171, %get3A_172, %get3A_173] : memref<4x128x128xi32, #tpu.memory_space<vmem>> -> memref<1x128x128xi32, #tpu.memory_space<vmem>>
    %get3A_175 = tpu.memref_squeeze %get3A_174 : memref<1x128x128xi32, #tpu.memory_space<vmem>> -> memref<128x128xi32, #tpu.memory_space<vmem>>
    %get3A_176 = arith.constant 0 : index
    %get3A_177 = arith.constant 0 : index
    %get3A_178 = vector.load %get3A_175[%get3A_176, %get3A_177] : memref<128x128xi32, #tpu.memory_space<vmem>>, vector<128x32xi32>
    %jit3A_179 = arith.constant 0 : i32
    %broadcast_in_dim3A_180 = vector.shape_cast %eq3A_170 : vector<128x1xi1> to vector<128x1xi1>
    %broadcast_in_dim3A_181 = vector.broadcast %broadcast_in_dim3A_180 : vector<128x1xi1> to vector<128x32xi1>
    %broadcast_in_dim3A_182 = vector.broadcast %jit3A_179 : i32 to vector<128x32xi32>
    %select_n3A_183 = arith.select %broadcast_in_dim3A_181, %get3A_178, %broadcast_in_dim3A_182 : vector<128x32xi1>, vector<128x32xi32>
    %get3A_184 = arith.constant 1 : i32
    %get3A_185 = arith.constant 0 : i32
    %get3A_186 = arith.constant 0 : i32
    %get3A_187 = tpu.memref_slice %arg6[%get3A_184, %get3A_185, %get3A_186] : memref<4x128x128xi32, #tpu.memory_space<vmem>> -> memref<1x128x128xi32, #tpu.memory_space<vmem>>
    %get3A_188 = tpu.memref_squeeze %get3A_187 : memref<1x128x128xi32, #tpu.memory_space<vmem>> -> memref<128x128xi32, #tpu.memory_space<vmem>>
    %get3A_189 = arith.constant 0 : index
    %get3A_190 = arith.constant 32 : index
    %get3A_191 = vector.load %get3A_188[%get3A_189, %get3A_190] : memref<128x128xi32, #tpu.memory_space<vmem>>, vector<128x32xi32>
    %eq3A_192 = arith.constant 1 : i32
    %eq3A_193 = vector.broadcast %eq3A_192 : i32 to vector<128x1xi32>
    %eq3A_194 = arith.cmpi eq, %get3A_167, %eq3A_193 : vector<128x1xi32>
    %jit3A_195 = arith.constant 0 : i32
    %broadcast_in_dim3A_196 = vector.shape_cast %eq3A_194 : vector<128x1xi1> to vector<128x1xi1>
    %broadcast_in_dim3A_197 = vector.broadcast %broadcast_in_dim3A_196 : vector<128x1xi1> to vector<128x32xi1>
    %broadcast_in_dim3A_198 = vector.broadcast %jit3A_195 : i32 to vector<128x32xi32>
    %select_n3A_199 = arith.select %broadcast_in_dim3A_197, %get3A_191, %broadcast_in_dim3A_198 : vector<128x32xi1>, vector<128x32xi32>
    %or3A_200 = arith.ori %select_n3A_183, %select_n3A_199 : vector<128x32xi32>
    %get3A_201 = arith.constant 1 : i32
    %get3A_202 = arith.constant 0 : i32
    %get3A_203 = arith.constant 0 : i32
    %get3A_204 = tpu.memref_slice %arg6[%get3A_201, %get3A_202, %get3A_203] : memref<4x128x128xi32, #tpu.memory_space<vmem>> -> memref<1x128x128xi32, #tpu.memory_space<vmem>>
    %get3A_205 = tpu.memref_squeeze %get3A_204 : memref<1x128x128xi32, #tpu.memory_space<vmem>> -> memref<128x128xi32, #tpu.memory_space<vmem>>
    %get3A_206 = arith.constant 0 : index
    %get3A_207 = arith.constant 64 : index
    %get3A_208 = vector.load %get3A_205[%get3A_206, %get3A_207] : memref<128x128xi32, #tpu.memory_space<vmem>>, vector<128x32xi32>
    %eq3A_209 = arith.constant 2 : i32
    %eq3A_210 = vector.broadcast %eq3A_209 : i32 to vector<128x1xi32>
    %eq3A_211 = arith.cmpi eq, %get3A_167, %eq3A_210 : vector<128x1xi32>
    %jit3A_212 = arith.constant 0 : i32
    %broadcast_in_dim3A_213 = vector.shape_cast %eq3A_211 : vector<128x1xi1> to vector<128x1xi1>
    %broadcast_in_dim3A_214 = vector.broadcast %broadcast_in_dim3A_213 : vector<128x1xi1> to vector<128x32xi1>
    %broadcast_in_dim3A_215 = vector.broadcast %jit3A_212 : i32 to vector<128x32xi32>
    %select_n3A_216 = arith.select %broadcast_in_dim3A_214, %get3A_208, %broadcast_in_dim3A_215 : vector<128x32xi1>, vector<128x32xi32>
    %or3A_217 = arith.ori %or3A_200, %select_n3A_216 : vector<128x32xi32>
    %get3A_218 = arith.constant 1 : i32
    %get3A_219 = arith.constant 0 : i32
    %get3A_220 = arith.constant 0 : i32
    %get3A_221 = tpu.memref_slice %arg6[%get3A_218, %get3A_219, %get3A_220] : memref<4x128x128xi32, #tpu.memory_space<vmem>> -> memref<1x128x128xi32, #tpu.memory_space<vmem>>
    %get3A_222 = tpu.memref_squeeze %get3A_221 : memref<1x128x128xi32, #tpu.memory_space<vmem>> -> memref<128x128xi32, #tpu.memory_space<vmem>>
    %get3A_223 = arith.constant 0 : index
    %get3A_224 = arith.constant 96 : index
    %get3A_225 = vector.load %get3A_222[%get3A_223, %get3A_224] : memref<128x128xi32, #tpu.memory_space<vmem>>, vector<128x32xi32>
    %eq3A_226 = arith.constant 3 : i32
    %eq3A_227 = vector.broadcast %eq3A_226 : i32 to vector<128x1xi32>
    %eq3A_228 = arith.cmpi eq, %get3A_167, %eq3A_227 : vector<128x1xi32>
    %jit3A_229 = arith.constant 0 : i32
    %broadcast_in_dim3A_230 = vector.shape_cast %eq3A_228 : vector<128x1xi1> to vector<128x1xi1>
    %broadcast_in_dim3A_231 = vector.broadcast %broadcast_in_dim3A_230 : vector<128x1xi1> to vector<128x32xi1>
    %broadcast_in_dim3A_232 = vector.broadcast %jit3A_229 : i32 to vector<128x32xi32>
    %select_n3A_233 = arith.select %broadcast_in_dim3A_231, %get3A_225, %broadcast_in_dim3A_232 : vector<128x32xi1>, vector<128x32xi32>
    %or3A_234 = arith.ori %or3A_217, %select_n3A_233 : vector<128x32xi32>
    %shift_left3A_235 = arith.constant 16 : i32
    %shift_left3A_236 = vector.broadcast %shift_left3A_235 : i32 to vector<128x32xi32>
    %shift_left3A_237 = arith.shli %or3A_234, %shift_left3A_236 : vector<128x32xi32>
    %bitcast_convert_type3A_238 = tpu.bitcast %shift_left3A_237 : vector<128x32xi32> -> vector<128x32xf32>
    %and3A_239 = arith.constant -65536 : i32
    %and3A_240 = vector.broadcast %and3A_239 : i32 to vector<128x32xi32>
    %and3A_241 = arith.andi %or3A_234, %and3A_240 : vector<128x32xi32>
    %bitcast_convert_type3A_242 = tpu.bitcast %and3A_241 : vector<128x32xi32> -> vector<128x32xf32>
    %concatenate3A_243 = tpu.concatenate %bitcast_convert_type3A_238, %bitcast_convert_type3A_242 in 1 : vector<128x32xf32>, vector<128x32xf32> -> vector<128x64xf32>
    %dot_general3A_244 = arith.constant dense<0.000000e+00> : vector<3072x128xf32>
    %dot_general3A_245 = tpu.matmul %get3A_1, %concatenate3A_243, %dot_general3A_244 {dimension_numbers = #tpu.dot_dimension_numbers<[1], [1], [0], [0], [0, 0, 1, 0], [], []>, transpose_lhs_hint = false} : vector<3072x64xf32>, vector<128x64xf32>, vector<3072x128xf32> -> vector<3072x128xf32>
    %swap3A_246 = arith.constant 1 : index
    %swap3A_247 = arith.constant 0 : index
    %swap3A_248 = arith.constant 0 : index
    %swap3A_249 = vector.load %arg13[%swap3A_246, %swap3A_247, %swap3A_248] : memref<4x3072x128xf32, #tpu.memory_space<vmem>>, vector<1x3072x128xf32>
    %swap3A_250 = vector.shape_cast %swap3A_249 : vector<1x3072x128xf32> to vector<3072x128xf32>
    %swap3A_251 = vector.shape_cast %dot_general3A_245 : vector<3072x128xf32> to vector<1x3072x128xf32>
    tpu.vector_store %arg13[%swap3A_246, %swap3A_247, %swap3A_248], %swap3A_251 {strides = array<i32>} : memref<4x3072x128xf32, #tpu.memory_space<vmem>>, vector<1x3072x128xf32>,
    %get3A_252 = arith.constant 0 : index
    %get3A_253 = arith.constant 9 : index
    %get3A_254 = vector.load %arg2[%get3A_252, %get3A_253] : memref<128x16xi32, #tpu.memory_space<vmem>>, vector<128x1xi32>
    %eq3A_255 = arith.constant 0 : i32
    %eq3A_256 = vector.broadcast %eq3A_255 : i32 to vector<128x1xi32>
    %eq3A_257 = arith.cmpi eq, %get3A_254, %eq3A_256 : vector<128x1xi32>
    %get3A_258 = arith.constant 1 : i32
    %get3A_259 = arith.constant 0 : i32
    %get3A_260 = arith.constant 0 : i32
    %get3A_261 = tpu.memref_slice %arg7[%get3A_258, %get3A_259, %get3A_260] : memref<4x128x128xi32, #tpu.memory_space<vmem>> -> memref<1x128x128xi32, #tpu.memory_space<vmem>>
    %get3A_262 = tpu.memref_squeeze %get3A_261 : memref<1x128x128xi32, #tpu.memory_space<vmem>> -> memref<128x128xi32, #tpu.memory_space<vmem>>
    %get3A_263 = arith.constant 0 : index
    %get3A_264 = arith.constant 0 : index
    %get3A_265 = vector.load %get3A_262[%get3A_263, %get3A_264] : memref<128x128xi32, #tpu.memory_space<vmem>>, vector<128x32xi32>
    %jit3A_266 = arith.constant 0 : i32
    %broadcast_in_dim3A_267 = vector.shape_cast %eq3A_257 : vector<128x1xi1> to vector<128x1xi1>
    %broadcast_in_dim3A_268 = vector.broadcast %broadcast_in_dim3A_267 : vector<128x1xi1> to vector<128x32xi1>
    %broadcast_in_dim3A_269 = vector.broadcast %jit3A_266 : i32 to vector<128x32xi32>
    %select_n3A_270 = arith.select %broadcast_in_dim3A_268, %get3A_265, %broadcast_in_dim3A_269 : vector<128x32xi1>, vector<128x32xi32>
    %get3A_271 = arith.constant 1 : i32
    %get3A_272 = arith.constant 0 : i32
    %get3A_273 = arith.constant 0 : i32
    %get3A_274 = tpu.memref_slice %arg7[%get3A_271, %get3A_272, %get3A_273] : memref<4x128x128xi32, #tpu.memory_space<vmem>> -> memref<1x128x128xi32, #tpu.memory_space<vmem>>
    %get3A_275 = tpu.memref_squeeze %get3A_274 : memref<1x128x128xi32, #tpu.memory_space<vmem>> -> memref<128x128xi32, #tpu.memory_space<vmem>>
    %get3A_276 = arith.constant 0 : index
    %get3A_277 = arith.constant 32 : index
    %get3A_278 = vector.load %get3A_275[%get3A_276, %get3A_277] : memref<128x128xi32, #tpu.memory_space<vmem>>, vector<128x32xi32>
    %eq3A_279 = arith.constant 1 : i32
    %eq3A_280 = vector.broadcast %eq3A_279 : i32 to vector<128x1xi32>
    %eq3A_281 = arith.cmpi eq, %get3A_254, %eq3A_280 : vector<128x1xi32>
    %jit3A_282 = arith.constant 0 : i32
    %broadcast_in_dim3A_283 = vector.shape_cast %eq3A_281 : vector<128x1xi1> to vector<128x1xi1>
    %broadcast_in_dim3A_284 = vector.broadcast %broadcast_in_dim3A_283 : vector<128x1xi1> to vector<128x32xi1>
    %broadcast_in_dim3A_285 = vector.broadcast %jit3A_282 : i32 to vector<128x32xi32>
    %select_n3A_286 = arith.select %broadcast_in_dim3A_284, %get3A_278, %broadcast_in_dim3A_285 : vector<128x32xi1>, vector<128x32xi32>
    %or3A_287 = arith.ori %select_n3A_270, %select_n3A_286 : vector<128x32xi32>
    %get3A_288 = arith.constant 1 : i32
    %get3A_289 = arith.constant 0 : i32
    %get3A_290 = arith.constant 0 : i32
    %get3A_291 = tpu.memref_slice %arg7[%get3A_288, %get3A_289, %get3A_290] : memref<4x128x128xi32, #tpu.memory_space<vmem>> -> memref<1x128x128xi32, #tpu.memory_space<vmem>>
    %get3A_292 = tpu.memref_squeeze %get3A_291 : memref<1x128x128xi32, #tpu.memory_space<vmem>> -> memref<128x128xi32, #tpu.memory_space<vmem>>
    %get3A_293 = arith.constant 0 : index
    %get3A_294 = arith.constant 64 : index
    %get3A_295 = vector.load %get3A_292[%get3A_293, %get3A_294] : memref<128x128xi32, #tpu.memory_space<vmem>>, vector<128x32xi32>
    %eq3A_296 = arith.constant 2 : i32
    %eq3A_297 = vector.broadcast %eq3A_296 : i32 to vector<128x1xi32>
    %eq3A_298 = arith.cmpi eq, %get3A_254, %eq3A_297 : vector<128x1xi32>
    %jit3A_299 = arith.constant 0 : i32
    %broadcast_in_dim3A_300 = vector.shape_cast %eq3A_298 : vector<128x1xi1> to vector<128x1xi1>
    %broadcast_in_dim3A_301 = vector.broadcast %broadcast_in_dim3A_300 : vector<128x1xi1> to vector<128x32xi1>
    %broadcast_in_dim3A_302 = vector.broadcast %jit3A_299 : i32 to vector<128x32xi32>
    %select_n3A_303 = arith.select %broadcast_in_dim3A_301, %get3A_295, %broadcast_in_dim3A_302 : vector<128x32xi1>, vector<128x32xi32>
    %or3A_304 = arith.ori %or3A_287, %select_n3A_303 : vector<128x32xi32>
    %get3A_305 = arith.constant 1 : i32
    %get3A_306 = arith.constant 0 : i32
    %get3A_307 = arith.constant 0 : i32
    %get3A_308 = tpu.memref_slice %arg7[%get3A_305, %get3A_306, %get3A_307] : memref<4x128x128xi32, #tpu.memory_space<vmem>> -> memref<1x128x128xi32, #tpu.memory_space<vmem>>
    %get3A_309 = tpu.memref_squeeze %get3A_308 : memref<1x128x128xi32, #tpu.memory_space<vmem>> -> memref<128x128xi32, #tpu.memory_space<vmem>>
    %get3A_310 = arith.constant 0 : index
    %get3A_311 = arith.constant 96 : index
    %get3A_312 = vector.load %get3A_309[%get3A_310, %get3A_311] : memref<128x128xi32, #tpu.memory_space<vmem>>, vector<128x32xi32>
    %eq3A_313 = arith.constant 3 : i32
    %eq3A_314 = vector.broadcast %eq3A_313 : i32 to vector<128x1xi32>
    %eq3A_315 = arith.cmpi eq, %get3A_254, %eq3A_314 : vector<128x1xi32>
    %jit3A_316 = arith.constant 0 : i32
    %broadcast_in_dim3A_317 = vector.shape_cast %eq3A_315 : vector<128x1xi1> to vector<128x1xi1>
    %broadcast_in_dim3A_318 = vector.broadcast %broadcast_in_dim3A_317 : vector<128x1xi1> to vector<128x32xi1>
    %broadcast_in_dim3A_319 = vector.broadcast %jit3A_316 : i32 to vector<128x32xi32>
    %select_n3A_320 = arith.select %broadcast_in_dim3A_318, %get3A_312, %broadcast_in_dim3A_319 : vector<128x32xi1>, vector<128x32xi32>
    %or3A_321 = arith.ori %or3A_304, %select_n3A_320 : vector<128x32xi32>
    %shift_left3A_322 = arith.constant 16 : i32
    %shift_left3A_323 = vector.broadcast %shift_left3A_322 : i32 to vector<128x32xi32>
    %shift_left3A_324 = arith.shli %or3A_321, %shift_left3A_323 : vector<128x32xi32>
    %bitcast_convert_type3A_325 = tpu.bitcast %shift_left3A_324 : vector<128x32xi32> -> vector<128x32xf32>
    %and3A_326 = arith.constant -65536 : i32
    %and3A_327 = vector.broadcast %and3A_326 : i32 to vector<128x32xi32>
    %and3A_328 = arith.andi %or3A_321, %and3A_327 : vector<128x32xi32>
    %bitcast_convert_type3A_329 = tpu.bitcast %and3A_328 : vector<128x32xi32> -> vector<128x32xf32>
    %concatenate3A_330 = tpu.concatenate %bitcast_convert_type3A_325, %bitcast_convert_type3A_329 in 1 : vector<128x32xf32>, vector<128x32xf32> -> vector<128x64xf32>
    %dot_general3A_331 = arith.constant dense<0.000000e+00> : vector<3072x128xf32>
    %dot_general3A_332 = tpu.matmul %get3A_1, %concatenate3A_330, %dot_general3A_331 {dimension_numbers = #tpu.dot_dimension_numbers<[1], [1], [0], [0], [0, 0, 1, 0], [], []>, transpose_lhs_hint = false} : vector<3072x64xf32>, vector<128x64xf32>, vector<3072x128xf32> -> vector<3072x128xf32>
    %swap3A_333 = arith.constant 1 : index
    %swap3A_334 = arith.constant 0 : index
    %swap3A_335 = arith.constant 0 : index
    %swap3A_336 = vector.load %arg14[%swap3A_333, %swap3A_334, %swap3A_335] : memref<4x3072x128xf32, #tpu.memory_space<vmem>>, vector<1x3072x128xf32>
    %swap3A_337 = vector.shape_cast %swap3A_336 : vector<1x3072x128xf32> to vector<3072x128xf32>
    %swap3A_338 = vector.shape_cast %dot_general3A_332 : vector<3072x128xf32> to vector<1x3072x128xf32>
    tpu.vector_store %arg14[%swap3A_333, %swap3A_334, %swap3A_335], %swap3A_338 {strides = array<i32>} : memref<4x3072x128xf32, #tpu.memory_space<vmem>>, vector<1x3072x128xf32>,
    %get3A_339 = arith.constant 0 : index
    %get3A_340 = arith.constant 6 : index
    %get3A_341 = vector.load %arg2[%get3A_339, %get3A_340] : memref<128x16xi32, #tpu.memory_space<vmem>>, vector<128x1xi32>
    %eq3A_342 = arith.constant 0 : i32
    %eq3A_343 = vector.broadcast %eq3A_342 : i32 to vector<128x1xi32>
    %eq3A_344 = arith.cmpi eq, %get3A_341, %eq3A_343 : vector<128x1xi32>
    %get3A_345 = arith.constant 2 : i32
    %get3A_346 = arith.constant 0 : i32
    %get3A_347 = arith.constant 0 : i32
    %get3A_348 = tpu.memref_slice %arg6[%get3A_345, %get3A_346, %get3A_347] : memref<4x128x128xi32, #tpu.memory_space<vmem>> -> memref<1x128x128xi32, #tpu.memory_space<vmem>>
    %get3A_349 = tpu.memref_squeeze %get3A_348 : memref<1x128x128xi32, #tpu.memory_space<vmem>> -> memref<128x128xi32, #tpu.memory_space<vmem>>
    %get3A_350 = arith.constant 0 : index
    %get3A_351 = arith.constant 0 : index
    %get3A_352 = vector.load %get3A_349[%get3A_350, %get3A_351] : memref<128x128xi32, #tpu.memory_space<vmem>>, vector<128x32xi32>
    %jit3A_353 = arith.constant 0 : i32
    %broadcast_in_dim3A_354 = vector.shape_cast %eq3A_344 : vector<128x1xi1> to vector<128x1xi1>
    %broadcast_in_dim3A_355 = vector.broadcast %broadcast_in_dim3A_354 : vector<128x1xi1> to vector<128x32xi1>
    %broadcast_in_dim3A_356 = vector.broadcast %jit3A_353 : i32 to vector<128x32xi32>
    %select_n3A_357 = arith.select %broadcast_in_dim3A_355, %get3A_352, %broadcast_in_dim3A_356 : vector<128x32xi1>, vector<128x32xi32>
    %get3A_358 = arith.constant 2 : i32
    %get3A_359 = arith.constant 0 : i32
    %get3A_360 = arith.constant 0 : i32
    %get3A_361 = tpu.memref_slice %arg6[%get3A_358, %get3A_359, %get3A_360] : memref<4x128x128xi32, #tpu.memory_space<vmem>> -> memref<1x128x128xi32, #tpu.memory_space<vmem>>
    %get3A_362 = tpu.memref_squeeze %get3A_361 : memref<1x128x128xi32, #tpu.memory_space<vmem>> -> memref<128x128xi32, #tpu.memory_space<vmem>>
    %get3A_363 = arith.constant 0 : index
    %get3A_364 = arith.constant 32 : index
    %get3A_365 = vector.load %get3A_362[%get3A_363, %get3A_364] : memref<128x128xi32, #tpu.memory_space<vmem>>, vector<128x32xi32>
    %eq3A_366 = arith.constant 1 : i32
    %eq3A_367 = vector.broadcast %eq3A_366 : i32 to vector<128x1xi32>
    %eq3A_368 = arith.cmpi eq, %get3A_341, %eq3A_367 : vector<128x1xi32>
    %jit3A_369 = arith.constant 0 : i32
    %broadcast_in_dim3A_370 = vector.shape_cast %eq3A_368 : vector<128x1xi1> to vector<128x1xi1>
    %broadcast_in_dim3A_371 = vector.broadcast %broadcast_in_dim3A_370 : vector<128x1xi1> to vector<128x32xi1>
    %broadcast_in_dim3A_372 = vector.broadcast %jit3A_369 : i32 to vector<128x32xi32>
    %select_n3A_373 = arith.select %broadcast_in_dim3A_371, %get3A_365, %broadcast_in_dim3A_372 : vector<128x32xi1>, vector<128x32xi32>
    %or3A_374 = arith.ori %select_n3A_357, %select_n3A_373 : vector<128x32xi32>
    %get3A_375 = arith.constant 2 : i32
    %get3A_376 = arith.constant 0 : i32
    %get3A_377 = arith.constant 0 : i32
    %get3A_378 = tpu.memref_slice %arg6[%get3A_375, %get3A_376, %get3A_377] : memref<4x128x128xi32, #tpu.memory_space<vmem>> -> memref<1x128x128xi32, #tpu.memory_space<vmem>>
    %get3A_379 = tpu.memref_squeeze %get3A_378 : memref<1x128x128xi32, #tpu.memory_space<vmem>> -> memref<128x128xi32, #tpu.memory_space<vmem>>
    %get3A_380 = arith.constant 0 : index
    %get3A_381 = arith.constant 64 : index
    %get3A_382 = vector.load %get3A_379[%get3A_380, %get3A_381] : memref<128x128xi32, #tpu.memory_space<vmem>>, vector<128x32xi32>
    %eq3A_383 = arith.constant 2 : i32
    %eq3A_384 = vector.broadcast %eq3A_383 : i32 to vector<128x1xi32>
    %eq3A_385 = arith.cmpi eq, %get3A_341, %eq3A_384 : vector<128x1xi32>
    %jit3A_386 = arith.constant 0 : i32
    %broadcast_in_dim3A_387 = vector.shape_cast %eq3A_385 : vector<128x1xi1> to vector<128x1xi1>
    %broadcast_in_dim3A_388 = vector.broadcast %broadcast_in_dim3A_387 : vector<128x1xi1> to vector<128x32xi1>
    %broadcast_in_dim3A_389 = vector.broadcast %jit3A_386 : i32 to vector<128x32xi32>
    %select_n3A_390 = arith.select %broadcast_in_dim3A_388, %get3A_382, %broadcast_in_dim3A_389 : vector<128x32xi1>, vector<128x32xi32>
    %or3A_391 = arith.ori %or3A_374, %select_n3A_390 : vector<128x32xi32>
    %get3A_392 = arith.constant 2 : i32
    %get3A_393 = arith.constant 0 : i32
    %get3A_394 = arith.constant 0 : i32
    %get3A_395 = tpu.memref_slice %arg6[%get3A_392, %get3A_393, %get3A_394] : memref<4x128x128xi32, #tpu.memory_space<vmem>> -> memref<1x128x128xi32, #tpu.memory_space<vmem>>
    %get3A_396 = tpu.memref_squeeze %get3A_395 : memref<1x128x128xi32, #tpu.memory_space<vmem>> -> memref<128x128xi32, #tpu.memory_space<vmem>>
    %get3A_397 = arith.constant 0 : index
    %get3A_398 = arith.constant 96 : index
    %get3A_399 = vector.load %get3A_396[%get3A_397, %get3A_398] : memref<128x128xi32, #tpu.memory_space<vmem>>, vector<128x32xi32>
    %eq3A_400 = arith.constant 3 : i32
    %eq3A_401 = vector.broadcast %eq3A_400 : i32 to vector<128x1xi32>
    %eq3A_402 = arith.cmpi eq, %get3A_341, %eq3A_401 : vector<128x1xi32>
    %jit3A_403 = arith.constant 0 : i32
    %broadcast_in_dim3A_404 = vector.shape_cast %eq3A_402 : vector<128x1xi1> to vector<128x1xi1>
    %broadcast_in_dim3A_405 = vector.broadcast %broadcast_in_dim3A_404 : vector<128x1xi1> to vector<128x32xi1>
    %broadcast_in_dim3A_406 = vector.broadcast %jit3A_403 : i32 to vector<128x32xi32>
    %select_n3A_407 = arith.select %broadcast_in_dim3A_405, %get3A_399, %broadcast_in_dim3A_406 : vector<128x32xi1>, vector<128x32xi32>
    %or3A_408 = arith.ori %or3A_391, %select_n3A_407 : vector<128x32xi32>
    %shift_left3A_409 = arith.constant 16 : i32
    %shift_left3A_410 = vector.broadcast %shift_left3A_409 : i32 to vector<128x32xi32>
    %shift_left3A_411 = arith.shli %or3A_408, %shift_left3A_410 : vector<128x32xi32>
    %bitcast_convert_type3A_412 = tpu.bitcast %shift_left3A_411 : vector<128x32xi32> -> vector<128x32xf32>
    %and3A_413 = arith.constant -65536 : i32
    %and3A_414 = vector.broadcast %and3A_413 : i32 to vector<128x32xi32>
    %and3A_415 = arith.andi %or3A_408, %and3A_414 : vector<128x32xi32>
    %bitcast_convert_type3A_416 = tpu.bitcast %and3A_415 : vector<128x32xi32> -> vector<128x32xf32>
    %concatenate3A_417 = tpu.concatenate %bitcast_convert_type3A_412, %bitcast_convert_type3A_416 in 1 : vector<128x32xf32>, vector<128x32xf32> -> vector<128x64xf32>
    %dot_general3A_418 = arith.constant dense<0.000000e+00> : vector<3072x128xf32>
    %dot_general3A_419 = tpu.matmul %get3A_1, %concatenate3A_417, %dot_general3A_418 {dimension_numbers = #tpu.dot_dimension_numbers<[1], [1], [0], [0], [0, 0, 1, 0], [], []>, transpose_lhs_hint = false} : vector<3072x64xf32>, vector<128x64xf32>, vector<3072x128xf32> -> vector<3072x128xf32>
    %swap3A_420 = arith.constant 2 : index
    %swap3A_421 = arith.constant 0 : index
    %swap3A_422 = arith.constant 0 : index
    %swap3A_423 = vector.load %arg13[%swap3A_420, %swap3A_421, %swap3A_422] : memref<4x3072x128xf32, #tpu.memory_space<vmem>>, vector<1x3072x128xf32>
    %swap3A_424 = vector.shape_cast %swap3A_423 : vector<1x3072x128xf32> to vector<3072x128xf32>
    %swap3A_425 = vector.shape_cast %dot_general3A_419 : vector<3072x128xf32> to vector<1x3072x128xf32>
    tpu.vector_store %arg13[%swap3A_420, %swap3A_421, %swap3A_422], %swap3A_425 {strides = array<i32>} : memref<4x3072x128xf32, #tpu.memory_space<vmem>>, vector<1x3072x128xf32>,
    %get3A_426 = arith.constant 0 : index
    %get3A_427 = arith.constant 10 : index
    %get3A_428 = vector.load %arg2[%get3A_426, %get3A_427] : memref<128x16xi32, #tpu.memory_space<vmem>>, vector<128x1xi32>
    %eq3A_429 = arith.constant 0 : i32
    %eq3A_430 = vector.broadcast %eq3A_429 : i32 to vector<128x1xi32>
    %eq3A_431 = arith.cmpi eq, %get3A_428, %eq3A_430 : vector<128x1xi32>
    %get3A_432 = arith.constant 2 : i32
    %get3A_433 = arith.constant 0 : i32
    %get3A_434 = arith.constant 0 : i32
    %get3A_435 = tpu.memref_slice %arg7[%get3A_432, %get3A_433, %get3A_434] : memref<4x128x128xi32, #tpu.memory_space<vmem>> -> memref<1x128x128xi32, #tpu.memory_space<vmem>>
    %get3A_436 = tpu.memref_squeeze %get3A_435 : memref<1x128x128xi32, #tpu.memory_space<vmem>> -> memref<128x128xi32, #tpu.memory_space<vmem>>
    %get3A_437 = arith.constant 0 : index
    %get3A_438 = arith.constant 0 : index
    %get3A_439 = vector.load %get3A_436[%get3A_437, %get3A_438] : memref<128x128xi32, #tpu.memory_space<vmem>>, vector<128x32xi32>
    %jit3A_440 = arith.constant 0 : i32
    %broadcast_in_dim3A_441 = vector.shape_cast %eq3A_431 : vector<128x1xi1> to vector<128x1xi1>
    %broadcast_in_dim3A_442 = vector.broadcast %broadcast_in_dim3A_441 : vector<128x1xi1> to vector<128x32xi1>
    %broadcast_in_dim3A_443 = vector.broadcast %jit3A_440 : i32 to vector<128x32xi32>
    %select_n3A_444 = arith.select %broadcast_in_dim3A_442, %get3A_439, %broadcast_in_dim3A_443 : vector<128x32xi1>, vector<128x32xi32>
    %get3A_445 = arith.constant 2 : i32
    %get3A_446 = arith.constant 0 : i32
    %get3A_447 = arith.constant 0 : i32
    %get3A_448 = tpu.memref_slice %arg7[%get3A_445, %get3A_446, %get3A_447] : memref<4x128x128xi32, #tpu.memory_space<vmem>> -> memref<1x128x128xi32, #tpu.memory_space<vmem>>
    %get3A_449 = tpu.memref_squeeze %get3A_448 : memref<1x128x128xi32, #tpu.memory_space<vmem>> -> memref<128x128xi32, #tpu.memory_space<vmem>>
    %get3A_450 = arith.constant 0 : index
    %get3A_451 = arith.constant 32 : index
    %get3A_452 = vector.load %get3A_449[%get3A_450, %get3A_451] : memref<128x128xi32, #tpu.memory_space<vmem>>, vector<128x32xi32>
    %eq3A_453 = arith.constant 1 : i32
    %eq3A_454 = vector.broadcast %eq3A_453 : i32 to vector<128x1xi32>
    %eq3A_455 = arith.cmpi eq, %get3A_428, %eq3A_454 : vector<128x1xi32>
    %jit3A_456 = arith.constant 0 : i32
    %broadcast_in_dim3A_457 = vector.shape_cast %eq3A_455 : vector<128x1xi1> to vector<128x1xi1>
    %broadcast_in_dim3A_458 = vector.broadcast %broadcast_in_dim3A_457 : vector<128x1xi1> to vector<128x32xi1>
    %broadcast_in_dim3A_459 = vector.broadcast %jit3A_456 : i32 to vector<128x32xi32>
    %select_n3A_460 = arith.select %broadcast_in_dim3A_458, %get3A_452, %broadcast_in_dim3A_459 : vector<128x32xi1>, vector<128x32xi32>
    %or3A_461 = arith.ori %select_n3A_444, %select_n3A_460 : vector<128x32xi32>
    %get3A_462 = arith.constant 2 : i32
    %get3A_463 = arith.constant 0 : i32
    %get3A_464 = arith.constant 0 : i32
    %get3A_465 = tpu.memref_slice %arg7[%get3A_462, %get3A_463, %get3A_464] : memref<4x128x128xi32, #tpu.memory_space<vmem>> -> memref<1x128x128xi32, #tpu.memory_space<vmem>>
    %get3A_466 = tpu.memref_squeeze %get3A_465 : memref<1x128x128xi32, #tpu.memory_space<vmem>> -> memref<128x128xi32, #tpu.memory_space<vmem>>
    %get3A_467 = arith.constant 0 : index
    %get3A_468 = arith.constant 64 : index
    %get3A_469 = vector.load %get3A_466[%get3A_467, %get3A_468] : memref<128x128xi32, #tpu.memory_space<vmem>>, vector<128x32xi32>
    %eq3A_470 = arith.constant 2 : i32
    %eq3A_471 = vector.broadcast %eq3A_470 : i32 to vector<128x1xi32>
    %eq3A_472 = arith.cmpi eq, %get3A_428, %eq3A_471 : vector<128x1xi32>
    %jit3A_473 = arith.constant 0 : i32
    %broadcast_in_dim3A_474 = vector.shape_cast %eq3A_472 : vector<128x1xi1> to vector<128x1xi1>
    %broadcast_in_dim3A_475 = vector.broadcast %broadcast_in_dim3A_474 : vector<128x1xi1> to vector<128x32xi1>
    %broadcast_in_dim3A_476 = vector.broadcast %jit3A_473 : i32 to vector<128x32xi32>
    %select_n3A_477 = arith.select %broadcast_in_dim3A_475, %get3A_469, %broadcast_in_dim3A_476 : vector<128x32xi1>, vector<128x32xi32>
    %or3A_478 = arith.ori %or3A_461, %select_n3A_477 : vector<128x32xi32>
    %get3A_479 = arith.constant 2 : i32
    %get3A_480 = arith.constant 0 : i32
    %get3A_481 = arith.constant 0 : i32
    %get3A_482 = tpu.memref_slice %arg7[%get3A_479, %get3A_480, %get3A_481] : memref<4x128x128xi32, #tpu.memory_space<vmem>> -> memref<1x128x128xi32, #tpu.memory_space<vmem>>
    %get3A_483 = tpu.memref_squeeze %get3A_482 : memref<1x128x128xi32, #tpu.memory_space<vmem>> -> memref<128x128xi32, #tpu.memory_space<vmem>>
    %get3A_484 = arith.constant 0 : index
    %get3A_485 = arith.constant 96 : index
    %get3A_486 = vector.load %get3A_483[%get3A_484, %get3A_485] : memref<128x128xi32, #tpu.memory_space<vmem>>, vector<128x32xi32>
    %eq3A_487 = arith.constant 3 : i32
    %eq3A_488 = vector.broadcast %eq3A_487 : i32 to vector<128x1xi32>
    %eq3A_489 = arith.cmpi eq, %get3A_428, %eq3A_488 : vector<128x1xi32>
    %jit3A_490 = arith.constant 0 : i32
    %broadcast_in_dim3A_491 = vector.shape_cast %eq3A_489 : vector<128x1xi1> to vector<128x1xi1>
    %broadcast_in_dim3A_492 = vector.broadcast %broadcast_in_dim3A_491 : vector<128x1xi1> to vector<128x32xi1>
    %broadcast_in_dim3A_493 = vector.broadcast %jit3A_490 : i32 to vector<128x32xi32>
    %select_n3A_494 = arith.select %broadcast_in_dim3A_492, %get3A_486, %broadcast_in_dim3A_493 : vector<128x32xi1>, vector<128x32xi32>
    %or3A_495 = arith.ori %or3A_478, %select_n3A_494 : vector<128x32xi32>
    %shift_left3A_496 = arith.constant 16 : i32
    %shift_left3A_497 = vector.broadcast %shift_left3A_496 : i32 to vector<128x32xi32>
    %shift_left3A_498 = arith.shli %or3A_495, %shift_left3A_497 : vector<128x32xi32>
    %bitcast_convert_type3A_499 = tpu.bitcast %shift_left3A_498 : vector<128x32xi32> -> vector<128x32xf32>
    %and3A_500 = arith.constant -65536 : i32
    %and3A_501 = vector.broadcast %and3A_500 : i32 to vector<128x32xi32>
    %and3A_502 = arith.andi %or3A_495, %and3A_501 : vector<128x32xi32>
    %bitcast_convert_type3A_503 = tpu.bitcast %and3A_502 : vector<128x32xi32> -> vector<128x32xf32>
    %concatenate3A_504 = tpu.concatenate %bitcast_convert_type3A_499, %bitcast_convert_type3A_503 in 1 : vector<128x32xf32>, vector<128x32xf32> -> vector<128x64xf32>
    %dot_general3A_505 = arith.constant dense<0.000000e+00> : vector<3072x128xf32>
    %dot_general3A_506 = tpu.matmul %get3A_1, %concatenate3A_504, %dot_general3A_505 {dimension_numbers = #tpu.dot_dimension_numbers<[1], [1], [0], [0], [0, 0, 1, 0], [], []>, transpose_lhs_hint = false} : vector<3072x64xf32>, vector<128x64xf32>, vector<3072x128xf32> -> vector<3072x128xf32>
    %swap3A_507 = arith.constant 2 : index
    %swap3A_508 = arith.constant 0 : index
    %swap3A_509 = arith.constant 0 : index
    %swap3A_510 = vector.load %arg14[%swap3A_507, %swap3A_508, %swap3A_509] : memref<4x3072x128xf32, #tpu.memory_space<vmem>>, vector<1x3072x128xf32>
    %swap3A_511 = vector.shape_cast %swap3A_510 : vector<1x3072x128xf32> to vector<3072x128xf32>
    %swap3A_512 = vector.shape_cast %dot_general3A_506 : vector<3072x128xf32> to vector<1x3072x128xf32>
    tpu.vector_store %arg14[%swap3A_507, %swap3A_508, %swap3A_509], %swap3A_512 {strides = array<i32>} : memref<4x3072x128xf32, #tpu.memory_space<vmem>>, vector<1x3072x128xf32>,
    %get3A_513 = arith.constant 0 : index
    %get3A_514 = arith.constant 7 : index
    %get3A_515 = vector.load %arg2[%get3A_513, %get3A_514] : memref<128x16xi32, #tpu.memory_space<vmem>>, vector<128x1xi32>
    %eq3A_516 = arith.constant 0 : i32
    %eq3A_517 = vector.broadcast %eq3A_516 : i32 to vector<128x1xi32>
    %eq3A_518 = arith.cmpi eq, %get3A_515, %eq3A_517 : vector<128x1xi32>
    %get3A_519 = arith.constant 3 : i32
    %get3A_520 = arith.constant 0 : i32
    %get3A_521 = arith.constant 0 : i32
    %get3A_522 = tpu.memref_slice %arg6[%get3A_519, %get3A_520, %get3A_521] : memref<4x128x128xi32, #tpu.memory_space<vmem>> -> memref<1x128x128xi32, #tpu.memory_space<vmem>>
    %get3A_523 = tpu.memref_squeeze %get3A_522 : memref<1x128x128xi32, #tpu.memory_space<vmem>> -> memref<128x128xi32, #tpu.memory_space<vmem>>
    %get3A_524 = arith.constant 0 : index
    %get3A_525 = arith.constant 0 : index
    %get3A_526 = vector.load %get3A_523[%get3A_524, %get3A_525] : memref<128x128xi32, #tpu.memory_space<vmem>>, vector<128x32xi32>
    %jit3A_527 = arith.constant 0 : i32
    %broadcast_in_dim3A_528 = vector.shape_cast %eq3A_518 : vector<128x1xi1> to vector<128x1xi1>
    %broadcast_in_dim3A_529 = vector.broadcast %broadcast_in_dim3A_528 : vector<128x1xi1> to vector<128x32xi1>
    %broadcast_in_dim3A_530 = vector.broadcast %jit3A_527 : i32 to vector<128x32xi32>
    %select_n3A_531 = arith.select %broadcast_in_dim3A_529, %get3A_526, %broadcast_in_dim3A_530 : vector<128x32xi1>, vector<128x32xi32>
    %get3A_532 = arith.constant 3 : i32
    %get3A_533 = arith.constant 0 : i32
    %get3A_534 = arith.constant 0 : i32
    %get3A_535 = tpu.memref_slice %arg6[%get3A_532, %get3A_533, %get3A_534] : memref<4x128x128xi32, #tpu.memory_space<vmem>> -> memref<1x128x128xi32, #tpu.memory_space<vmem>>
    %get3A_536 = tpu.memref_squeeze %get3A_535 : memref<1x128x128xi32, #tpu.memory_space<vmem>> -> memref<128x128xi32, #tpu.memory_space<vmem>>
    %get3A_537 = arith.constant 0 : index
    %get3A_538 = arith.constant 32 : index
    %get3A_539 = vector.load %get3A_536[%get3A_537, %get3A_538] : memref<128x128xi32, #tpu.memory_space<vmem>>, vector<128x32xi32>
    %eq3A_540 = arith.constant 1 : i32
    %eq3A_541 = vector.broadcast %eq3A_540 : i32 to vector<128x1xi32>
    %eq3A_542 = arith.cmpi eq, %get3A_515, %eq3A_541 : vector<128x1xi32>
    %jit3A_543 = arith.constant 0 : i32
    %broadcast_in_dim3A_544 = vector.shape_cast %eq3A_542 : vector<128x1xi1> to vector<128x1xi1>
    %broadcast_in_dim3A_545 = vector.broadcast %broadcast_in_dim3A_544 : vector<128x1xi1> to vector<128x32xi1>
    %broadcast_in_dim3A_546 = vector.broadcast %jit3A_543 : i32 to vector<128x32xi32>
    %select_n3A_547 = arith.select %broadcast_in_dim3A_545, %get3A_539, %broadcast_in_dim3A_546 : vector<128x32xi1>, vector<128x32xi32>
    %or3A_548 = arith.ori %select_n3A_531, %select_n3A_547 : vector<128x32xi32>
    %get3A_549 = arith.constant 3 : i32
    %get3A_550 = arith.constant 0 : i32
    %get3A_551 = arith.constant 0 : i32
    %get3A_552 = tpu.memref_slice %arg6[%get3A_549, %get3A_550, %get3A_551] : memref<4x128x128xi32, #tpu.memory_space<vmem>> -> memref<1x128x128xi32, #tpu.memory_space<vmem>>
    %get3A_553 = tpu.memref_squeeze %get3A_552 : memref<1x128x128xi32, #tpu.memory_space<vmem>> -> memref<128x128xi32, #tpu.memory_space<vmem>>
    %get3A_554 = arith.constant 0 : index
    %get3A_555 = arith.constant 64 : index
    %get3A_556 = vector.load %get3A_553[%get3A_554, %get3A_555] : memref<128x128xi32, #tpu.memory_space<vmem>>, vector<128x32xi32>
    %eq3A_557 = arith.constant 2 : i32
    %eq3A_558 = vector.broadcast %eq3A_557 : i32 to vector<128x1xi32>
    %eq3A_559 = arith.cmpi eq, %get3A_515, %eq3A_558 : vector<128x1xi32>
    %jit3A_560 = arith.constant 0 : i32
    %broadcast_in_dim3A_561 = vector.shape_cast %eq3A_559 : vector<128x1xi1> to vector<128x1xi1>
    %broadcast_in_dim3A_562 = vector.broadcast %broadcast_in_dim3A_561 : vector<128x1xi1> to vector<128x32xi1>
    %broadcast_in_dim3A_563 = vector.broadcast %jit3A_560 : i32 to vector<128x32xi32>
    %select_n3A_564 = arith.select %broadcast_in_dim3A_562, %get3A_556, %broadcast_in_dim3A_563 : vector<128x32xi1>, vector<128x32xi32>
    %or3A_565 = arith.ori %or3A_548, %select_n3A_564 : vector<128x32xi32>
    %get3A_566 = arith.constant 3 : i32
    %get3A_567 = arith.constant 0 : i32
    %get3A_568 = arith.constant 0 : i32
    %get3A_569 = tpu.memref_slice %arg6[%get3A_566, %get3A_567, %get3A_568] : memref<4x128x128xi32, #tpu.memory_space<vmem>> -> memref<1x128x128xi32, #tpu.memory_space<vmem>>
    %get3A_570 = tpu.memref_squeeze %get3A_569 : memref<1x128x128xi32, #tpu.memory_space<vmem>> -> memref<128x128xi32, #tpu.memory_space<vmem>>
    %get3A_571 = arith.constant 0 : index
    %get3A_572 = arith.constant 96 : index
    %get3A_573 = vector.load %get3A_570[%get3A_571, %get3A_572] : memref<128x128xi32, #tpu.memory_space<vmem>>, vector<128x32xi32>
    %eq3A_574 = arith.constant 3 : i32
    %eq3A_575 = vector.broadcast %eq3A_574 : i32 to vector<128x1xi32>
    %eq3A_576 = arith.cmpi eq, %get3A_515, %eq3A_575 : vector<128x1xi32>
    %jit3A_577 = arith.constant 0 : i32
    %broadcast_in_dim3A_578 = vector.shape_cast %eq3A_576 : vector<128x1xi1> to vector<128x1xi1>
    %broadcast_in_dim3A_579 = vector.broadcast %broadcast_in_dim3A_578 : vector<128x1xi1> to vector<128x32xi1>
    %broadcast_in_dim3A_580 = vector.broadcast %jit3A_577 : i32 to vector<128x32xi32>
    %select_n3A_581 = arith.select %broadcast_in_dim3A_579, %get3A_573, %broadcast_in_dim3A_580 : vector<128x32xi1>, vector<128x32xi32>
    %or3A_582 = arith.ori %or3A_565, %select_n3A_581 : vector<128x32xi32>
    %shift_left3A_583 = arith.constant 16 : i32
    %shift_left3A_584 = vector.broadcast %shift_left3A_583 : i32 to vector<128x32xi32>
    %shift_left3A_585 = arith.shli %or3A_582, %shift_left3A_584 : vector<128x32xi32>
    %bitcast_convert_type3A_586 = tpu.bitcast %shift_left3A_585 : vector<128x32xi32> -> vector<128x32xf32>
    %and3A_587 = arith.constant -65536 : i32
    %and3A_588 = vector.broadcast %and3A_587 : i32 to vector<128x32xi32>
    %and3A_589 = arith.andi %or3A_582, %and3A_588 : vector<128x32xi32>
    %bitcast_convert_type3A_590 = tpu.bitcast %and3A_589 : vector<128x32xi32> -> vector<128x32xf32>
    %concatenate3A_591 = tpu.concatenate %bitcast_convert_type3A_586, %bitcast_convert_type3A_590 in 1 : vector<128x32xf32>, vector<128x32xf32> -> vector<128x64xf32>
    %dot_general3A_592 = arith.constant dense<0.000000e+00> : vector<3072x128xf32>
    %dot_general3A_593 = tpu.matmul %get3A_1, %concatenate3A_591, %dot_general3A_592 {dimension_numbers = #tpu.dot_dimension_numbers<[1], [1], [0], [0], [0, 0, 1, 0], [], []>, transpose_lhs_hint = false} : vector<3072x64xf32>, vector<128x64xf32>, vector<3072x128xf32> -> vector<3072x128xf32>
    %swap3A_594 = arith.constant 3 : index
    %swap3A_595 = arith.constant 0 : index
    %swap3A_596 = arith.constant 0 : index
    %swap3A_597 = vector.load %arg13[%swap3A_594, %swap3A_595, %swap3A_596] : memref<4x3072x128xf32, #tpu.memory_space<vmem>>, vector<1x3072x128xf32>
    %swap3A_598 = vector.shape_cast %swap3A_597 : vector<1x3072x128xf32> to vector<3072x128xf32>
    %swap3A_599 = vector.shape_cast %dot_general3A_593 : vector<3072x128xf32> to vector<1x3072x128xf32>
    tpu.vector_store %arg13[%swap3A_594, %swap3A_595, %swap3A_596], %swap3A_599 {strides = array<i32>} : memref<4x3072x128xf32, #tpu.memory_space<vmem>>, vector<1x3072x128xf32>,
    %get3A_600 = arith.constant 0 : index
    %get3A_601 = arith.constant 11 : index
    %get3A_602 = vector.load %arg2[%get3A_600, %get3A_601] : memref<128x16xi32, #tpu.memory_space<vmem>>, vector<128x1xi32>
    %eq3A_603 = arith.constant 0 : i32
    %eq3A_604 = vector.broadcast %eq3A_603 : i32 to vector<128x1xi32>
    %eq3A_605 = arith.cmpi eq, %get3A_602, %eq3A_604 : vector<128x1xi32>
    %get3A_606 = arith.constant 3 : i32
    %get3A_607 = arith.constant 0 : i32
    %get3A_608 = arith.constant 0 : i32
    %get3A_609 = tpu.memref_slice %arg7[%get3A_606, %get3A_607, %get3A_608] : memref<4x128x128xi32, #tpu.memory_space<vmem>> -> memref<1x128x128xi32, #tpu.memory_space<vmem>>
    %get3A_610 = tpu.memref_squeeze %get3A_609 : memref<1x128x128xi32, #tpu.memory_space<vmem>> -> memref<128x128xi32, #tpu.memory_space<vmem>>
    %get3A_611 = arith.constant 0 : index
    %get3A_612 = arith.constant 0 : index
    %get3A_613 = vector.load %get3A_610[%get3A_611, %get3A_612] : memref<128x128xi32, #tpu.memory_space<vmem>>, vector<128x32xi32>
    %jit3A_614 = arith.constant 0 : i32
    %broadcast_in_dim3A_615 = vector.shape_cast %eq3A_605 : vector<128x1xi1> to vector<128x1xi1>
    %broadcast_in_dim3A_616 = vector.broadcast %broadcast_in_dim3A_615 : vector<128x1xi1> to vector<128x32xi1>
    %broadcast_in_dim3A_617 = vector.broadcast %jit3A_614 : i32 to vector<128x32xi32>
    %select_n3A_618 = arith.select %broadcast_in_dim3A_616, %get3A_613, %broadcast_in_dim3A_617 : vector<128x32xi1>, vector<128x32xi32>
    %get3A_619 = arith.constant 3 : i32
    %get3A_620 = arith.constant 0 : i32
    %get3A_621 = arith.constant 0 : i32
    %get3A_622 = tpu.memref_slice %arg7[%get3A_619, %get3A_620, %get3A_621] : memref<4x128x128xi32, #tpu.memory_space<vmem>> -> memref<1x128x128xi32, #tpu.memory_space<vmem>>
    %get3A_623 = tpu.memref_squeeze %get3A_622 : memref<1x128x128xi32, #tpu.memory_space<vmem>> -> memref<128x128xi32, #tpu.memory_space<vmem>>
    %get3A_624 = arith.constant 0 : index
    %get3A_625 = arith.constant 32 : index
    %get3A_626 = vector.load %get3A_623[%get3A_624, %get3A_625] : memref<128x128xi32, #tpu.memory_space<vmem>>, vector<128x32xi32>
    %eq3A_627 = arith.constant 1 : i32
    %eq3A_628 = vector.broadcast %eq3A_627 : i32 to vector<128x1xi32>
    %eq3A_629 = arith.cmpi eq, %get3A_602, %eq3A_628 : vector<128x1xi32>
    %jit3A_630 = arith.constant 0 : i32
    %broadcast_in_dim3A_631 = vector.shape_cast %eq3A_629 : vector<128x1xi1> to vector<128x1xi1>
    %broadcast_in_dim3A_632 = vector.broadcast %broadcast_in_dim3A_631 : vector<128x1xi1> to vector<128x32xi1>
    %broadcast_in_dim3A_633 = vector.broadcast %jit3A_630 : i32 to vector<128x32xi32>
    %select_n3A_634 = arith.select %broadcast_in_dim3A_632, %get3A_626, %broadcast_in_dim3A_633 : vector<128x32xi1>, vector<128x32xi32>
    %or3A_635 = arith.ori %select_n3A_618, %select_n3A_634 : vector<128x32xi32>
    %get3A_636 = arith.constant 3 : i32
    %get3A_637 = arith.constant 0 : i32
    %get3A_638 = arith.constant 0 : i32
    %get3A_639 = tpu.memref_slice %arg7[%get3A_636, %get3A_637, %get3A_638] : memref<4x128x128xi32, #tpu.memory_space<vmem>> -> memref<1x128x128xi32, #tpu.memory_space<vmem>>
    %get3A_640 = tpu.memref_squeeze %get3A_639 : memref<1x128x128xi32, #tpu.memory_space<vmem>> -> memref<128x128xi32, #tpu.memory_space<vmem>>
    %get3A_641 = arith.constant 0 : index
    %get3A_642 = arith.constant 64 : index
    %get3A_643 = vector.load %get3A_640[%get3A_641, %get3A_642] : memref<128x128xi32, #tpu.memory_space<vmem>>, vector<128x32xi32>
    %eq3A_644 = arith.constant 2 : i32
    %eq3A_645 = vector.broadcast %eq3A_644 : i32 to vector<128x1xi32>
    %eq3A_646 = arith.cmpi eq, %get3A_602, %eq3A_645 : vector<128x1xi32>
    %jit3A_647 = arith.constant 0 : i32
    %broadcast_in_dim3A_648 = vector.shape_cast %eq3A_646 : vector<128x1xi1> to vector<128x1xi1>
    %broadcast_in_dim3A_649 = vector.broadcast %broadcast_in_dim3A_648 : vector<128x1xi1> to vector<128x32xi1>
    %broadcast_in_dim3A_650 = vector.broadcast %jit3A_647 : i32 to vector<128x32xi32>
    %select_n3A_651 = arith.select %broadcast_in_dim3A_649, %get3A_643, %broadcast_in_dim3A_650 : vector<128x32xi1>, vector<128x32xi32>
    %or3A_652 = arith.ori %or3A_635, %select_n3A_651 : vector<128x32xi32>
    %get3A_653 = arith.constant 3 : i32
    %get3A_654 = arith.constant 0 : i32
    %get3A_655 = arith.constant 0 : i32
    %get3A_656 = tpu.memref_slice %arg7[%get3A_653, %get3A_654, %get3A_655] : memref<4x128x128xi32, #tpu.memory_space<vmem>> -> memref<1x128x128xi32, #tpu.memory_space<vmem>>
    %get3A_657 = tpu.memref_squeeze %get3A_656 : memref<1x128x128xi32, #tpu.memory_space<vmem>> -> memref<128x128xi32, #tpu.memory_space<vmem>>
    %get3A_658 = arith.constant 0 : index
    %get3A_659 = arith.constant 96 : index
    %get3A_660 = vector.load %get3A_657[%get3A_658, %get3A_659] : memref<128x128xi32, #tpu.memory_space<vmem>>, vector<128x32xi32>
    %eq3A_661 = arith.constant 3 : i32
    %eq3A_662 = vector.broadcast %eq3A_661 : i32 to vector<128x1xi32>
    %eq3A_663 = arith.cmpi eq, %get3A_602, %eq3A_662 : vector<128x1xi32>
    %jit3A_664 = arith.constant 0 : i32
    %broadcast_in_dim3A_665 = vector.shape_cast %eq3A_663 : vector<128x1xi1> to vector<128x1xi1>
    %broadcast_in_dim3A_666 = vector.broadcast %broadcast_in_dim3A_665 : vector<128x1xi1> to vector<128x32xi1>
    %broadcast_in_dim3A_667 = vector.broadcast %jit3A_664 : i32 to vector<128x32xi32>
    %select_n3A_668 = arith.select %broadcast_in_dim3A_666, %get3A_660, %broadcast_in_dim3A_667 : vector<128x32xi1>, vector<128x32xi32>
    %or3A_669 = arith.ori %or3A_652, %select_n3A_668 : vector<128x32xi32>
    %shift_left3A_670 = arith.constant 16 : i32
    %shift_left3A_671 = vector.broadcast %shift_left3A_670 : i32 to vector<128x32xi32>
    %shift_left3A_672 = arith.shli %or3A_669, %shift_left3A_671 : vector<128x32xi32>
    %bitcast_convert_type3A_673 = tpu.bitcast %shift_left3A_672 : vector<128x32xi32> -> vector<128x32xf32>
    %and3A_674 = arith.constant -65536 : i32
    %and3A_675 = vector.broadcast %and3A_674 : i32 to vector<128x32xi32>
    %and3A_676 = arith.andi %or3A_669, %and3A_675 : vector<128x32xi32>
    %bitcast_convert_type3A_677 = tpu.bitcast %and3A_676 : vector<128x32xi32> -> vector<128x32xf32>
    %concatenate3A_678 = tpu.concatenate %bitcast_convert_type3A_673, %bitcast_convert_type3A_677 in 1 : vector<128x32xf32>, vector<128x32xf32> -> vector<128x64xf32>
    %dot_general3A_679 = arith.constant dense<0.000000e+00> : vector<3072x128xf32>
    %dot_general3A_680 = tpu.matmul %get3A_1, %concatenate3A_678, %dot_general3A_679 {dimension_numbers = #tpu.dot_dimension_numbers<[1], [1], [0], [0], [0, 0, 1, 0], [], []>, transpose_lhs_hint = false} : vector<3072x64xf32>, vector<128x64xf32>, vector<3072x128xf32> -> vector<3072x128xf32>
    %swap3A_681 = arith.constant 3 : index
    %swap3A_682 = arith.constant 0 : index
    %swap3A_683 = arith.constant 0 : index
    %swap3A_684 = vector.load %arg14[%swap3A_681, %swap3A_682, %swap3A_683] : memref<4x3072x128xf32, #tpu.memory_space<vmem>>, vector<1x3072x128xf32>
    %swap3A_685 = vector.shape_cast %swap3A_684 : vector<1x3072x128xf32> to vector<3072x128xf32>
    %swap3A_686 = vector.shape_cast %dot_general3A_680 : vector<3072x128xf32> to vector<1x3072x128xf32>
    tpu.vector_store %arg14[%swap3A_681, %swap3A_682, %swap3A_683], %swap3A_686 {strides = array<i32>} : memref<4x3072x128xf32, #tpu.memory_space<vmem>>, vector<1x3072x128xf32>,
    %get3A_687 = arith.constant 0 : index
    %get3A_688 = arith.constant 0 : index
    %get3A_689 = vector.load %arg1[%get3A_687, %get3A_688] : memref<16x128xf32, #tpu.memory_space<vmem>>, vector<16x128xf32>
    %get3A_690 = arith.constant 0 : index
    %get3A_691 = arith.constant 0 : index
    %get3A_692 = vector.load %arg2[%get3A_690, %get3A_691] : memref<128x16xi32, #tpu.memory_space<vmem>>, vector<128x1xi32>
    %eq3A_693 = arith.constant 0 : i32
    %eq3A_694 = vector.broadcast %eq3A_693 : i32 to vector<128x1xi32>
    %eq3A_695 = arith.cmpi eq, %get3A_692, %eq3A_694 : vector<128x1xi32>
    %get3A_696 = arith.constant 0 : index
    %get3A_697 = arith.constant 0 : index
    %get3A_698 = vector.load %arg3[%get3A_696, %get3A_697] : memref<128x128xi32, #tpu.memory_space<vmem>>, vector<128x32xi32>
    %jit3A_699 = arith.constant 0 : i32
    %broadcast_in_dim3A_700 = vector.shape_cast %eq3A_695 : vector<128x1xi1> to vector<128x1xi1>
    %broadcast_in_dim3A_701 = vector.broadcast %broadcast_in_dim3A_700 : vector<128x1xi1> to vector<128x32xi1>
    %broadcast_in_dim3A_702 = vector.broadcast %jit3A_699 : i32 to vector<128x32xi32>
    %select_n3A_703 = arith.select %broadcast_in_dim3A_701, %get3A_698, %broadcast_in_dim3A_702 : vector<128x32xi1>, vector<128x32xi32>
    %get3A_704 = arith.constant 0 : index
    %get3A_705 = arith.constant 32 : index
    %get3A_706 = vector.load %arg3[%get3A_704, %get3A_705] : memref<128x128xi32, #tpu.memory_space<vmem>>, vector<128x32xi32>
    %eq3A_707 = arith.constant 1 : i32
    %eq3A_708 = vector.broadcast %eq3A_707 : i32 to vector<128x1xi32>
    %eq3A_709 = arith.cmpi eq, %get3A_692, %eq3A_708 : vector<128x1xi32>
    %jit3A_710 = arith.constant 0 : i32
    %broadcast_in_dim3A_711 = vector.shape_cast %eq3A_709 : vector<128x1xi1> to vector<128x1xi1>
    %broadcast_in_dim3A_712 = vector.broadcast %broadcast_in_dim3A_711 : vector<128x1xi1> to vector<128x32xi1>
    %broadcast_in_dim3A_713 = vector.broadcast %jit3A_710 : i32 to vector<128x32xi32>
    %select_n3A_714 = arith.select %broadcast_in_dim3A_712, %get3A_706, %broadcast_in_dim3A_713 : vector<128x32xi1>, vector<128x32xi32>
    %or3A_715 = arith.ori %select_n3A_703, %select_n3A_714 : vector<128x32xi32>
    %get3A_716 = arith.constant 0 : index
    %get3A_717 = arith.constant 64 : index
    %get3A_718 = vector.load %arg3[%get3A_716, %get3A_717] : memref<128x128xi32, #tpu.memory_space<vmem>>, vector<128x32xi32>
    %eq3A_719 = arith.constant 2 : i32
    %eq3A_720 = vector.broadcast %eq3A_719 : i32 to vector<128x1xi32>
    %eq3A_721 = arith.cmpi eq, %get3A_692, %eq3A_720 : vector<128x1xi32>
    %jit3A_722 = arith.constant 0 : i32
    %broadcast_in_dim3A_723 = vector.shape_cast %eq3A_721 : vector<128x1xi1> to vector<128x1xi1>
    %broadcast_in_dim3A_724 = vector.broadcast %broadcast_in_dim3A_723 : vector<128x1xi1> to vector<128x32xi1>
    %broadcast_in_dim3A_725 = vector.broadcast %jit3A_722 : i32 to vector<128x32xi32>
    %select_n3A_726 = arith.select %broadcast_in_dim3A_724, %get3A_718, %broadcast_in_dim3A_725 : vector<128x32xi1>, vector<128x32xi32>
    %or3A_727 = arith.ori %or3A_715, %select_n3A_726 : vector<128x32xi32>
    %get3A_728 = arith.constant 0 : index
    %get3A_729 = arith.constant 96 : index
    %get3A_730 = vector.load %arg3[%get3A_728, %get3A_729] : memref<128x128xi32, #tpu.memory_space<vmem>>, vector<128x32xi32>
    %eq3A_731 = arith.constant 3 : i32
    %eq3A_732 = vector.broadcast %eq3A_731 : i32 to vector<128x1xi32>
    %eq3A_733 = arith.cmpi eq, %get3A_692, %eq3A_732 : vector<128x1xi32>
    %jit3A_734 = arith.constant 0 : i32
    %broadcast_in_dim3A_735 = vector.shape_cast %eq3A_733 : vector<128x1xi1> to vector<128x1xi1>
    %broadcast_in_dim3A_736 = vector.broadcast %broadcast_in_dim3A_735 : vector<128x1xi1> to vector<128x32xi1>
    %broadcast_in_dim3A_737 = vector.broadcast %jit3A_734 : i32 to vector<128x32xi32>
    %select_n3A_738 = arith.select %broadcast_in_dim3A_736, %get3A_730, %broadcast_in_dim3A_737 : vector<128x32xi1>, vector<128x32xi32>
    %or3A_739 = arith.ori %or3A_727, %select_n3A_738 : vector<128x32xi32>
    %shift_left3A_740 = arith.constant 16 : i32
    %shift_left3A_741 = vector.broadcast %shift_left3A_740 : i32 to vector<128x32xi32>
    %shift_left3A_742 = arith.shli %or3A_739, %shift_left3A_741 : vector<128x32xi32>
    %bitcast_convert_type3A_743 = tpu.bitcast %shift_left3A_742 : vector<128x32xi32> -> vector<128x32xf32>
    %and3A_744 = arith.constant -65536 : i32
    %and3A_745 = vector.broadcast %and3A_744 : i32 to vector<128x32xi32>
    %and3A_746 = arith.andi %or3A_739, %and3A_745 : vector<128x32xi32>
    %bitcast_convert_type3A_747 = tpu.bitcast %and3A_746 : vector<128x32xi32> -> vector<128x32xf32>
    %concatenate3A_748 = tpu.concatenate %bitcast_convert_type3A_743, %bitcast_convert_type3A_747 in 1 : vector<128x32xf32>, vector<128x32xf32> -> vector<128x64xf32>
    %dot_general3A_749 = arith.constant dense<0.000000e+00> : vector<3072x128xf32>
    %dot_general3A_750 = tpu.matmul %get3A_1, %concatenate3A_748, %dot_general3A_749 {dimension_numbers = #tpu.dot_dimension_numbers<[1], [1], [0], [0], [0, 0, 1, 0], [], []>, transpose_lhs_hint = false} : vector<3072x64xf32>, vector<128x64xf32>, vector<3072x128xf32> -> vector<3072x128xf32>
    %slice3A = vector.extract_strided_slice %get3A_689 {offsets = [0, 0], sizes = [1, 128], strides = [1, 1]} : vector<16x128xf32> to vector<1x128xf32>
    %slice3A_751 = vector.extract_strided_slice %dot_general3A_750 {offsets = [0, 0], sizes = [768, 128], strides = [1, 1]} : vector<3072x128xf32> to vector<768x128xf32>
    %mul3A = vector.broadcast %slice3A : vector<1x128xf32> to vector<768x128xf32>
    %mul3A_752 = arith.mulf %mul3A, %slice3A_751 : vector<768x128xf32>
    %slice3A_753 = vector.extract_strided_slice %get3A_689 {offsets = [1, 0], sizes = [1, 128], strides = [1, 1]} : vector<16x128xf32> to vector<1x128xf32>
    %slice3A_754 = vector.extract_strided_slice %dot_general3A_750 {offsets = [768, 0], sizes = [768, 128], strides = [1, 1]} : vector<3072x128xf32> to vector<768x128xf32>
    %mul3A_755 = vector.broadcast %slice3A_753 : vector<1x128xf32> to vector<768x128xf32>
    %mul3A_756 = arith.mulf %mul3A_755, %slice3A_754 : vector<768x128xf32>
    %add3A = arith.addf %mul3A_752, %mul3A_756 : vector<768x128xf32>
    %slice3A_757 = vector.extract_strided_slice %get3A_689 {offsets = [2, 0], sizes = [1, 128], strides = [1, 1]} : vector<16x128xf32> to vector<1x128xf32>
    %slice3A_758 = vector.extract_strided_slice %dot_general3A_750 {offsets = [1536, 0], sizes = [768, 128], strides = [1, 1]} : vector<3072x128xf32> to vector<768x128xf32>
    %mul3A_759 = vector.broadcast %slice3A_757 : vector<1x128xf32> to vector<768x128xf32>
    %mul3A_760 = arith.mulf %mul3A_759, %slice3A_758 : vector<768x128xf32>
    %add3A_761 = arith.addf %add3A, %mul3A_760 : vector<768x128xf32>
    %slice3A_762 = vector.extract_strided_slice %get3A_689 {offsets = [3, 0], sizes = [1, 128], strides = [1, 1]} : vector<16x128xf32> to vector<1x128xf32>
    %slice3A_763 = vector.extract_strided_slice %dot_general3A_750 {offsets = [2304, 0], sizes = [768, 128], strides = [1, 1]} : vector<3072x128xf32> to vector<768x128xf32>
    %mul3A_764 = vector.broadcast %slice3A_762 : vector<1x128xf32> to vector<768x128xf32>
    %mul3A_765 = arith.mulf %mul3A_764, %slice3A_763 : vector<768x128xf32>
    %add3A_766 = arith.addf %add3A_761, %mul3A_765 : vector<768x128xf32>
    %swap3A_767 = arith.constant 0 : index
    %swap3A_768 = arith.constant 0 : index
    %swap3A_769 = vector.load %arg10[%swap3A_767, %swap3A_768] : memref<768x128xf32, #tpu.memory_space<vmem>>, vector<768x128xf32>
    tpu.vector_store %arg10[%swap3A_767, %swap3A_768], %add3A_766 {strides = array<i32>} : memref<768x128xf32, #tpu.memory_space<vmem>>, vector<768x128xf32>,
    %get3A_770 = arith.constant 0 : index
    %get3A_771 = arith.constant 2 : index
    %get3A_772 = vector.load %arg2[%get3A_770, %get3A_771] : memref<128x16xi32, #tpu.memory_space<vmem>>, vector<128x1xi32>
    %eq3A_773 = arith.constant 0 : i32
    %eq3A_774 = vector.broadcast %eq3A_773 : i32 to vector<128x1xi32>
    %eq3A_775 = arith.cmpi eq, %get3A_772, %eq3A_774 : vector<128x1xi32>
    %get3A_776 = arith.constant 0 : index
    %get3A_777 = arith.constant 0 : index
    %get3A_778 = vector.load %arg5[%get3A_776, %get3A_777] : memref<128x128xi32, #tpu.memory_space<vmem>>, vector<128x32xi32>
    %jit3A_779 = arith.constant 0 : i32
    %broadcast_in_dim3A_780 = vector.shape_cast %eq3A_775 : vector<128x1xi1> to vector<128x1xi1>
    %broadcast_in_dim3A_781 = vector.broadcast %broadcast_in_dim3A_780 : vector<128x1xi1> to vector<128x32xi1>
    %broadcast_in_dim3A_782 = vector.broadcast %jit3A_779 : i32 to vector<128x32xi32>
    %select_n3A_783 = arith.select %broadcast_in_dim3A_781, %get3A_778, %broadcast_in_dim3A_782 : vector<128x32xi1>, vector<128x32xi32>
    %get3A_784 = arith.constant 0 : index
    %get3A_785 = arith.constant 32 : index
    %get3A_786 = vector.load %arg5[%get3A_784, %get3A_785] : memref<128x128xi32, #tpu.memory_space<vmem>>, vector<128x32xi32>
    %eq3A_787 = arith.constant 1 : i32
    %eq3A_788 = vector.broadcast %eq3A_787 : i32 to vector<128x1xi32>
    %eq3A_789 = arith.cmpi eq, %get3A_772, %eq3A_788 : vector<128x1xi32>
    %jit3A_790 = arith.constant 0 : i32
    %broadcast_in_dim3A_791 = vector.shape_cast %eq3A_789 : vector<128x1xi1> to vector<128x1xi1>
    %broadcast_in_dim3A_792 = vector.broadcast %broadcast_in_dim3A_791 : vector<128x1xi1> to vector<128x32xi1>
    %broadcast_in_dim3A_793 = vector.broadcast %jit3A_790 : i32 to vector<128x32xi32>
    %select_n3A_794 = arith.select %broadcast_in_dim3A_792, %get3A_786, %broadcast_in_dim3A_793 : vector<128x32xi1>, vector<128x32xi32>
    %or3A_795 = arith.ori %select_n3A_783, %select_n3A_794 : vector<128x32xi32>
    %get3A_796 = arith.constant 0 : index
    %get3A_797 = arith.constant 64 : index
    %get3A_798 = vector.load %arg5[%get3A_796, %get3A_797] : memref<128x128xi32, #tpu.memory_space<vmem>>, vector<128x32xi32>
    %eq3A_799 = arith.constant 2 : i32
    %eq3A_800 = vector.broadcast %eq3A_799 : i32 to vector<128x1xi32>
    %eq3A_801 = arith.cmpi eq, %get3A_772, %eq3A_800 : vector<128x1xi32>
    %jit3A_802 = arith.constant 0 : i32
    %broadcast_in_dim3A_803 = vector.shape_cast %eq3A_801 : vector<128x1xi1> to vector<128x1xi1>
    %broadcast_in_dim3A_804 = vector.broadcast %broadcast_in_dim3A_803 : vector<128x1xi1> to vector<128x32xi1>
    %broadcast_in_dim3A_805 = vector.broadcast %jit3A_802 : i32 to vector<128x32xi32>
    %select_n3A_806 = arith.select %broadcast_in_dim3A_804, %get3A_798, %broadcast_in_dim3A_805 : vector<128x32xi1>, vector<128x32xi32>
    %or3A_807 = arith.ori %or3A_795, %select_n3A_806 : vector<128x32xi32>
    %get3A_808 = arith.constant 0 : index
    %get3A_809 = arith.constant 96 : index
    %get3A_810 = vector.load %arg5[%get3A_808, %get3A_809] : memref<128x128xi32, #tpu.memory_space<vmem>>, vector<128x32xi32>
    %eq3A_811 = arith.constant 3 : i32
    %eq3A_812 = vector.broadcast %eq3A_811 : i32 to vector<128x1xi32>
    %eq3A_813 = arith.cmpi eq, %get3A_772, %eq3A_812 : vector<128x1xi32>
    %jit3A_814 = arith.constant 0 : i32
    %broadcast_in_dim3A_815 = vector.shape_cast %eq3A_813 : vector<128x1xi1> to vector<128x1xi1>
    %broadcast_in_dim3A_816 = vector.broadcast %broadcast_in_dim3A_815 : vector<128x1xi1> to vector<128x32xi1>
    %broadcast_in_dim3A_817 = vector.broadcast %jit3A_814 : i32 to vector<128x32xi32>
    %select_n3A_818 = arith.select %broadcast_in_dim3A_816, %get3A_810, %broadcast_in_dim3A_817 : vector<128x32xi1>, vector<128x32xi32>
    %or3A_819 = arith.ori %or3A_807, %select_n3A_818 : vector<128x32xi32>
    %shift_left3A_820 = arith.constant 16 : i32
    %shift_left3A_821 = vector.broadcast %shift_left3A_820 : i32 to vector<128x32xi32>
    %shift_left3A_822 = arith.shli %or3A_819, %shift_left3A_821 : vector<128x32xi32>
    %bitcast_convert_type3A_823 = tpu.bitcast %shift_left3A_822 : vector<128x32xi32> -> vector<128x32xf32>
    %and3A_824 = arith.constant -65536 : i32
    %and3A_825 = vector.broadcast %and3A_824 : i32 to vector<128x32xi32>
    %and3A_826 = arith.andi %or3A_819, %and3A_825 : vector<128x32xi32>
    %bitcast_convert_type3A_827 = tpu.bitcast %and3A_826 : vector<128x32xi32> -> vector<128x32xf32>
    %concatenate3A_828 = tpu.concatenate %bitcast_convert_type3A_823, %bitcast_convert_type3A_827 in 1 : vector<128x32xf32>, vector<128x32xf32> -> vector<128x64xf32>
    %dot_general3A_829 = arith.constant dense<0.000000e+00> : vector<3072x128xf32>
    %dot_general3A_830 = tpu.matmul %get3A_1, %concatenate3A_828, %dot_general3A_829 {dimension_numbers = #tpu.dot_dimension_numbers<[1], [1], [0], [0], [0, 0, 1, 0], [], []>, transpose_lhs_hint = false} : vector<3072x64xf32>, vector<128x64xf32>, vector<3072x128xf32> -> vector<3072x128xf32>
    %slice3A_831 = vector.extract_strided_slice %get3A_689 {offsets = [0, 0], sizes = [1, 128], strides = [1, 1]} : vector<16x128xf32> to vector<1x128xf32>
    %slice3A_832 = vector.extract_strided_slice %dot_general3A_830 {offsets = [0, 0], sizes = [768, 128], strides = [1, 1]} : vector<3072x128xf32> to vector<768x128xf32>
    %mul3A_833 = vector.broadcast %slice3A_831 : vector<1x128xf32> to vector<768x128xf32>
    %mul3A_834 = arith.mulf %mul3A_833, %slice3A_832 : vector<768x128xf32>
    %slice3A_835 = vector.extract_strided_slice %get3A_689 {offsets = [1, 0], sizes = [1, 128], strides = [1, 1]} : vector<16x128xf32> to vector<1x128xf32>
    %slice3A_836 = vector.extract_strided_slice %dot_general3A_830 {offsets = [768, 0], sizes = [768, 128], strides = [1, 1]} : vector<3072x128xf32> to vector<768x128xf32>
    %mul3A_837 = vector.broadcast %slice3A_835 : vector<1x128xf32> to vector<768x128xf32>
    %mul3A_838 = arith.mulf %mul3A_837, %slice3A_836 : vector<768x128xf32>
    %add3A_839 = arith.addf %mul3A_834, %mul3A_838 : vector<768x128xf32>
    %slice3A_840 = vector.extract_strided_slice %get3A_689 {offsets = [2, 0], sizes = [1, 128], strides = [1, 1]} : vector<16x128xf32> to vector<1x128xf32>
    %slice3A_841 = vector.extract_strided_slice %dot_general3A_830 {offsets = [1536, 0], sizes = [768, 128], strides = [1, 1]} : vector<3072x128xf32> to vector<768x128xf32>
    %mul3A_842 = vector.broadcast %slice3A_840 : vector<1x128xf32> to vector<768x128xf32>
    %mul3A_843 = arith.mulf %mul3A_842, %slice3A_841 : vector<768x128xf32>
    %add3A_844 = arith.addf %add3A_839, %mul3A_843 : vector<768x128xf32>
    %slice3A_845 = vector.extract_strided_slice %get3A_689 {offsets = [3, 0], sizes = [1, 128], strides = [1, 1]} : vector<16x128xf32> to vector<1x128xf32>
    %slice3A_846 = vector.extract_strided_slice %dot_general3A_830 {offsets = [2304, 0], sizes = [768, 128], strides = [1, 1]} : vector<3072x128xf32> to vector<768x128xf32>
    %mul3A_847 = vector.broadcast %slice3A_845 : vector<1x128xf32> to vector<768x128xf32>
    %mul3A_848 = arith.mulf %mul3A_847, %slice3A_846 : vector<768x128xf32>
    %add3A_849 = arith.addf %add3A_844, %mul3A_848 : vector<768x128xf32>
    %swap3A_850 = arith.constant 0 : index
    %swap3A_851 = arith.constant 0 : index
    %swap3A_852 = vector.load %arg12[%swap3A_850, %swap3A_851] : memref<768x128xf32, #tpu.memory_space<vmem>>, vector<768x128xf32>
    tpu.vector_store %arg12[%swap3A_850, %swap3A_851], %add3A_849 {strides = array<i32>} : memref<768x128xf32, #tpu.memory_space<vmem>>, vector<768x128xf32>,
    %get3A_853 = arith.constant 0 : index
    %get3A_854 = arith.constant 0 : index
    %get3A_855 = vector.load %arg9[%get3A_853, %get3A_854] : memref<3072x64xf32, #tpu.memory_space<vmem>>, vector<3072x64xf32>
    %get3A_856 = arith.constant 0 : index
    %get3A_857 = arith.constant 1 : index
    %get3A_858 = vector.load %arg2[%get3A_856, %get3A_857] : memref<128x16xi32, #tpu.memory_space<vmem>>, vector<128x1xi32>
    %eq3A_859 = arith.constant 0 : i32
    %eq3A_860 = vector.broadcast %eq3A_859 : i32 to vector<128x1xi32>
    %eq3A_861 = arith.cmpi eq, %get3A_858, %eq3A_860 : vector<128x1xi32>
    %get3A_862 = arith.constant 0 : index
    %get3A_863 = arith.constant 0 : index
    %get3A_864 = vector.load %arg4[%get3A_862, %get3A_863] : memref<128x128xi32, #tpu.memory_space<vmem>>, vector<128x32xi32>
    %jit3A_865 = arith.constant 0 : i32
    %broadcast_in_dim3A_866 = vector.shape_cast %eq3A_861 : vector<128x1xi1> to vector<128x1xi1>
    %broadcast_in_dim3A_867 = vector.broadcast %broadcast_in_dim3A_866 : vector<128x1xi1> to vector<128x32xi1>
    %broadcast_in_dim3A_868 = vector.broadcast %jit3A_865 : i32 to vector<128x32xi32>
    %select_n3A_869 = arith.select %broadcast_in_dim3A_867, %get3A_864, %broadcast_in_dim3A_868 : vector<128x32xi1>, vector<128x32xi32>
    %get3A_870 = arith.constant 0 : index
    %get3A_871 = arith.constant 32 : index
    %get3A_872 = vector.load %arg4[%get3A_870, %get3A_871] : memref<128x128xi32, #tpu.memory_space<vmem>>, vector<128x32xi32>
    %eq3A_873 = arith.constant 1 : i32
    %eq3A_874 = vector.broadcast %eq3A_873 : i32 to vector<128x1xi32>
    %eq3A_875 = arith.cmpi eq, %get3A_858, %eq3A_874 : vector<128x1xi32>
    %jit3A_876 = arith.constant 0 : i32
    %broadcast_in_dim3A_877 = vector.shape_cast %eq3A_875 : vector<128x1xi1> to vector<128x1xi1>
    %broadcast_in_dim3A_878 = vector.broadcast %broadcast_in_dim3A_877 : vector<128x1xi1> to vector<128x32xi1>
    %broadcast_in_dim3A_879 = vector.broadcast %jit3A_876 : i32 to vector<128x32xi32>
    %select_n3A_880 = arith.select %broadcast_in_dim3A_878, %get3A_872, %broadcast_in_dim3A_879 : vector<128x32xi1>, vector<128x32xi32>
    %or3A_881 = arith.ori %select_n3A_869, %select_n3A_880 : vector<128x32xi32>
    %get3A_882 = arith.constant 0 : index
    %get3A_883 = arith.constant 64 : index
    %get3A_884 = vector.load %arg4[%get3A_882, %get3A_883] : memref<128x128xi32, #tpu.memory_space<vmem>>, vector<128x32xi32>
    %eq3A_885 = arith.constant 2 : i32
    %eq3A_886 = vector.broadcast %eq3A_885 : i32 to vector<128x1xi32>
    %eq3A_887 = arith.cmpi eq, %get3A_858, %eq3A_886 : vector<128x1xi32>
    %jit3A_888 = arith.constant 0 : i32
    %broadcast_in_dim3A_889 = vector.shape_cast %eq3A_887 : vector<128x1xi1> to vector<128x1xi1>
    %broadcast_in_dim3A_890 = vector.broadcast %broadcast_in_dim3A_889 : vector<128x1xi1> to vector<128x32xi1>
    %broadcast_in_dim3A_891 = vector.broadcast %jit3A_888 : i32 to vector<128x32xi32>
    %select_n3A_892 = arith.select %broadcast_in_dim3A_890, %get3A_884, %broadcast_in_dim3A_891 : vector<128x32xi1>, vector<128x32xi32>
    %or3A_893 = arith.ori %or3A_881, %select_n3A_892 : vector<128x32xi32>
    %get3A_894 = arith.constant 0 : index
    %get3A_895 = arith.constant 96 : index
    %get3A_896 = vector.load %arg4[%get3A_894, %get3A_895] : memref<128x128xi32, #tpu.memory_space<vmem>>, vector<128x32xi32>
    %eq3A_897 = arith.constant 3 : i32
    %eq3A_898 = vector.broadcast %eq3A_897 : i32 to vector<128x1xi32>
    %eq3A_899 = arith.cmpi eq, %get3A_858, %eq3A_898 : vector<128x1xi32>
    %jit3A_900 = arith.constant 0 : i32
    %broadcast_in_dim3A_901 = vector.shape_cast %eq3A_899 : vector<128x1xi1> to vector<128x1xi1>
    %broadcast_in_dim3A_902 = vector.broadcast %broadcast_in_dim3A_901 : vector<128x1xi1> to vector<128x32xi1>
    %broadcast_in_dim3A_903 = vector.broadcast %jit3A_900 : i32 to vector<128x32xi32>
    %select_n3A_904 = arith.select %broadcast_in_dim3A_902, %get3A_896, %broadcast_in_dim3A_903 : vector<128x32xi1>, vector<128x32xi32>
    %or3A_905 = arith.ori %or3A_893, %select_n3A_904 : vector<128x32xi32>
    %shift_left3A_906 = arith.constant 16 : i32
    %shift_left3A_907 = vector.broadcast %shift_left3A_906 : i32 to vector<128x32xi32>
    %shift_left3A_908 = arith.shli %or3A_905, %shift_left3A_907 : vector<128x32xi32>
    %bitcast_convert_type3A_909 = tpu.bitcast %shift_left3A_908 : vector<128x32xi32> -> vector<128x32xf32>
    %and3A_910 = arith.constant -65536 : i32
    %and3A_911 = vector.broadcast %and3A_910 : i32 to vector<128x32xi32>
    %and3A_912 = arith.andi %or3A_905, %and3A_911 : vector<128x32xi32>
    %bitcast_convert_type3A_913 = tpu.bitcast %and3A_912 : vector<128x32xi32> -> vector<128x32xf32>
    %concatenate3A_914 = tpu.concatenate %bitcast_convert_type3A_909, %bitcast_convert_type3A_913 in 1 : vector<128x32xf32>, vector<128x32xf32> -> vector<128x64xf32>
    %dot_general3A_915 = arith.constant dense<0.000000e+00> : vector<3072x128xf32>
    %dot_general3A_916 = tpu.matmul %get3A_855, %concatenate3A_914, %dot_general3A_915 {dimension_numbers = #tpu.dot_dimension_numbers<[1], [1], [0], [0], [0, 0, 1, 0], [], []>, transpose_lhs_hint = false} : vector<3072x64xf32>, vector<128x64xf32>, vector<3072x128xf32> -> vector<3072x128xf32>
    %slice3A_917 = vector.extract_strided_slice %get3A_689 {offsets = [0, 0], sizes = [1, 128], strides = [1, 1]} : vector<16x128xf32> to vector<1x128xf32>
    %slice3A_918 = vector.extract_strided_slice %dot_general3A_916 {offsets = [0, 0], sizes = [768, 128], strides = [1, 1]} : vector<3072x128xf32> to vector<768x128xf32>
    %mul3A_919 = vector.broadcast %slice3A_917 : vector<1x128xf32> to vector<768x128xf32>
    %mul3A_920 = arith.mulf %mul3A_919, %slice3A_918 : vector<768x128xf32>
    %slice3A_921 = vector.extract_strided_slice %get3A_689 {offsets = [1, 0], sizes = [1, 128], strides = [1, 1]} : vector<16x128xf32> to vector<1x128xf32>
    %slice3A_922 = vector.extract_strided_slice %dot_general3A_916 {offsets = [768, 0], sizes = [768, 128], strides = [1, 1]} : vector<3072x128xf32> to vector<768x128xf32>
    %mul3A_923 = vector.broadcast %slice3A_921 : vector<1x128xf32> to vector<768x128xf32>
    %mul3A_924 = arith.mulf %mul3A_923, %slice3A_922 : vector<768x128xf32>
    %add3A_925 = arith.addf %mul3A_920, %mul3A_924 : vector<768x128xf32>
    %slice3A_926 = vector.extract_strided_slice %get3A_689 {offsets = [2, 0], sizes = [1, 128], strides = [1, 1]} : vector<16x128xf32> to vector<1x128xf32>
    %slice3A_927 = vector.extract_strided_slice %dot_general3A_916 {offsets = [1536, 0], sizes = [768, 128], strides = [1, 1]} : vector<3072x128xf32> to vector<768x128xf32>
    %mul3A_928 = vector.broadcast %slice3A_926 : vector<1x128xf32> to vector<768x128xf32>
    %mul3A_929 = arith.mulf %mul3A_928, %slice3A_927 : vector<768x128xf32>
    %add3A_930 = arith.addf %add3A_925, %mul3A_929 : vector<768x128xf32>
    %slice3A_931 = vector.extract_strided_slice %get3A_689 {offsets = [3, 0], sizes = [1, 128], strides = [1, 1]} : vector<16x128xf32> to vector<1x128xf32>
    %slice3A_932 = vector.extract_strided_slice %dot_general3A_916 {offsets = [2304, 0], sizes = [768, 128], strides = [1, 1]} : vector<3072x128xf32> to vector<768x128xf32>
    %mul3A_933 = vector.broadcast %slice3A_931 : vector<1x128xf32> to vector<768x128xf32>
    %mul3A_934 = arith.mulf %mul3A_933, %slice3A_932 : vector<768x128xf32>
    %add3A_935 = arith.addf %add3A_930, %mul3A_934 : vector<768x128xf32>
    %swap3A_936 = arith.constant 0 : index
    %swap3A_937 = arith.constant 0 : index
    %swap3A_938 = vector.load %arg11[%swap3A_936, %swap3A_937] : memref<768x128xf32, #tpu.memory_space<vmem>>, vector<768x128xf32>
    tpu.vector_store %arg11[%swap3A_936, %swap3A_937], %add3A_935 {strides = array<i32>} : memref<768x128xf32, #tpu.memory_space<vmem>>, vector<768x128xf32>,
    return
  }
  func.func @transform_0(%arg0: i32) -> (i32, i32) {
    %c0_i32 = arith.constant 0 : i32
    %c0_i32_0 = arith.constant 0 : i32
    return %c0_i32, %arg0 : i32, i32
  }
  func.func @transform_1(%arg0: i32) -> (i32, i32) {
    %c0_i32 = arith.constant 0 : i32
    %c0_i32_0 = arith.constant 0 : i32
    return %arg0, %c0_i32 : i32, i32
  }
  func.func @transform_2(%arg0: i32) -> (i32, i32) {
    %c0_i32 = arith.constant 0 : i32
    %c0_i32_0 = arith.constant 0 : i32
    return %arg0, %c0_i32 : i32, i32
  }
  func.func @transform_3(%arg0: i32) -> (i32, i32) {
    %c0_i32 = arith.constant 0 : i32
    %c0_i32_0 = arith.constant 0 : i32
    return %arg0, %c0_i32 : i32, i32
  }
  func.func @transform_4(%arg0: i32) -> (i32, i32) {
    %c0_i32 = arith.constant 0 : i32
    %c0_i32_0 = arith.constant 0 : i32
    return %arg0, %c0_i32 : i32, i32
  }
  func.func @transform_5(%arg0: i32) -> (i32, i32, i32) {
    %c0_i32 = arith.constant 0 : i32
    %c0_i32_0 = arith.constant 0 : i32
    %c0_i32_1 = arith.constant 0 : i32
    return %c0_i32, %arg0, %c0_i32_0 : i32, i32, i32
  }
  func.func @transform_6(%arg0: i32) -> (i32, i32, i32) {
    %c0_i32 = arith.constant 0 : i32
    %c0_i32_0 = arith.constant 0 : i32
    %c0_i32_1 = arith.constant 0 : i32
    return %c0_i32, %arg0, %c0_i32_0 : i32, i32, i32
  }
  func.func @transform_7(%arg0: i32) -> (i32, i32) {
    %c0_i32 = arith.constant 0 : i32
    %c0_i32_0 = arith.constant 0 : i32
    %c0_i32_1 = arith.constant 0 : i32
    return %c0_i32, %c0_i32_0 : i32, i32
  }
  func.func @transform_8(%arg0: i32) -> (i32, i32) {
    %c0_i32 = arith.constant 0 : i32
    %c0_i32_0 = arith.constant 0 : i32
    %c0_i32_1 = arith.constant 0 : i32
    return %c0_i32, %c0_i32_0 : i32, i32
  }
  func.func @transform_9(%arg0: i32) -> (i32, i32) {
    %c0_i32 = arith.constant 0 : i32
    %c0_i32_0 = arith.constant 0 : i32
    return %c0_i32, %arg0 : i32, i32
  }
  func.func @transform_10(%arg0: i32) -> (i32, i32) {
    %c0_i32 = arith.constant 0 : i32
    %c0_i32_0 = arith.constant 0 : i32
    return %c0_i32, %arg0 : i32, i32
  }
  func.func @transform_11(%arg0: i32) -> (i32, i32) {
    %c0_i32 = arith.constant 0 : i32
    %c0_i32_0 = arith.constant 0 : i32
    return %c0_i32, %arg0 : i32, i32
  }
  func.func @transform_12(%arg0: i32) -> (i32, i32, i32) {
    %c0_i32 = arith.constant 0 : i32
    %c0_i32_0 = arith.constant 0 : i32
    %c0_i32_1 = arith.constant 0 : i32
    return %c0_i32, %c0_i32_0, %arg0 : i32, i32, i32
  }
  func.func @transform_13(%arg0: i32) -> (i32, i32, i32) {
    %c0_i32 = arith.constant 0 : i32
    %c0_i32_0 = arith.constant 0 : i32
    %c0_i32_1 = arith.constant 0 : i32
    return %c0_i32, %c0_i32_0, %arg0 : i32, i32, i32
  }
}

</mosaic_0001>

<sc_bundles>
// kernel: kernel.6.cloned.1.call-start
scs
__scs_entry_jumppad:
0x0: {  	(pc) =	sbr.rel $0x88, $3  }
0x1: {  	(tag) =	ssettag $0x0;
	lr =	simm.s32 $0x1  }
0x2: {  	[smem:$0x3F97] =	sst lr;
	_ =	strace $0xD0000000  }
0x3: {  	_ = 	snop  }
0x4: {  	_ = 	snop  }
0x5: {  	_ = 	snop  }
0x6: {  	_ = 	snop  }
0x7: {  	_ = 	snop  }
__scs_overlays_trampoline_lowered:
0x8: {  	[smem:$0x3FA6] =	sst s0  }
0x9: {  	[smem:$0x3FA7] =	sst s1  }
0xa: {  	[smem:$0x3FA8] =	sst s2  }
0xb: {  	[smem:$0x3FA9] =	sst s3  }
0xc: {  	[smem:$0x3FAA] =	sst s4  }
0xd: {  	[smem:$0x3FAB] =	sst s5  }
0xe: {  	[smem:$0x3FAC] =	sst s6  }
0xf: {  	[smem:$0x3FAD] =	sst s7  }
0x10: {  	[smem:$0x3FAE] =	sst s8  }
0x11: {  	[smem:$0x3FAF] =	sst s9;
	s0 =	simm.s32 @!p0 $0x0  }
0x12: {  	s1 =	sld [smem:$0x3F95];
	s0 =	simm.s32 @p0 $0x1  }
0x13: {  	[smem:$0x3FB0] =	sst s0;
	s0 =	simm.s32 @!p1 $0x0  }
0x14: {  	s2 =	sld [smem:$0x3F94];
	s0 =	simm.s32 @p1 $0x1  }
0x15: {  	[smem:$0x3FB1] =	sst s0;
	s0 =	simm.s32 @!p2 $0x0  }
0x16: {  	s3 =	sld [smem:$0x3FDB];
	s0 =	simm.s32 @p2 $0x1  }
0x17: {  	s4 =	simm.s32 $0x1BF5;
	[smem:$0x3FB3] =	sst s0  }
0x18: {  	s0 =	sld [smem:$0x3F96];
	_ =	swait.ge [sflag:s4], $0x0  }
0x19: {  	s7 =	sld [smem:$0x3F97]  }
0x1a: {  	s8 =	sadd.s32 $0xFFFFE003, lr  }
0x1b: {  	s9 =	sadd.s32 $0xFFFFFEF7, lr;
	s5 =	simm.s32 $0xFFFFFFFF;
	p2 =	slt.u32 s8, $0xFFFFF086  }
0x1c: {  	p1 =	slt.u32 s9, $0xF7A;
	s5 =	simm.s32 @!p2 $0x0  }
0x1d: {  	s5 =	simm.s32 @p1 $0x1;
	p0 =	seq.s32 s7, s2  }
0x1e: {  	s7 =	smul.u32 @!p0 $0xF7A, s2;
	p2 =	seq.s32 @!p0 s5, $0x0  }
0x1f: {  	s9 =	smul.u32 $0xF7A, s1;
	s8 =	simm.s32 @!p0 $0x1BF5;
	p2 =	por !p2, p0  }
0x20: {  	[sflag:s8] =	ssyncset.s32 @!p0 $0xFFFFF086;
	s6 =	sadd.s32 @!p0 s3, s7;
	s7 =	simm.s32 @!p0 $0x108  }
0x21: {  	s3 =	sadd.s32 s3, s9;
	s6 =	sadd.s32 @!p0 $0x88, s6;
	s7 =	simm.s32 @p2 $0x1082  }
0x22: {  	[simem:s7], [sflag:s8] =	dma.local @!p0 [hbm:s6], $0xF7A  }
0x23: {  	s9 =	sor.u32 $0xD0000000, s2;
	s6 =	simm.s32 $0x108;
	_ =	swait.ge @!p0 [sflag:s8], $0x0  }
0x24: {  	s3 =	sadd.s32 $0x88, s3;
	s6 =	simm.s32 @!p1 $0x1082;
	[sflag:s4] =	ssyncset.s32 $0xFFFFF086  }
0x25: {  	[simem:s6], [sflag:s4] =	dma.local [hbm:s3], $0xF7A  }
0x26: {  	[smem:$0x3F97] =	sst s1;
	(tag) =	ssettag s2;
	_ =	strace s9  }
0x27: {  	s1 =	sld [smem:$0x3FA7]  }
0x28: {  	s2 =	sld [smem:$0x3FA8]  }
0x29: {  	s4 =	sld [smem:$0x3FAA]  }
0x2a: {  	p0 =	seq.s32 s5, $0x0;
	s5 =	sld [smem:$0x3FAB]  }
0x2b: {  	s6 =	sld [smem:$0x3FAC]  }
0x2c: {  	s7 =	sld [smem:$0x3FAD]  }
0x2d: {  	s3 =	simm.s32 $0x108;
	s8 =	sld [smem:$0x3FAE]  }
0x2e: {  	s3 =	simm.s32 @!p0 $0x1082;
	s9 =	sld [smem:$0x3FAF]  }
0x2f: {  	lr =	sadd.s32 s0, s3;
	s0 =	sld [smem:$0x3FA6]  }
0x30: {  	s3 =	sld [smem:$0x3FA9]  }
0x31: {  	[smem:$0x3FB2] =	sst s10  }
0x32: {  	s10 =	sld [smem:$0x3FB0];
	_ =	sdelay $0x3  }
0x33: {  	p0 =	seq.s32 s10, $0x1;
	s10 =	sld [smem:$0x3FB2];
	_ =	sdelay $0x3  }
0x34: {  	[smem:$0x3FB2] =	sst s10  }
0x35: {  	s10 =	sld [smem:$0x3FB1];
	_ =	sdelay $0x3  }
0x36: {  	p1 =	seq.s32 s10, $0x1;
	s10 =	sld [smem:$0x3FB2];
	_ =	sdelay $0x3  }
0x37: {  	[smem:$0x3FB2] =	sst s10  }
0x38: {  	s10 =	sld [smem:$0x3FB3]  }
0x39: {  	_ = 	snop;
	(pc) =	sbr.ind lr, $3  }
0x3a: {  	_ = 	snop  }
0x3b: {  	_ = 	snop  }
0x3c: {  	p2 =	seq.s32 s10, $0x1;
	s10 =	sld [smem:$0x3FB2]  }
0x3d: {  	_ =	shalt  }
0x3e: {  	_ =	shalt  }
0x3f: {  	_ =	shalt  }
0x40: {  	_ =	shalt  }
0x41: {  	_ =	shalt  }
0x42: {  	_ =	shalt  }
0x43: {  	_ =	shalt  }
0x44: {  	_ =	shalt  }
0x45: {  	_ =	shalt  }
0x46: {  	_ =	shalt  }
0x47: {  	_ =	shalt  }
0x48: {  	_ =	shalt  }
0x49: {  	_ =	shalt  }
0x4a: {  	_ =	shalt  }
0x4b: {  	_ =	shalt  }
0x4c: {  	_ =	shalt  }
0x4d: {  	_ =	shalt  }
0x4e: {  	_ =	shalt  }
0x4f: {  	_ =	shalt  }
0x50: {  	_ =	shalt  }
0x51: {  	_ =	shalt  }
0x52: {  	_ =	shalt  }
0x53: {  	_ =	shalt  }
0x54: {  	_ =	shalt  }
0x55: {  	_ =	shalt  }
0x56: {  	_ =	shalt  }
0x57: {  	_ =	shalt  }
0x58: {  	_ =	shalt  }
0x59: {  	_ =	shalt  }
0x5a: {  	_ =	shalt  }
0x5b: {  	_ =	shalt  }
0x5c: {  	_ =	shalt  }
0x5d: {  	_ =	shalt  }
0x5e: {  	_ =	shalt  }
0x5f: {  	_ =	shalt  }
0x60: {  	_ =	shalt  }
0x61: {  	_ =	shalt  }
0x62: {  	_ =	shalt  }
0x63: {  	_ =	shalt  }
0x64: {  	_ =	shalt  }
0x65: {  	_ =	shalt  }
0x66: {  	_ =	shalt  }
0x67: {  	_ =	shalt  }
0x68: {  	_ =	shalt  }
0x69: {  	_ =	shalt  }
0x6a: {  	_ =	shalt  }
0x6b: {  	_ =	shalt  }
0x6c: {  	_ =	shalt  }
0x6d: {  	_ =	shalt  }
0x6e: {  	_ =	shalt  }
0x6f: {  	_ =	shalt  }
0x70: {  	_ =	shalt  }
0x71: {  	_ =	shalt  }
0x72: {  	_ =	shalt  }
0x73: {  	_ =	shalt  }
0x74: {  	_ =	shalt  }
0x75: {  	_ =	shalt  }
0x76: {  	_ =	shalt  }
0x77: {  	_ =	shalt  }
0x78: {  	_ =	shalt  }
0x79: {  	_ =	shalt  }
0x7a: {  	_ =	shalt  }
0x7b: {  	_ =	shalt  }
0x7c: {  	_ =	shalt  }
0x7d: {  	_ =	shalt  }
0x7e: {  	_ =	shalt  }
0x7f: {  	_ =	shalt  }
0x80: {  	_ =	shalt  }
0x81: {  	_ =	shalt  }
0x82: {  	_ =	shalt  }
0x83: {  	_ =	shalt  }
0x84: {  	_ =	shalt  }
0x85: {  	_ =	shalt  }
0x86: {  	_ =	shalt  }
0x87: {  	_ =	shalt  }
.Lfunc_end0:
.L_simem_size_0:
called_computation.1_lowered:
.L_overlay_start_0:
0x88: {  	s2 =	sld [smem:$0x3FD9]  }
0x89: {  	s3 =	sld [smem:$0x3FFE];
	_ =	sdelay $0x1  }
0x8a: {  	s1 =	srdreg.scid  }
0x8b: {  	s0 =	sand.u32 $0x1, s1  }
0x8c: {  	s15 =	sshll.u32 s0, $0xA;
	s2 =	sadd.s32 s3, s2  }
0x8d: {  	s2 =	sadd.s32 s2, s15  }
0x8e: {  	[smem:$0x3FBE] =	sst s2  }
0x8f: {  	_ = 	snop  }
0x90: {  	s2 =	sld [smem:$0x3FD0];
	_ =	sdelay $0x2  }
0x91: {  	s5 =	simm.s32 $0xB;
	s16 =	simm.s32 $0x10  }
0x92: {  	[smem:s16], [sflag:s5] =	dma.local [hbm:s2], $0x1  }
0x93: {  	_ =	swait.eq [sflag:s5], $0x1  }
0x94: {  	s17 =	sld [smem:$0x10]  }
0x95: {  	s4 =	sld [smem:$0x11];
	[sflag:s5] =	ssyncset.done $0x0  }
0x96: {  	s6 =	sld [smem:$0x12];
	[sflag:s5] =	ssyncadd.s32 $0xFFFFFFFF  }
0x97: {  	s18 =	sld [smem:$0x14];
	(tm) =	ssettm $0x1  }
0x98: {  	s19 =	sld [smem:$0x3FFB];
	_ =	sdelay $0x3  }
0x99: {  	_ =	strace s19  }
0x9a: {  	s2 =	sld [smem:$0x3FFC];
	_ =	sdelay $0x3  }
0x9b: {  	_ =	strace s2  }
0x9c: {  	s2 =	sld [smem:$0x3FFD];
	_ =	sdelay $0x3  }
0x9d: {  	_ =	strace s2  }
0x9e: {  	_ =	strace $0x8FFFFFFF  }
0x9f: {  	s20 =	sld [smem:$0x3FDB];
	_ =	sdelay $0x1  }
0xa0: {  	s7 =	simm.s32 $_scs_section_size  }
0xa1: {  	s8 =	simm.s32 $_size__tile_overlayer_lowered;
	s9 =	simm.s32 $_tile_overlayer_lowered  }
0xa2: {  	s10 =	simm.s32 $0x1BFF;
	s21 =	sshll.u32 s9, $0x1;
	s7 =	sadd.s32 s7, s20  }
0xa3: {  	s22 =	simm.s32 $0x0;
	s8 =	sshll.u32 s8, $0x1;
	s9 =	sadd.s32 s21, s7  }
0xa4: {  	[timem:s22], [sflag:s10] =	dma.local [hbm:s9], s8  }
0xa5: {  	_ =	swait.ge [sflag:s10], s8  }
0xa6: {  	s8 =	ssub.s32 $0x0, s8;
	[sflag:s10] =	ssyncset.done $0x0  }
0xa7: {  	[sflag:s10] =	ssyncadd.s32 s8;
	_ =	sdelay $0x1  }
0xa8: {  	s23 =	simm.s32 $0x1B8B  }
0xa9: {  	_ =	swait.ge [sflag:s23], $0x1  }
0xaa: {  	[sflag:s23] =	ssyncset.done $0x0  }
0xab: {  	[sflag:s23] =	ssyncadd.s32 $0xFFFFFFFF  }
0xac: {  	s8 =	sld [smem:$0x0]  }
0xad: {  	s9 =	sand.u32 $0xFFFFFFFE, s1  }
0xae: {  	p0 =	sne.s32 s1, s9  }
0xaf: {  	s9 =	sshll.u32 @p0 s9, $0xE  }
0xb0: {  	s9 =	sadd.s32 @p0 $0x11B8D, s9;
	s10 =	sshll.u32 @p0 s8, $0x11  }
0xb1: {  	s9 =	sor.u32 @p0 s10, s9  }
0xb2: {  	[sflag:s9] =	ssyncadd.remote.s32 @p0 $0x1;
	_ =	sdelay $0x1  }
0xb3: {  	s9 =	simm.s32 @p0 $0x1B8D  }
0xb4: {  	_ =	swait.eq @p0 [sflag:s9], $0x1  }
0xb5: {  	[sflag:s9] =	ssyncadd.s32 @p0 $0xFFFFFFFF  }
0xb6: {  	s10 =	sshll.u32 @!p0 s1, $0xE  }
0xb7: {  	s10 =	sor.u32 @!p0 $0x4000, s10;
	s9 =	simm.s32 @!p0 $0x1B8D  }
0xb8: {  	s8 =	sshll.u32 @!p0 s8, $0x11;
	s10 =	sadd.s32 @!p0 $0x11B8D, s10;
	_ =	swait.eq @!p0 [sflag:s9], $0x1  }
0xb9: {  	s8 =	sor.u32 @!p0 s8, s10;
	[sflag:s9] =	ssyncadd.s32 @!p0 $0xFFFFFFFF  }
0xba: {  	s25 =	simm.s32 $0x1B8E;
	s24 =	sld [smem:$0x3FFE];
	[sflag:s8] =	ssyncadd.remote.s32 @!p0 $0x1  }
0xbb: {  	s26 =	simm.s32 $execute0_lowered;
	[smem:$0x3FD2] =	sst s25  }
0xbc: {  	s9 =	sshll.u32 s26, $0x1;
	_ =	strace $0x80000049;
	[dreg:$0x1] =	wrdreg $0xFFFFFFFF  }
0xbd: {  	s28 =	simm.s32 $_size_execute0_lowered;
	s7 =	sadd.s32 s7, s9;
	[dreg:$0x0] =	wrdreg $0x0  }
0xbe: {  	s9 =	sshll.u32 s28, $0x1;
	[dreg:$0x2] =	wrdreg s7  }
0xbf: {  	[dreg:$0x3] =	wrdreg s9  }
0xc0: {  	[dreg:$0x4] =	wrdreg $0xC0  }
0xc1: {  	_ =	task [dreg:s22], $0x5FFFF  }
0xc2: {  	[dreg:$0x1] =	wrdreg $0xFFFFFFFF  }
0xc3: {  	[dreg:$0x0] =	wrdreg $0x60  }
0xc4: {  	[dreg:$0x2] =	wrdreg s6  }
0xc5: {  	[dreg:$0x3] =	wrdreg s4  }
0xc6: {  	[dreg:$0x4] =	wrdreg s17  }
0xc7: {  	[dreg:$0x5] =	wrdreg s18  }
0xc8: {  	[dreg:$0x6] =	wrdreg s24  }
0xc9: {  	[dreg:$0x7] =	wrdreg $0xA  }
0xca: {  	_ =	task.clear_ibuf [dreg:s22], $0x8FFFF;
	_ =	strace $0x90000049  }
0xcb: {  	s29 =	simm.s32 $0xA;
	_ =	strace $0x8000004B  }
0xcc: {  	_ =	swait.ge [sflag:s29], $0x1  }
0xcd: {  	[sflag:s29] =	ssyncadd.s32 $0xFFFFFFFF  }
0xce: {  	_ =	strace $0x9000004B  }
0xcf: {  	_ =	sfence  }
0xd0: {  	s30 =	sld [smem:$0x0];
	_ =	sdelay $0x2  }
0xd1: {  	s31 =	sshll.u32 s1, $0xD;
	s1 =	sshrl.u32 s1, $0x2  }
0xd2: {  	s4 =	sand.u32 $0x4000, s31;
	s1 =	sadd.s32 s1, s30  }
0xd3: {  	s0 =	sor.u32 s4, s0;
	s1 =	sshll.u32 s1, $0x11  }
0xd4: {  	s0 =	sor.u32 s1, s0  }
0xd5: {  	s0 =	sadd.s32 $0x8F2B, s0  }
0xd6: {  	[sflag:s0] =	ssyncadd.remote.s32 $0x1  }
0xd7: {  	_ =	sfence.sel $0xFFFF  }
0xd8: {  	[dreg:$0x0] =	wrdreg $0xFFFFFFFF;
	(pc) =	sbr.abs _section_cstart, $3  }
0xd9: {  	[dreg:$0x1] =	wrdreg $0xFFFFFFFF  }
0xda: {  	_ =	task.clear_ibuf [dreg:s22], $0x2FFFF;
	_ =	strace $0x9FFFFFFF  }
0xdb: {  	(tm) =	ssettm $0x7FFFFFFF  }
tec
execute0_lowered:
.L_overlay_start_1:
0x0: {  	(tag) =	ssettag $0x1  }
0x1: {  	s1 =	rddreg [dreg:$0x0]  }
0x2: {  	s3 =	rddreg [dreg:$0x1]  }
0x3: {  	s4 =	rddreg [dreg:$0x2]  }
0x4: {  	s2 =	srdreg.scid;
	s5 =	rddreg [dreg:$0x3]  }
0x5: {  	s0 =	stileid.u32;
	s7 =	rddreg [dreg:$0x4];
	s16 =	simm.s32 $0x400  }
0x6: {  	s28 =	simm.s32 $0x760;
	s29 =	simm.s32 $0x700;
	s30 =	simm.s32 $0x780  }
0x7: {  	s31 =	simm.s32 $0x720;
	s6 =	sand.u32 $0x1, s2;
	s8 =	sshll.u32 s0, $0x6  }
0x8: {  	s2 =	simm.s32 $0x0;
	s12 =	sadd.s32 $0x16E8200, s7;
	s13 =	sadd.s32 $0x16E8400, s7  }
0x9: {  	s9 =	sshll.u32 s6, $0x5;
	[smem:$0x7FF] =	sst s2;
	s19 =	ssub.s32 $0x2, s6  }
0xa: {  	s8 =	sor.u32 s9, s8;
	_ =	strace $0x8000004A;
	s21 =	sshrl.u32 s19, $0x1  }
0xb: {  	s11 =	sshrl.u32 s8, $0x3;
	s8 =	sshll.u32 s8, $0x1;
	s15 =	ssub.s32 s19, s21  }
0xc: {  	s19 =	simm.s32 $0x600;
	s21 =	simm.s32 $0x680;
	s17 =	sadd.s32 s11, s7  }
0xd: {  	s1 =	sadd.s32 s1, s11;
	s14 =	sadd.s32 s8, s7;
	s18 =	sadd.s32 s3, s11  }
0xe: {  	v0 =	vlaneseq.u32;
	s20 =	sadd.s32 s4, s11;
	s22 =	sadd.s32 s5, s11;
	[dreg:$0x6] =	wrdreg s1  }
0xf: {  	v1 =	vmul.u32 $0x10, v0;
	v6 =	vor.u32 $0x20, v0;
	s5 =	sadd.s32 s12, s11;
	s6 =	sadd.s32 s13, s11;
	[dreg:$0x7] =	wrdreg s18  }
0x10: {  	v9 =	vor.u32 $0x40, v0;
	v12 =	vor.u32 $0x60, v0;
	v15 =	vor.u32 $0x10, v0;
	s24 =	sor.u32 $0x80, s11;
	s25 =	sor.u32 $0x100, s11;
	[dreg:$0x8] =	wrdreg s20  }
0x11: {  	v21 =	vor.u32 $0x30, v0;
	v24 =	vor.u32 $0x50, v0;
	v27 =	vor.u32 $0x70, v0;
	s26 =	sor.u32 $0x180, s11;
	[dreg:$0x9] =	wrdreg s22;
	s23 =	sadd.s32 $0x16E7C00, s17  }
0x12: {  	v2 =	vor.u32 $0x1, v1;
	v3 =	vor.u32 $0x2, v1;
	v4 =	vor.u32 $0x4, v1;
	s3 =	sadd.s32 $0x16E7E00, s17;
	s4 =	sadd.s32 $0x16E8000, s17;
	s7 =	sadd.s32 s12, s24  }
0x13: {  	v5 =	vor.u32 $0x8, v1;
	v7 =	vor.u32 $0x5, v1;
	v8 =	vor.u32 $0x9, v1;
	s8 =	sadd.s32 s13, s24;
	s9 =	sadd.s32 s12, s25;
	s10 =	sadd.s32 s13, s25  }
0x14: {  	v10 =	vor.u32 $0x6, v1;
	v11 =	vor.u32 $0xA, v1;
	v13 =	vor.u32 $0x7, v1;
	s11 =	sadd.s32 s12, s26;
	s12 =	sadd.s32 s13, s26;
	s13 =	sadd.s32 $0x16E7400, s14  }
0x15: {  	v14 =	vor.u32 $0xB, v1;
	v16 =	vor.u32 $0x100, v1;
	v17 =	vor.u32 $0x101, v1;
	s14 =	smax.u32 s15, $0x1;
	s15 =	simm.s32 $0x20;
	s17 =	simm.s32 $0x1  }
0x16: {  	v18 =	vor.u32 $0x102, v1;
	v19 =	vor.u32 $0x104, v1;
	v20 =	vor.u32 $0x108, v1;
	s18 =	simm.s32 $0x200;
	s20 =	simm.s32 $0x660;
	s22 =	simm.s32 $0x6A0  }
0x17: {  	v22 =	vor.u32 $0x105, v1;
	v23 =	vor.u32 $0x109, v1;
	v25 =	vor.u32 $0x106, v1;
	s24 =	simm.s32 $0x6C0;
	s25 =	simm.s32 $0x740;
	s26 =	simm.s32 $0x6E0  }
0x18: {  	v26 =	vor.u32 $0x10A, v1;
	v28 =	vor.u32 $0x107, v1;
	v29 =	vor.u32 $0x10B, v1;
	s1 =	simm.s32 $0x7A0;
	[dreg:$0xa] =	wrdreg s23;
	s23 =	simm.s32 $0x7C0  }
.LBB2_1:
0x19: {  	s0 =	rddreg [dreg:$0x6]  }
0x1a: {  	[tilespmem:s2], [sflag:$0x1] =	stream.strided.gather [hbm4b:s0+s15], $0x200, s16, s15, $0x38;
	[tilespmem:$0x9C0] =	vst v63  }
0x1b: {  	_ =	swait.ge [sflag:s17], $0x200  }
0x1c: {  	[sflag:s17] =	ssyncset.done $0x0  }
0x1d: {  	s0 =	rddreg [dreg:$0x7];
	[sflag:s17] =	ssyncadd.s32 $0xFFFFFE00  }
0x1e: {  	[tilespmem:s18], [sflag:$0x1] =	stream.strided.gather [hbm4b:s0+s15], $0x200, s16, s15, $0x38;
	[tilespmem:$0x9C0] =	vst v63  }
0x1f: {  	_ =	swait.ge [sflag:s17], $0x200  }
0x20: {  	[sflag:s17] =	ssyncset.done $0x0  }
0x21: {  	s0 =	rddreg [dreg:$0x8];
	[sflag:s17] =	ssyncadd.s32 $0xFFFFFE00  }
0x22: {  	[tilespmem:s16], [sflag:$0x1] =	stream.strided.gather [hbm4b:s0+s15], $0x200, s16, s15, $0x38;
	[tilespmem:$0x9C0] =	vst v63  }
0x23: {  	_ =	swait.ge [sflag:s17], $0x200  }
0x24: {  	[sflag:s17] =	ssyncset.done $0x0  }
0x25: {  	s0 =	rddreg [dreg:$0x9];
	[sflag:s17] =	ssyncadd.s32 $0xFFFFFE00  }
0x26: {  	[tilespmem:s19], [sflag:$0x1] =	stream.strided.gather [hbm4b:s0+s15], $0x60, s16, s15, $0x38;
	[tilespmem:$0x9C0] =	vst v63  }
0x27: {  	_ =	swait.ge [sflag:s17], $0x60  }
0x28: {  	[sflag:s17] =	ssyncset.done $0x0  }
0x29: {  	[sflag:s17] =	ssyncadd.s32 $0xFFFFFFA0  }
0x2a: {  	v30 =	vld [tilespmem:$0x40]  }
0x2b: {  	v31 =	vld [tilespmem:$0x20]  }
0x2c: {  	v32 =	vld [tilespmem:$0x60];
	_ =	sdelay $0x2  }
0x2d: {  	v30 =	vadd.f32 v30, v30;
	_ =	sdelay $0x1  }
0x2e: {  	v30 =	vadd.f32 v30, v31;
	v31 =	vmul.f32 $3.000000000e+00, v32  }
0x2f: {  	v60 =	vld [tilespmem:$0x600]  }
0x30: {  	v30 =	vadd.f32 v31, v30;
	v31 =	vld [tilespmem:$0x620]  }
0x31: {  	v33 =	vld [tilespmem:$0x640]  }
0x32: {  	v30 =	vtrunc.f32 v30  }
0x33: {  	v30 =	vcvt.f32.s32 v30  }
0x34: {  	v34 =	vshrl.u32 v60, $0x2  }
0x35: {  	[tilespmem:v0+s20+$0x0] =	vst.idx.msk $0xffff, v34;
	v61 =	vshrl.u32 v31, $0x2;
	v30 =	vshll.u32 v30, $0x7  }
0x36: {  	v62 =	vshrl.u32 v33, $0x2;
	[tilespmem:v0+s21+$0x0] =	vst.idx.msk $0xffff, v61;
	v35 =	vor.u32 v0, v30  }
0x37: {  	v32 =	vand.u32 $0x3, v60;
	[tilespmem:v0+s22+$0x0] =	vst.idx.msk $0xffff, v62  }
0x38: {  	v31 =	vand.u32 $0x3, v31;
	[tilespmem:v1+s23+$0x0] =	vst.idx.msk $0xffff, v32  }
0x39: {  	[tilespmem:v2+s23+$0x0] =	vst.idx.msk $0xffff, v31;
	v31 =	vand.u32 $0x3, v33  }
0x3a: {  	[tilespmem:v3+s23+$0x0] =	vst.idx.msk $0xffff, v31  }
0x3b: {  	v31 =	vld.idx.msk [tilespmem:v35+s18+$0x0], $0xffff  }
0x3c: {  	v32 =	vld.idx.msk [tilespmem:v35+s16+$0x0], $0xffff;
	_ =	sdelay $0x3  }
0x3d: {  	v36 =	vor.u32 v6, v30;
	v63 =	vshrl.u32 v31, $0x2  }
0x3e: {  	v37 =	vshrl.u32 v32, $0x2;
	[tilespmem:v0+s24+$0x0] =	vst.idx.msk $0xffff, v63  }
0x3f: {  	v31 =	vand.u32 $0x3, v31;
	[tilespmem:v0+s25+$0x0] =	vst.idx.msk $0xffff, v37  }
0x40: {  	[tilespmem:v4+s23+$0x0] =	vst.idx.msk $0xffff, v31;
	v31 =	vand.u32 $0x3, v32  }
0x41: {  	[tilespmem:v5+s23+$0x0] =	vst.idx.msk $0xffff, v31  }
0x42: {  	v31 =	vld.idx.msk [tilespmem:v36+s18+$0x0], $0xffff  }
0x43: {  	v38 =	vld.idx.msk [tilespmem:v36+s16+$0x0], $0xffff;
	_ =	sdelay $0x3  }
0x44: {  	v40 =	vor.u32 v9, v30;
	v39 =	vshrl.u32 v31, $0x2  }
0x45: {  	v41 =	vshrl.u32 v38, $0x2;
	[tilespmem:v6+s24+$0x0] =	vst.idx.msk $0xffff, v39  }
0x46: {  	v31 =	vand.u32 $0x3, v31;
	[tilespmem:v6+s25+$0x0] =	vst.idx.msk $0xffff, v41  }
0x47: {  	[tilespmem:v7+s23+$0x0] =	vst.idx.msk $0xffff, v31;
	v31 =	vand.u32 $0x3, v38  }
0x48: {  	[tilespmem:v8+s23+$0x0] =	vst.idx.msk $0xffff, v31  }
0x49: {  	v31 =	vld.idx.msk [tilespmem:v40+s18+$0x0], $0xffff  }
0x4a: {  	v42 =	vld.idx.msk [tilespmem:v40+s16+$0x0], $0xffff;
	_ =	sdelay $0x3  }
0x4b: {  	v30 =	vor.u32 v12, v30;
	v43 =	vshrl.u32 v31, $0x2  }
0x4c: {  	v44 =	vshrl.u32 v42, $0x2;
	[tilespmem:v9+s24+$0x0] =	vst.idx.msk $0xffff, v43  }
0x4d: {  	v31 =	vand.u32 $0x3, v31;
	[tilespmem:v9+s25+$0x0] =	vst.idx.msk $0xffff, v44  }
0x4e: {  	[tilespmem:v10+s23+$0x0] =	vst.idx.msk $0xffff, v31;
	v31 =	vand.u32 $0x3, v42  }
0x4f: {  	[tilespmem:v11+s23+$0x0] =	vst.idx.msk $0xffff, v31  }
0x50: {  	v31 =	vld.idx.msk [tilespmem:v30+s18+$0x0], $0xffff  }
0x51: {  	v30 =	vld.idx.msk [tilespmem:v30+s16+$0x0], $0xffff;
	_ =	sdelay $0x3  }
0x52: {  	v45 =	vshrl.u32 v31, $0x2  }
0x53: {  	v46 =	vshrl.u32 v30, $0x2;
	[tilespmem:v12+s24+$0x0] =	vst.idx.msk $0xffff, v45  }
0x54: {  	v31 =	vand.u32 $0x3, v31;
	[tilespmem:v12+s25+$0x0] =	vst.idx.msk $0xffff, v46  }
0x55: {  	v30 =	vand.u32 $0x3, v30;
	[tilespmem:v13+s23+$0x0] =	vst.idx.msk $0xffff, v31  }
0x56: {  	[tilespmem:v14+s23+$0x0] =	vst.idx.msk $0xffff, v30  }
0x57: {  	v30 =	vld [tilespmem:$0x50]  }
0x58: {  	v31 =	vld [tilespmem:$0x30]  }
0x59: {  	v32 =	vld [tilespmem:$0x70];
	_ =	sdelay $0x2  }
0x5a: {  	v30 =	vadd.f32 v30, v30;
	_ =	sdelay $0x1  }
0x5b: {  	v30 =	vadd.f32 v30, v31;
	v31 =	vmul.f32 $3.000000000e+00, v32  }
0x5c: {  	v47 =	vld [tilespmem:$0x610]  }
0x5d: {  	v30 =	vadd.f32 v31, v30;
	v31 =	vld [tilespmem:$0x630]  }
0x5e: {  	v33 =	vld [tilespmem:$0x650]  }
0x5f: {  	v30 =	vtrunc.f32 v30  }
0x60: {  	v30 =	vcvt.f32.s32 v30  }
0x61: {  	v48 =	vshrl.u32 v47, $0x2  }
0x62: {  	[tilespmem:v15+s20+$0x0] =	vst.idx.msk $0xffff, v48;
	v49 =	vshrl.u32 v31, $0x2;
	v30 =	vshll.u32 v30, $0x7  }
0x63: {  	v50 =	vshrl.u32 v33, $0x2;
	[tilespmem:v15+s21+$0x0] =	vst.idx.msk $0xffff, v49;
	v51 =	vor.u32 v15, v30  }
0x64: {  	v32 =	vand.u32 $0x3, v47;
	[tilespmem:v15+s22+$0x0] =	vst.idx.msk $0xffff, v50  }
0x65: {  	v31 =	vand.u32 $0x3, v31;
	[tilespmem:v16+s23+$0x0] =	vst.idx.msk $0xffff, v32  }
0x66: {  	[tilespmem:v17+s23+$0x0] =	vst.idx.msk $0xffff, v31;
	v31 =	vand.u32 $0x3, v33  }
0x67: {  	[tilespmem:v18+s23+$0x0] =	vst.idx.msk $0xffff, v31  }
0x68: {  	v31 =	vld.idx.msk [tilespmem:v51+s18+$0x0], $0xffff  }
0x69: {  	v32 =	vld.idx.msk [tilespmem:v51+s16+$0x0], $0xffff;
	_ =	sdelay $0x3  }
0x6a: {  	v53 =	vor.u32 v21, v30;
	v52 =	vshrl.u32 v31, $0x2  }
0x6b: {  	v54 =	vshrl.u32 v32, $0x2;
	[tilespmem:v15+s24+$0x0] =	vst.idx.msk $0xffff, v52  }
0x6c: {  	v31 =	vand.u32 $0x3, v31;
	[tilespmem:v15+s25+$0x0] =	vst.idx.msk $0xffff, v54  }
0x6d: {  	[tilespmem:v19+s23+$0x0] =	vst.idx.msk $0xffff, v31;
	v31 =	vand.u32 $0x3, v32  }
0x6e: {  	[tilespmem:v20+s23+$0x0] =	vst.idx.msk $0xffff, v31  }
0x6f: {  	v31 =	vld.idx.msk [tilespmem:v53+s18+$0x0], $0xffff  }
0x70: {  	v55 =	vld.idx.msk [tilespmem:v53+s16+$0x0], $0xffff;
	_ =	sdelay $0x3  }
0x71: {  	v57 =	vor.u32 v24, v30;
	v56 =	vshrl.u32 v31, $0x2  }
0x72: {  	v58 =	vshrl.u32 v55, $0x2;
	[tilespmem:v21+s24+$0x0] =	vst.idx.msk $0xffff, v56  }
0x73: {  	v31 =	vand.u32 $0x3, v31;
	[tilespmem:v21+s25+$0x0] =	vst.idx.msk $0xffff, v58  }
0x74: {  	[tilespmem:v22+s23+$0x0] =	vst.idx.msk $0xffff, v31;
	v31 =	vand.u32 $0x3, v55  }
0x75: {  	[tilespmem:v23+s23+$0x0] =	vst.idx.msk $0xffff, v31  }
0x76: {  	v31 =	vld.idx.msk [tilespmem:v57+s18+$0x0], $0xffff  }
0x77: {  	v59 =	vld.idx.msk [tilespmem:v57+s16+$0x0], $0xffff;
	_ =	sdelay $0x3  }
0x78: {  	v30 =	vor.u32 v27, v30;
	v60 =	vshrl.u32 v31, $0x2  }
0x79: {  	v61 =	vshrl.u32 v59, $0x2;
	[tilespmem:v24+s24+$0x0] =	vst.idx.msk $0xffff, v60  }
0x7a: {  	v31 =	vand.u32 $0x3, v31;
	[tilespmem:v24+s25+$0x0] =	vst.idx.msk $0xffff, v61  }
0x7b: {  	[tilespmem:v25+s23+$0x0] =	vst.idx.msk $0xffff, v31;
	v31 =	vand.u32 $0x3, v59  }
0x7c: {  	[tilespmem:v26+s23+$0x0] =	vst.idx.msk $0xffff, v31  }
0x7d: {  	v31 =	vld.idx.msk [tilespmem:v30+s18+$0x0], $0xffff  }
0x7e: {  	v30 =	vld.idx.msk [tilespmem:v30+s16+$0x0], $0xffff;
	_ =	sdelay $0x3  }
0x7f: {  	v62 =	vshrl.u32 v31, $0x2  }
0x80: {  	v63 =	vshrl.u32 v30, $0x2;
	[tilespmem:v27+s24+$0x0] =	vst.idx.msk $0xffff, v62  }
0x81: {  	v31 =	vand.u32 $0x3, v31;
	[tilespmem:v27+s25+$0x0] =	vst.idx.msk $0xffff, v63  }
0x82: {  	v30 =	vand.u32 $0x3, v30;
	[tilespmem:v28+s23+$0x0] =	vst.idx.msk $0xffff, v31  }
0x83: {  	s0 =	rddreg [dreg:$0xa];
	[tilespmem:v29+s23+$0x0] =	vst.idx.msk $0xffff, v30  }
0x84: {  	[hbm4b:s0+s2] =	stream.linear.scatter [tilespmem:s20], [sflag:$0x1], $0x20, $0x38;
	[tilespmem:$0x9C0] =	vst v63  }
0x85: {  	_ =	swait.ge [sflag:s17], $0x20  }
0x86: {  	[sflag:s17] =	ssyncset.done $0x0  }
0x87: {  	[sflag:s17] =	ssyncadd.s32 $0xFFFFFFE0  }
0x88: {  	[hbm4b:s3+s2] =	stream.linear.scatter [tilespmem:s21], [sflag:$0x1], $0x20, $0x38;
	[tilespmem:$0x9C0] =	vst v63  }
0x89: {  	_ =	swait.ge [sflag:s17], $0x20  }
0x8a: {  	[sflag:s17] =	ssyncset.done $0x0  }
0x8b: {  	[sflag:s17] =	ssyncadd.s32 $0xFFFFFFE0  }
0x8c: {  	[hbm4b:s4+s2] =	stream.linear.scatter [tilespmem:s22], [sflag:$0x1], $0x20, $0x38;
	[tilespmem:$0x9C0] =	vst v63  }
0x8d: {  	_ =	swait.ge [sflag:s17], $0x20  }
0x8e: {  	[sflag:s17] =	ssyncset.done $0x0  }
0x8f: {  	[sflag:s17] =	ssyncadd.s32 $0xFFFFFFE0  }
0x90: {  	[hbm4b:s5+s2] =	stream.linear.scatter [tilespmem:s24], [sflag:$0x1], $0x20, $0x38;
	[tilespmem:$0x9C0] =	vst v63  }
0x91: {  	_ =	swait.ge [sflag:s17], $0x20  }
0x92: {  	[sflag:s17] =	ssyncset.done $0x0  }
0x93: {  	[sflag:s17] =	ssyncadd.s32 $0xFFFFFFE0  }
0x94: {  	[hbm4b:s6+s2] =	stream.linear.scatter [tilespmem:s25], [sflag:$0x1], $0x20, $0x38;
	[tilespmem:$0x9C0] =	vst v63  }
0x95: {  	_ =	swait.ge [sflag:s17], $0x20  }
0x96: {  	[sflag:s17] =	ssyncset.done $0x0  }
0x97: {  	[sflag:s17] =	ssyncadd.s32 $0xFFFFFFE0  }
0x98: {  	[hbm4b:s7+s2] =	stream.linear.scatter [tilespmem:s26], [sflag:$0x1], $0x20, $0x38;
	[tilespmem:$0x9C0] =	vst v63  }
0x99: {  	_ =	swait.ge [sflag:s17], $0x20  }
0x9a: {  	[sflag:s17] =	ssyncset.done $0x0  }
0x9b: {  	[sflag:s17] =	ssyncadd.s32 $0xFFFFFFE0  }
0x9c: {  	[hbm4b:s8+s2] =	stream.linear.scatter [tilespmem:s28], [sflag:$0x1], $0x20, $0x38;
	[tilespmem:$0x9C0] =	vst v63  }
0x9d: {  	_ =	swait.ge [sflag:s17], $0x20  }
0x9e: {  	[sflag:s17] =	ssyncset.done $0x0  }
0x9f: {  	[sflag:s17] =	ssyncadd.s32 $0xFFFFFFE0  }
0xa0: {  	[hbm4b:s9+s2] =	stream.linear.scatter [tilespmem:s29], [sflag:$0x1], $0x20, $0x38;
	[tilespmem:$0x9C0] =	vst v63  }
0xa1: {  	_ =	swait.ge [sflag:s17], $0x20  }
0xa2: {  	[sflag:s17] =	ssyncset.done $0x0  }
0xa3: {  	[sflag:s17] =	ssyncadd.s32 $0xFFFFFFE0  }
0xa4: {  	[hbm4b:s10+s2] =	stream.linear.scatter [tilespmem:s30], [sflag:$0x1], $0x20, $0x38;
	[tilespmem:$0x9C0] =	vst v63  }
0xa5: {  	_ =	swait.ge [sflag:s17], $0x20  }
0xa6: {  	[sflag:s17] =	ssyncset.done $0x0  }
0xa7: {  	[sflag:s17] =	ssyncadd.s32 $0xFFFFFFE0  }
0xa8: {  	[hbm4b:s11+s2] =	stream.linear.scatter [tilespmem:s31], [sflag:$0x1], $0x20, $0x38;
	[tilespmem:$0x9C0] =	vst v63  }
0xa9: {  	_ =	swait.ge [sflag:s17], $0x20  }
0xaa: {  	[sflag:s17] =	ssyncset.done $0x0  }
0xab: {  	[sflag:s17] =	ssyncadd.s32 $0xFFFFFFE0  }
0xac: {  	[hbm4b:s12+s2] =	stream.linear.scatter [tilespmem:s1], [sflag:$0x1], $0x20, $0x38;
	[tilespmem:$0x9C0] =	vst v63  }
0xad: {  	_ =	swait.ge [sflag:s17], $0x20  }
0xae: {  	p0 =	sne.s32 s14, $0x1;
	[sflag:s17] =	ssyncset.done $0x0  }
.Ltmp0:
0xaf: {  	[sflag:s17] =	ssyncadd.s32 $0xFFFFFFE0;
	(pc) =	sbr.rel @p0 .LBB2_1-.Ltmp0, $4  }
0xb0: {  	[hbm4b:s13+s2] =	stream.linear.scatter [tilespmem:s23], [sflag:$0x1], $0x200, $0x38;
	[tilespmem:$0x9C0] =	vst v63  }
0xb1: {  	_ =	swait.ge [sflag:s17], $0x200  }
0xb2: {  	[sflag:s17] =	ssyncset.done $0x0  }
0xb3: {  	s14 =	sadd.s32 $0xFFFFFFFF, s14;
	[sflag:s17] =	ssyncadd.s32 $0xFFFFFE00  }
0xb4: {  	_ =	sfence.sel $0x180000  }
0xb5: {  	[bflag:$0x0] =	sbarrier.arrive $0xFFFF  }
0xb6: {  	_ =	strace $0x9000004A  }
0xb7: {  	s0 =	stileid.u32;
	[bflag:$0x2] =	sbarrier.arrive $0xFFFF  }
0xb8: {  	p0 =	sne.s32 s0, $0x0;
	s0 =	rddreg [dreg:$0x5]  }
0xb9: {  	s0 =	sadd.s32 @!p0 $0x100000, s0  }
0xba: {  	[sflag:s0] =	ssyncadd.tile.s32 @!p0 $0x1;
	_ =	shalt  }
.Lfunc_end2:
_tile_overlayer_lowered:
.L_overlay_start_2:
0xbb: {  	(tag) =	ssettag $0x2  }
0xbc: {  	s0 =	rddreg [dreg:$0x0];
	s2 =	stileid.u32  }
0xbd: {  	s1 =	rddreg [dreg:$0x1];
	p0 =	sne.s32 s2, $0x0  }
0xbe: {  	s3 =	rddreg [dreg:$0x2];
	[bflag:$0x3] =	sbarrier.arrive $0xFFFF;
	s2 =	simm.s32 @!p0 $0x1C01  }
0xbf: {  	[timem:s3], [sflag:s2] =	dma.local @!p0 [hbm:s0], s1  }
0xc0: {  	s0 =	simm.s32 @!p0 $0x1  }
0xc1: {  	_ =	swait.ge @!p0 [sflag:s0], s1  }
0xc2: {  	s1 =	ssub.s32 @!p0 $0x0, s1;
	[sflag:s0] =	ssyncset.done @!p0 $0x0  }
0xc3: {  	[sflag:s0] =	ssyncadd.s32 @!p0 s1  }
0xc4: {  	[bflag:$0x3] =	sbarrier.arrive $0xFFFF  }
0xc5: {  	_ =	shalt  }

// kernel: kernel.9.cloned.1.call-start
scs
__scs_entry_jumppad:
0x0: {  	(pc) =	sbr.rel $0x88, $3  }
0x1: {  	(tag) =	ssettag $0x0;
	lr =	simm.s32 $0x1  }
0x2: {  	[smem:$0x3F97] =	sst lr;
	_ =	strace $0xD0000000  }
0x3: {  	_ = 	snop  }
0x4: {  	_ = 	snop  }
0x5: {  	_ = 	snop  }
0x6: {  	_ = 	snop  }
0x7: {  	_ = 	snop  }
__scs_overlays_trampoline_lowered:
0x8: {  	[smem:$0x3FA6] =	sst s0  }
0x9: {  	[smem:$0x3FA7] =	sst s1  }
0xa: {  	[smem:$0x3FA8] =	sst s2  }
0xb: {  	[smem:$0x3FA9] =	sst s3  }
0xc: {  	[smem:$0x3FAA] =	sst s4  }
0xd: {  	[smem:$0x3FAB] =	sst s5  }
0xe: {  	[smem:$0x3FAC] =	sst s6  }
0xf: {  	[smem:$0x3FAD] =	sst s7  }
0x10: {  	[smem:$0x3FAE] =	sst s8  }
0x11: {  	[smem:$0x3FAF] =	sst s9;
	s0 =	simm.s32 @!p0 $0x0  }
0x12: {  	s1 =	sld [smem:$0x3F95];
	s0 =	simm.s32 @p0 $0x1  }
0x13: {  	[smem:$0x3FB0] =	sst s0;
	s0 =	simm.s32 @!p1 $0x0  }
0x14: {  	s2 =	sld [smem:$0x3F94];
	s0 =	simm.s32 @p1 $0x1  }
0x15: {  	[smem:$0x3FB1] =	sst s0;
	s0 =	simm.s32 @!p2 $0x0  }
0x16: {  	s3 =	sld [smem:$0x3FDB];
	s0 =	simm.s32 @p2 $0x1  }
0x17: {  	s4 =	simm.s32 $0x1BF5;
	[smem:$0x3FB3] =	sst s0  }
0x18: {  	s0 =	sld [smem:$0x3F96];
	_ =	swait.ge [sflag:s4], $0x0  }
0x19: {  	s7 =	sld [smem:$0x3F97]  }
0x1a: {  	s8 =	sadd.s32 $0xFFFFE003, lr  }
0x1b: {  	s9 =	sadd.s32 $0xFFFFFEF7, lr;
	s5 =	simm.s32 $0xFFFFFFFF;
	p2 =	slt.u32 s8, $0xFFFFF086  }
0x1c: {  	p1 =	slt.u32 s9, $0xF7A;
	s5 =	simm.s32 @!p2 $0x0  }
0x1d: {  	s5 =	simm.s32 @p1 $0x1;
	p0 =	seq.s32 s7, s2  }
0x1e: {  	s7 =	smul.u32 @!p0 $0xF7A, s2;
	p2 =	seq.s32 @!p0 s5, $0x0  }
0x1f: {  	s9 =	smul.u32 $0xF7A, s1;
	s8 =	simm.s32 @!p0 $0x1BF5;
	p2 =	por !p2, p0  }
0x20: {  	[sflag:s8] =	ssyncset.s32 @!p0 $0xFFFFF086;
	s6 =	sadd.s32 @!p0 s3, s7;
	s7 =	simm.s32 @!p0 $0x108  }
0x21: {  	s3 =	sadd.s32 s3, s9;
	s6 =	sadd.s32 @!p0 $0x88, s6;
	s7 =	simm.s32 @p2 $0x1082  }
0x22: {  	[simem:s7], [sflag:s8] =	dma.local @!p0 [hbm:s6], $0xF7A  }
0x23: {  	s9 =	sor.u32 $0xD0000000, s2;
	s6 =	simm.s32 $0x108;
	_ =	swait.ge @!p0 [sflag:s8], $0x0  }
0x24: {  	s3 =	sadd.s32 $0x88, s3;
	s6 =	simm.s32 @!p1 $0x1082;
	[sflag:s4] =	ssyncset.s32 $0xFFFFF086  }
0x25: {  	[simem:s6], [sflag:s4] =	dma.local [hbm:s3], $0xF7A  }
0x26: {  	[smem:$0x3F97] =	sst s1;
	(tag) =	ssettag s2;
	_ =	strace s9  }
0x27: {  	s1 =	sld [smem:$0x3FA7]  }
0x28: {  	s2 =	sld [smem:$0x3FA8]  }
0x29: {  	s4 =	sld [smem:$0x3FAA]  }
0x2a: {  	p0 =	seq.s32 s5, $0x0;
	s5 =	sld [smem:$0x3FAB]  }
0x2b: {  	s6 =	sld [smem:$0x3FAC]  }
0x2c: {  	s7 =	sld [smem:$0x3FAD]  }
0x2d: {  	s3 =	simm.s32 $0x108;
	s8 =	sld [smem:$0x3FAE]  }
0x2e: {  	s3 =	simm.s32 @!p0 $0x1082;
	s9 =	sld [smem:$0x3FAF]  }
0x2f: {  	lr =	sadd.s32 s0, s3;
	s0 =	sld [smem:$0x3FA6]  }
0x30: {  	s3 =	sld [smem:$0x3FA9]  }
0x31: {  	[smem:$0x3FB2] =	sst s10  }
0x32: {  	s10 =	sld [smem:$0x3FB0];
	_ =	sdelay $0x3  }
0x33: {  	p0 =	seq.s32 s10, $0x1;
	s10 =	sld [smem:$0x3FB2];
	_ =	sdelay $0x3  }
0x34: {  	[smem:$0x3FB2] =	sst s10  }
0x35: {  	s10 =	sld [smem:$0x3FB1];
	_ =	sdelay $0x3  }
0x36: {  	p1 =	seq.s32 s10, $0x1;
	s10 =	sld [smem:$0x3FB2];
	_ =	sdelay $0x3  }
0x37: {  	[smem:$0x3FB2] =	sst s10  }
0x38: {  	s10 =	sld [smem:$0x3FB3]  }
0x39: {  	_ = 	snop;
	(pc) =	sbr.ind lr, $3  }
0x3a: {  	_ = 	snop  }
0x3b: {  	_ = 	snop  }
0x3c: {  	p2 =	seq.s32 s10, $0x1;
	s10 =	sld [smem:$0x3FB2]  }
0x3d: {  	_ =	shalt  }
0x3e: {  	_ =	shalt  }
0x3f: {  	_ =	shalt  }
0x40: {  	_ =	shalt  }
0x41: {  	_ =	shalt  }
0x42: {  	_ =	shalt  }
0x43: {  	_ =	shalt  }
0x44: {  	_ =	shalt  }
0x45: {  	_ =	shalt  }
0x46: {  	_ =	shalt  }
0x47: {  	_ =	shalt  }
0x48: {  	_ =	shalt  }
0x49: {  	_ =	shalt  }
0x4a: {  	_ =	shalt  }
0x4b: {  	_ =	shalt  }
0x4c: {  	_ =	shalt  }
0x4d: {  	_ =	shalt  }
0x4e: {  	_ =	shalt  }
0x4f: {  	_ =	shalt  }
0x50: {  	_ =	shalt  }
0x51: {  	_ =	shalt  }
0x52: {  	_ =	shalt  }
0x53: {  	_ =	shalt  }
0x54: {  	_ =	shalt  }
0x55: {  	_ =	shalt  }
0x56: {  	_ =	shalt  }
0x57: {  	_ =	shalt  }
0x58: {  	_ =	shalt  }
0x59: {  	_ =	shalt  }
0x5a: {  	_ =	shalt  }
0x5b: {  	_ =	shalt  }
0x5c: {  	_ =	shalt  }
0x5d: {  	_ =	shalt  }
0x5e: {  	_ =	shalt  }
0x5f: {  	_ =	shalt  }
0x60: {  	_ =	shalt  }
0x61: {  	_ =	shalt  }
0x62: {  	_ =	shalt  }
0x63: {  	_ =	shalt  }
0x64: {  	_ =	shalt  }
0x65: {  	_ =	shalt  }
0x66: {  	_ =	shalt  }
0x67: {  	_ =	shalt  }
0x68: {  	_ =	shalt  }
0x69: {  	_ =	shalt  }
0x6a: {  	_ =	shalt  }
0x6b: {  	_ =	shalt  }
0x6c: {  	_ =	shalt  }
0x6d: {  	_ =	shalt  }
0x6e: {  	_ =	shalt  }
0x6f: {  	_ =	shalt  }
0x70: {  	_ =	shalt  }
0x71: {  	_ =	shalt  }
0x72: {  	_ =	shalt  }
0x73: {  	_ =	shalt  }
0x74: {  	_ =	shalt  }
0x75: {  	_ =	shalt  }
0x76: {  	_ =	shalt  }
0x77: {  	_ =	shalt  }
0x78: {  	_ =	shalt  }
0x79: {  	_ =	shalt  }
0x7a: {  	_ =	shalt  }
0x7b: {  	_ =	shalt  }
0x7c: {  	_ =	shalt  }
0x7d: {  	_ =	shalt  }
0x7e: {  	_ =	shalt  }
0x7f: {  	_ =	shalt  }
0x80: {  	_ =	shalt  }
0x81: {  	_ =	shalt  }
0x82: {  	_ =	shalt  }
0x83: {  	_ =	shalt  }
0x84: {  	_ =	shalt  }
0x85: {  	_ =	shalt  }
0x86: {  	_ =	shalt  }
0x87: {  	_ =	shalt  }
.Lfunc_end0:
.L_simem_size_0:
called_computation.2_lowered:
.L_overlay_start_0:
0x88: {  	s2 =	sld [smem:$0x3FD9]  }
0x89: {  	s3 =	sld [smem:$0x3FFE];
	_ =	sdelay $0x1  }
0x8a: {  	s1 =	srdreg.scid  }
0x8b: {  	s0 =	sand.u32 $0x1, s1  }
0x8c: {  	s14 =	sshll.u32 s0, $0xA;
	s2 =	sadd.s32 s3, s2  }
0x8d: {  	s2 =	sadd.s32 s2, s14  }
0x8e: {  	[smem:$0x3FBE] =	sst s2  }
0x8f: {  	_ = 	snop  }
0x90: {  	s2 =	sld [smem:$0x3FD0];
	_ =	sdelay $0x2  }
0x91: {  	s15 =	simm.s32 $0xB;
	s4 =	simm.s32 $0x10  }
0x92: {  	[smem:s4], [sflag:s15] =	dma.local [hbm:s2], $0x1  }
0x93: {  	_ =	swait.eq [sflag:s15], $0x1  }
0x94: {  	s16 =	sld [smem:$0x10]  }
0x95: {  	s17 =	sld [smem:$0x11]  }
0x96: {  	s5 =	sld [smem:$0x12];
	[sflag:s15] =	ssyncset.done $0x0  }
0x97: {  	s6 =	sld [smem:$0x13];
	[sflag:s15] =	ssyncadd.s32 $0xFFFFFFFF  }
0x98: {  	s18 =	sld [smem:$0x14];
	(tm) =	ssettm $0x1  }
0x99: {  	s7 =	sld [smem:$0x3FFB];
	_ =	sdelay $0x3  }
0x9a: {  	_ =	strace s7  }
0x9b: {  	s7 =	sld [smem:$0x3FFC];
	_ =	sdelay $0x3  }
0x9c: {  	_ =	strace s7  }
0x9d: {  	s7 =	sld [smem:$0x3FFD];
	_ =	sdelay $0x3  }
0x9e: {  	_ =	strace s7  }
0x9f: {  	_ =	strace $0x8FFFFFFF  }
0xa0: {  	s19 =	sld [smem:$0x3FDB];
	_ =	sdelay $0x1  }
0xa1: {  	s8 =	simm.s32 $_scs_section_size  }
0xa2: {  	s9 =	simm.s32 $_size__tile_overlayer_lowered;
	s10 =	simm.s32 $_tile_overlayer_lowered  }
0xa3: {  	s22 =	simm.s32 $0x1BFF;
	s21 =	sshll.u32 s10, $0x1;
	s7 =	sadd.s32 s8, s19  }
0xa4: {  	s11 =	simm.s32 $0x0;
	s20 =	sshll.u32 s9, $0x1;
	s9 =	sadd.s32 s21, s7  }
0xa5: {  	[timem:s11], [sflag:s22] =	dma.local [hbm:s9], s20  }
0xa6: {  	_ =	swait.ge [sflag:s22], s20  }
0xa7: {  	s8 =	ssub.s32 $0x0, s20;
	[sflag:s22] =	ssyncset.done $0x0  }
0xa8: {  	[sflag:s22] =	ssyncadd.s32 s8;
	_ =	sdelay $0x1  }
0xa9: {  	s23 =	simm.s32 $0x1B8B  }
0xaa: {  	_ =	swait.ge [sflag:s23], $0x1  }
0xab: {  	[sflag:s23] =	ssyncset.done $0x0  }
0xac: {  	s25 =	simm.s32 $0x1B8E;
	s24 =	sld [smem:$0x3FFE];
	[sflag:s23] =	ssyncadd.s32 $0xFFFFFFFF  }
0xad: {  	s26 =	simm.s32 $execute0_lowered;
	[smem:$0x3FD2] =	sst s25  }
0xae: {  	s9 =	sshll.u32 s26, $0x1;
	_ =	strace $0x8000004C;
	[dreg:$0x1] =	wrdreg $0xFFFFFFFF  }
0xaf: {  	s28 =	simm.s32 $_size_execute0_lowered;
	s7 =	sadd.s32 s7, s9;
	[dreg:$0x0] =	wrdreg $0x0  }
0xb0: {  	s9 =	sshll.u32 s28, $0x1;
	[dreg:$0x2] =	wrdreg s7  }
0xb1: {  	[dreg:$0x3] =	wrdreg s9  }
0xb2: {  	[dreg:$0x4] =	wrdreg $0xC0  }
0xb3: {  	_ =	task [dreg:s11], $0x5FFFF  }
0xb4: {  	[dreg:$0x1] =	wrdreg $0xFFFFFFFF  }
0xb5: {  	[dreg:$0x0] =	wrdreg $0x60  }
0xb6: {  	[dreg:$0x2] =	wrdreg s24  }
0xb7: {  	[dreg:$0x3] =	wrdreg s16  }
0xb8: {  	[dreg:$0x4] =	wrdreg s18  }
0xb9: {  	[dreg:$0x5] =	wrdreg s6  }
0xba: {  	[dreg:$0x6] =	wrdreg s5  }
0xbb: {  	[dreg:$0x7] =	wrdreg s17  }
0xbc: {  	[dreg:$0x8] =	wrdreg $0x9  }
0xbd: {  	_ =	task.clear_ibuf [dreg:s11], $0x9FFFF;
	_ =	strace $0x9000004C  }
0xbe: {  	s29 =	simm.s32 $0x9;
	_ =	strace $0x8000004E  }
0xbf: {  	_ =	swait.ge [sflag:s29], $0x1  }
0xc0: {  	[sflag:s29] =	ssyncadd.s32 $0xFFFFFFFF  }
0xc1: {  	_ =	strace $0x9000004E  }
0xc2: {  	_ =	sfence  }
0xc3: {  	s30 =	sld [smem:$0x0];
	_ =	sdelay $0x2  }
0xc4: {  	s31 =	sshll.u32 s1, $0xD;
	s1 =	sshrl.u32 s1, $0x2  }
0xc5: {  	s3 =	sand.u32 $0x4000, s31;
	s1 =	sadd.s32 s1, s30  }
0xc6: {  	s0 =	sor.u32 s3, s0;
	s1 =	sshll.u32 s1, $0x11  }
0xc7: {  	s0 =	sor.u32 s1, s0  }
0xc8: {  	s0 =	sadd.s32 $0x8F2B, s0  }
0xc9: {  	[sflag:s0] =	ssyncadd.remote.s32 $0x1  }
0xca: {  	_ =	sfence.sel $0xFFFF  }
0xcb: {  	[dreg:$0x0] =	wrdreg $0xFFFFFFFF;
	(pc) =	sbr.abs _section_cstart, $3  }
0xcc: {  	[dreg:$0x1] =	wrdreg $0xFFFFFFFF  }
0xcd: {  	_ =	task.clear_ibuf [dreg:s11], $0x2FFFF;
	_ =	strace $0x9FFFFFFF  }
0xce: {  	(tm) =	ssettm $0x7FFFFFFF  }
0xcf: {  	_ =	shalt  }
tec
execute0_lowered:
.L_overlay_start_1:
0x0: {  	(tag) =	ssettag $0x1  }
0x1: {  	s0 =	rddreg [dreg:$0x0]  }
0x2: {  	s4 =	rddreg [dreg:$0x1]  }
0x3: {  	s5 =	rddreg [dreg:$0x2]  }
0x4: {  	s6 =	rddreg [dreg:$0x3];
	s2 =	srdreg.scid  }
0x5: {  	s1 =	rddreg [dreg:$0x4];
	s8 =	stileid.u32  }
0x6: {  	s3 =	rddreg [dreg:$0x5];
	s31 =	simm.s32 $0x1A0;
	s30 =	simm.s32 $0x220  }
0x7: {  	s29 =	simm.s32 $0x1C0;
	s28 =	simm.s32 $0x240;
	p0 =	por $0x0, $0x0  }
0x8: {  	s7 =	sand.u32 $0x1, s2;
	s8 =	sshll.u32 s8, $0x6;
	s2 =	simm.s32 $0x0  }
0x9: {  	s10 =	sadd.s32 $0x16E8600, s0;
	s12 =	sadd.s32 $0x16E8200, s0;
	s9 =	sshll.u32 s7, $0x5  }
0xa: {  	s13 =	sadd.s32 $0x16E8400, s0;
	[smem:$0x7FF] =	sst s2;
	s8 =	sor.u32 s9, s8  }
0xb: {  	_ =	strace $0x8000004D;
	[dreg:$0x7] =	wrdreg s10;
	s9 =	sshrl.u32 s8, $0x3  }
0xc: {  	s14 =	sor.u32 $0x400, s8;
	s15 =	sor.u32 $0x800, s8;
	s16 =	sor.u32 $0xC00, s8  }
0xd: {  	s8 =	sshll.u32 s8, $0x4;
	s11 =	sadd.s32 s9, s0;
	s21 =	sadd.s32 s12, s9  }
0xe: {  	s9 =	sadd.s32 s13, s9;
	s22 =	sshrl.u32 s14, $0x3;
	[dreg:$0xb] =	wrdreg s21  }
0xf: {  	s25 =	sshrl.u32 s15, $0x3;
	s4 =	sadd.s32 s4, s8;
	[dreg:$0xc] =	wrdreg s9  }
0x10: {  	s17 =	sshrl.u32 s16, $0x3;
	s18 =	sadd.s32 $0x16E7C00, s11;
	[dreg:$0x13] =	wrdreg s4  }
0x11: {  	s10 =	sshll.u32 s15, $0x4;
	s19 =	sadd.s32 $0x16E7E00, s11;
	[dreg:$0x8] =	wrdreg s18  }
0x12: {  	s15 =	simm.s32 $0x3280;
	s20 =	sadd.s32 $0x16E8000, s11;
	[dreg:$0x9] =	wrdreg s19  }
0x13: {  	s23 =	sadd.s32 s12, s22;
	s24 =	sadd.s32 s13, s22;
	[dreg:$0xa] =	wrdreg s20  }
0x14: {  	s26 =	sadd.s32 s12, s25;
	s11 =	sadd.s32 s13, s25;
	[dreg:$0xd] =	wrdreg s23  }
0x15: {  	s21 =	ssub.s32 $0x2, s7;
	s22 =	sadd.s32 s6, s8;
	[dreg:$0xe] =	wrdreg s24  }
0x16: {  	s25 =	sadd.s32 s3, s8;
	s6 =	sadd.s32 s3, s10;
	[dreg:$0xf] =	wrdreg s26  }
0x17: {  	[dreg:$0x10] =	wrdreg s11;
	s18 =	sadd.s32 s12, s17;
	s19 =	sadd.s32 s13, s17  }
0x18: {  	s11 =	sadd.s32 $0x3C00, s0;
	s20 =	sadd.s32 s5, s8;
	[dreg:$0x15] =	wrdreg s22  }
0x19: {  	s23 =	sshrl.u32 s21, $0x1;
	s24 =	sadd.s32 s1, s8;
	[dreg:$0x17] =	wrdreg s25  }
0x1a: {  	s26 =	sshll.u32 s14, $0x4;
	s12 =	sadd.s32 s1, s10;
	[dreg:$0x11] =	wrdreg s18  }
0x1b: {  	s13 =	sshll.u32 s16, $0x4;
	s22 =	simm.s32 $0x180;
	[dreg:$0x12] =	wrdreg s19  }
0x1c: {  	s25 =	simm.s32 $0x260;
	s17 =	simm.s32 $0x1280;
	[dreg:$0x14] =	wrdreg s20  }
0x1d: {  	s16 =	simm.s32 $0x2280;
	s10 =	simm.s32 $0x5280;
	[dreg:$0x16] =	wrdreg s24  }
0x1e: {  	s7 =	ssub.s32 s21, s23;
	s8 =	sadd.s32 s1, s26;
	s9 =	sadd.s32 s3, s26  }
0x1f: {  	[dreg:$0x1a] =	wrdreg s12;
	s5 =	sadd.s32 s1, s13;
	s4 =	sadd.s32 s3, s13  }
0x20: {  	s3 =	simm.s32 $0x2;
	s19 =	simm.s32 $0x80;
	s14 =	smax.u32 s7, $0x1  }
0x21: {  	s21 =	simm.s32 $0x100;
	s23 =	simm.s32 $0x200;
	p1 =	sne.s32 s14, $0x1  }
.Ltmp0:
0x22: {  	s26 =	simm.s32 $0x1E0;
	s24 =	simm.s32 $0x20;
	(pc) =	sbr.rel @!p1 .LBB2_3-.Ltmp0, $4  }
0x23: {  	s18 =	simm.s32 $0x280;
	s13 =	simm.s32 $0x7280;
	s0 =	rddreg [dreg:$0x8]  }
0x24: {  	s20 =	simm.s32 $0x1;
	s12 =	simm.s32 $0x8280;
	[dreg:$0x18] =	wrdreg s8  }
0x25: {  	[dreg:$0x19] =	wrdreg s9;
	s9 =	simm.s32 $0x9280;
	s8 =	simm.s32 $0x6280  }
0x26: {  	s7 =	simm.s32 $0xA280;
	s1 =	sadd.s32 $0xFFFFFFFF, s14;
	s14 =	simm.s32 $0x4280  }
0x27: {  	[tilespmem:s2], [sflag:$0x2] =	stream.linear.gather [hbm4b:s0+s2], $0x20, $0x38;
	[tilespmem:$0xB280] =	vst v63  }
0x28: {  	_ =	swait.ge [sflag:s3], $0x20  }
0x29: {  	[sflag:s3] =	ssyncset.done $0x0  }
0x2a: {  	s0 =	rddreg [dreg:$0x9];
	[sflag:s3] =	ssyncadd.s32 $0xFFFFFFE0  }
0x2b: {  	[tilespmem:s19], [sflag:$0x2] =	stream.linear.gather [hbm4b:s0+s2], $0x20, $0x38;
	[tilespmem:$0xB280] =	vst v63  }
0x2c: {  	_ =	swait.ge [sflag:s3], $0x20  }
0x2d: {  	[sflag:s3] =	ssyncset.done $0x0  }
0x2e: {  	s0 =	rddreg [dreg:$0xa];
	[sflag:s3] =	ssyncadd.s32 $0xFFFFFFE0  }
0x2f: {  	[tilespmem:s21], [sflag:$0x2] =	stream.linear.gather [hbm4b:s0+s2], $0x20, $0x38;
	[tilespmem:$0xB280] =	vst v63  }
0x30: {  	_ =	swait.ge [sflag:s3], $0x20  }
0x31: {  	[sflag:s3] =	ssyncset.done $0x0  }
0x32: {  	s0 =	rddreg [dreg:$0xb];
	[sflag:s3] =	ssyncadd.s32 $0xFFFFFFE0  }
0x33: {  	[tilespmem:s22], [sflag:$0x2] =	stream.linear.gather [hbm4b:s0+s2], $0x20, $0x38;
	[tilespmem:$0xB280] =	vst v63  }
0x34: {  	_ =	swait.ge [sflag:s3], $0x20  }
0x35: {  	[sflag:s3] =	ssyncset.done $0x0  }
0x36: {  	s0 =	rddreg [dreg:$0xc];
	[sflag:s3] =	ssyncadd.s32 $0xFFFFFFE0  }
0x37: {  	[tilespmem:s23], [sflag:$0x2] =	stream.linear.gather [hbm4b:s0+s2], $0x20, $0x38;
	[tilespmem:$0xB280] =	vst v63  }
0x38: {  	_ =	swait.ge [sflag:s3], $0x20  }
0x39: {  	[sflag:s3] =	ssyncset.done $0x0  }
0x3a: {  	s0 =	rddreg [dreg:$0xd];
	[sflag:s3] =	ssyncadd.s32 $0xFFFFFFE0  }
0x3b: {  	[tilespmem:s31], [sflag:$0x2] =	stream.linear.gather [hbm4b:s0+s2], $0x20, $0x38;
	[tilespmem:$0xB280] =	vst v63  }
0x3c: {  	_ =	swait.ge [sflag:s3], $0x20  }
0x3d: {  	[sflag:s3] =	ssyncset.done $0x0  }
0x3e: {  	s0 =	rddreg [dreg:$0xe];
	[sflag:s3] =	ssyncadd.s32 $0xFFFFFFE0  }
0x3f: {  	[tilespmem:s30], [sflag:$0x2] =	stream.linear.gather [hbm4b:s0+s2], $0x20, $0x38;
	[tilespmem:$0xB280] =	vst v63  }
0x40: {  	_ =	swait.ge [sflag:s3], $0x20  }
0x41: {  	[sflag:s3] =	ssyncset.done $0x0  }
0x42: {  	s0 =	rddreg [dreg:$0xf];
	[sflag:s3] =	ssyncadd.s32 $0xFFFFFFE0  }
0x43: {  	[tilespmem:s29], [sflag:$0x2] =	stream.linear.gather [hbm4b:s0+s2], $0x20, $0x38;
	[tilespmem:$0xB280] =	vst v63  }
0x44: {  	_ =	swait.ge [sflag:s3], $0x20  }
0x45: {  	[sflag:s3] =	ssyncset.done $0x0  }
0x46: {  	s0 =	rddreg [dreg:$0x10];
	[sflag:s3] =	ssyncadd.s32 $0xFFFFFFE0  }
0x47: {  	[tilespmem:s28], [sflag:$0x2] =	stream.linear.gather [hbm4b:s0+s2], $0x20, $0x38;
	[tilespmem:$0xB280] =	vst v63  }
0x48: {  	_ =	swait.ge [sflag:s3], $0x20  }
0x49: {  	[sflag:s3] =	ssyncset.done $0x0  }
0x4a: {  	s0 =	rddreg [dreg:$0x11];
	[sflag:s3] =	ssyncadd.s32 $0xFFFFFFE0  }
0x4b: {  	[tilespmem:s26], [sflag:$0x2] =	stream.linear.gather [hbm4b:s0+s2], $0x20, $0x38;
	[tilespmem:$0xB280] =	vst v63  }
0x4c: {  	_ =	swait.ge [sflag:s3], $0x20  }
0x4d: {  	[sflag:s3] =	ssyncset.done $0x0  }
0x4e: {  	s0 =	rddreg [dreg:$0x12];
	[sflag:s3] =	ssyncadd.s32 $0xFFFFFFE0  }
0x4f: {  	[tilespmem:s25], [sflag:$0x2] =	stream.linear.gather [hbm4b:s0+s2], $0x20, $0x38;
	[tilespmem:$0xB280] =	vst v63  }
0x50: {  	_ =	swait.ge [sflag:s3], $0x20  }
0x51: {  	[sflag:s3] =	ssyncset.done $0x0  }
0x52: {  	[sflag:s3] =	ssyncadd.s32 $0xFFFFFFE0  }
0x53: {  	[tilespmem:s18], [sflag:$0x1] =	stream.indirect.gather [hbm4b:s11+s24], $0x80, s2, s24, $0xb8;
	[tilespmem:$0xB280] =	vst v63  }
0x54: {  	s0 =	rddreg [dreg:$0x7]  }
0x55: {  	[tilespmem:s17], [sflag:$0x1] =	stream.indirect.gather [hbm4b:s0+s24], $0x80, s19, s24, $0xb8;
	[tilespmem:$0xB280] =	vst v63  }
0x56: {  	_ = 	snop  }
0x57: {  	[tilespmem:s16], [sflag:$0x1] =	stream.indirect.gather [hbm4b:s11+s24], $0x80, s21, s24, $0xb8;
	[tilespmem:$0xB280] =	vst v63  }
0x58: {  	_ = 	snop  }
0x59: {  	[tilespmem:s15], [sflag:$0x1] =	stream.indirect.gather [hbm4b:s11+s19], $0x80, s22, s19, $0xb8;
	[tilespmem:$0xB280] =	vst v63  }
0x5a: {  	_ = 	snop  }
0x5b: {  	[tilespmem:s13], [sflag:$0x1] =	stream.indirect.gather [hbm4b:s11+s19], $0x80, s23, s19, $0xb8;
	[tilespmem:$0xB280] =	vst v63  }
0x5c: {  	_ =	swait.ge [sflag:s20], $0x1000  }
0x5d: {  	[sflag:s20] =	ssyncset.done $0x0  }
0x5e: {  	[sflag:s20] =	ssyncadd.s32 $0xFFFFF000  }
0x5f: {  	_ =	swait.ge [sflag:s20], $0x1000  }
0x60: {  	[sflag:s20] =	ssyncset.done $0x0  }
0x61: {  	[sflag:s20] =	ssyncadd.s32 $0xFFFFF000  }
0x62: {  	_ =	swait.ge [sflag:s20], $0x1000  }
0x63: {  	[sflag:s20] =	ssyncset.done $0x0  }
0x64: {  	[sflag:s20] =	ssyncadd.s32 $0xFFFFF000  }
0x65: {  	_ =	swait.ge [sflag:s20], $0x4000  }
0x66: {  	[sflag:s20] =	ssyncset.done $0x0  }
0x67: {  	[sflag:s20] =	ssyncadd.s32 $0xFFFFC000  }
0x68: {  	_ =	swait.ge [sflag:s20], $0x4000  }
0x69: {  	[sflag:s20] =	ssyncset.done $0x0  }
0x6a: {  	s0 =	rddreg [dreg:$0x13];
	[sflag:s20] =	ssyncadd.s32 $0xFFFFC000  }
0x6b: {  	[hbm4b:s0+s2] =	stream.linear.scatter [tilespmem:s18], [sflag:$0x2], $0x1000, $0x38;
	[tilespmem:$0xB280] =	vst v63  }
0x6c: {  	_ =	swait.ge [sflag:s3], $0x1000  }
0x6d: {  	[sflag:s3] =	ssyncset.done $0x0  }
0x6e: {  	s0 =	rddreg [dreg:$0x14];
	[sflag:s3] =	ssyncadd.s32 $0xFFFFF000  }
0x6f: {  	[hbm4b:s0+s2] =	stream.linear.scatter [tilespmem:s17], [sflag:$0x2], $0x1000, $0x38;
	[tilespmem:$0xB280] =	vst v63  }
0x70: {  	_ =	swait.ge [sflag:s3], $0x1000  }
0x71: {  	[sflag:s3] =	ssyncset.done $0x0  }
0x72: {  	s0 =	rddreg [dreg:$0x15];
	[sflag:s3] =	ssyncadd.s32 $0xFFFFF000  }
0x73: {  	[hbm4b:s0+s2] =	stream.linear.scatter [tilespmem:s16], [sflag:$0x2], $0x1000, $0x38;
	[tilespmem:$0xB280] =	vst v63  }
0x74: {  	_ =	swait.ge [sflag:s3], $0x1000  }
0x75: {  	[sflag:s3] =	ssyncset.done $0x0  }
0x76: {  	s0 =	rddreg [dreg:$0x16];
	[sflag:s3] =	ssyncadd.s32 $0xFFFFF000  }
0x77: {  	[hbm4b:s0+s2] =	stream.linear.scatter [tilespmem:s15], [sflag:$0x2], $0x1000, $0x38;
	[tilespmem:$0xB280] =	vst v63  }
0x78: {  	_ =	swait.ge [sflag:s3], $0x1000  }
0x79: {  	[sflag:s3] =	ssyncset.done $0x0  }
0x7a: {  	s0 =	rddreg [dreg:$0x17];
	[sflag:s3] =	ssyncadd.s32 $0xFFFFF000  }
0x7b: {  	[hbm4b:s0+s2] =	stream.linear.scatter [tilespmem:s13], [sflag:$0x2], $0x1000, $0x38;
	[tilespmem:$0xB280] =	vst v63  }
0x7c: {  	_ =	swait.ge [sflag:s3], $0x1000  }
0x7d: {  	[sflag:s3] =	ssyncset.done $0x0  }
0x7e: {  	s0 =	rddreg [dreg:$0x18];
	[sflag:s3] =	ssyncadd.s32 $0xFFFFF000  }
0x7f: {  	[hbm4b:s0+s2] =	stream.linear.scatter [tilespmem:s14], [sflag:$0x2], $0x1000, $0x38;
	[tilespmem:$0xB280] =	vst v63  }
0x80: {  	_ =	swait.ge [sflag:s3], $0x1000  }
0x81: {  	[sflag:s3] =	ssyncset.done $0x0  }
0x82: {  	s0 =	rddreg [dreg:$0x19];
	[sflag:s3] =	ssyncadd.s32 $0xFFFFF000  }
0x83: {  	[hbm4b:s0+s2] =	stream.linear.scatter [tilespmem:s12], [sflag:$0x2], $0x1000, $0x38;
	[tilespmem:$0xB280] =	vst v63  }
0x84: {  	_ =	swait.ge [sflag:s3], $0x1000  }
0x85: {  	[sflag:s3] =	ssyncset.done $0x0  }
0x86: {  	s0 =	rddreg [dreg:$0x1a];
	[sflag:s3] =	ssyncadd.s32 $0xFFFFF000  }
0x87: {  	[hbm4b:s0+s2] =	stream.linear.scatter [tilespmem:s10], [sflag:$0x2], $0x1000, $0x38;
	[tilespmem:$0xB280] =	vst v63  }
0x88: {  	_ =	swait.ge [sflag:s3], $0x1000  }
0x89: {  	[sflag:s3] =	ssyncset.done $0x0  }
0x8a: {  	[sflag:s3] =	ssyncadd.s32 $0xFFFFF000  }
0x8b: {  	[hbm4b:s6+s2] =	stream.linear.scatter [tilespmem:s9], [sflag:$0x2], $0x1000, $0x38;
	[tilespmem:$0xB280] =	vst v63  }
0x8c: {  	_ =	swait.ge [sflag:s3], $0x1000  }
0x8d: {  	[sflag:s3] =	ssyncset.done $0x0  }
0x8e: {  	[sflag:s3] =	ssyncadd.s32 $0xFFFFF000  }
0x8f: {  	[hbm4b:s5+s2] =	stream.linear.scatter [tilespmem:s8], [sflag:$0x2], $0x1000, $0x38;
	[tilespmem:$0xB280] =	vst v63  }
0x90: {  	p1 =	sne.s32 s1, $0x1;
	_ =	swait.ge [sflag:s3], $0x1000  }
.Ltmp1:
0x91: {  	[sflag:s3] =	ssyncset.done $0x0;
	(pc) =	sbr.rel @!p1 .LBB2_3-.Ltmp1, $4  }
0x92: {  	[sflag:s3] =	ssyncadd.s32 $0xFFFFF000  }
0x93: {  	[hbm4b:s4+s2] =	stream.linear.scatter [tilespmem:s7], [sflag:$0x2], $0x1000, $0x38;
	[tilespmem:$0xB280] =	vst v63  }
0x94: {  	s1 =	sadd.s32 $0xFFFFFFFF, s1;
	_ =	swait.ge [sflag:s3], $0x1000  }
0x95: {  	p0 =	por $0x1, $0x1;
	s0 =	rddreg [dreg:$0x8];
	[sflag:s3] =	ssyncset.done $0x0  }
.LBB2_2:
0x96: {  	[sflag:s3] =	ssyncadd.s32 $0xFFFFF000  }
0x97: {  	[tilespmem:s2], [sflag:$0x2] =	stream.linear.gather [hbm4b:s0+s2], $0x20, $0x38;
	[tilespmem:$0xB280] =	vst v63  }
0x98: {  	_ =	swait.ge [sflag:s3], $0x20  }
0x99: {  	[sflag:s3] =	ssyncset.done $0x0  }
0x9a: {  	s0 =	rddreg [dreg:$0x9];
	[sflag:s3] =	ssyncadd.s32 $0xFFFFFFE0  }
0x9b: {  	[tilespmem:s19], [sflag:$0x2] =	stream.linear.gather [hbm4b:s0+s2], $0x20, $0x38;
	[tilespmem:$0xB280] =	vst v63  }
0x9c: {  	_ =	swait.ge [sflag:s3], $0x20  }
0x9d: {  	[sflag:s3] =	ssyncset.done $0x0  }
0x9e: {  	s0 =	rddreg [dreg:$0xa];
	[sflag:s3] =	ssyncadd.s32 $0xFFFFFFE0  }
0x9f: {  	[tilespmem:s21], [sflag:$0x2] =	stream.linear.gather [hbm4b:s0+s2], $0x20, $0x38;
	[tilespmem:$0xB280] =	vst v63  }
0xa0: {  	_ =	swait.ge [sflag:s3], $0x20  }
0xa1: {  	[sflag:s3] =	ssyncset.done $0x0  }
0xa2: {  	s0 =	rddreg [dreg:$0xb];
	[sflag:s3] =	ssyncadd.s32 $0xFFFFFFE0  }
0xa3: {  	[tilespmem:s22], [sflag:$0x2] =	stream.linear.gather [hbm4b:s0+s2], $0x20, $0x38;
	[tilespmem:$0xB280] =	vst v63  }
0xa4: {  	_ =	swait.ge [sflag:s3], $0x20  }
0xa5: {  	[sflag:s3] =	ssyncset.done $0x0  }
0xa6: {  	s0 =	rddreg [dreg:$0xc];
	[sflag:s3] =	ssyncadd.s32 $0xFFFFFFE0  }
0xa7: {  	[tilespmem:s23], [sflag:$0x2] =	stream.linear.gather [hbm4b:s0+s2], $0x20, $0x38;
	[tilespmem:$0xB280] =	vst v63  }
0xa8: {  	_ =	swait.ge [sflag:s3], $0x20  }
0xa9: {  	[sflag:s3] =	ssyncset.done $0x0  }
0xaa: {  	s0 =	rddreg [dreg:$0xd];
	[sflag:s3] =	ssyncadd.s32 $0xFFFFFFE0  }
0xab: {  	[tilespmem:s31], [sflag:$0x2] =	stream.linear.gather [hbm4b:s0+s2], $0x20, $0x38;
	[tilespmem:$0xB280] =	vst v63  }
0xac: {  	_ =	swait.ge [sflag:s3], $0x20  }
0xad: {  	[sflag:s3] =	ssyncset.done $0x0  }
0xae: {  	s0 =	rddreg [dreg:$0xe];
	[sflag:s3] =	ssyncadd.s32 $0xFFFFFFE0  }
0xaf: {  	[tilespmem:s30], [sflag:$0x2] =	stream.linear.gather [hbm4b:s0+s2], $0x20, $0x38;
	[tilespmem:$0xB280] =	vst v63  }
0xb0: {  	_ =	swait.ge [sflag:s3], $0x20  }
0xb1: {  	[sflag:s3] =	ssyncset.done $0x0  }
0xb2: {  	s0 =	rddreg [dreg:$0xf];
	[sflag:s3] =	ssyncadd.s32 $0xFFFFFFE0  }
0xb3: {  	[tilespmem:s29], [sflag:$0x2] =	stream.linear.gather [hbm4b:s0+s2], $0x20, $0x38;
	[tilespmem:$0xB280] =	vst v63  }
0xb4: {  	_ =	swait.ge [sflag:s3], $0x20  }
0xb5: {  	[sflag:s3] =	ssyncset.done $0x0  }
0xb6: {  	s0 =	rddreg [dreg:$0x10];
	[sflag:s3] =	ssyncadd.s32 $0xFFFFFFE0  }
0xb7: {  	[tilespmem:s28], [sflag:$0x2] =	stream.linear.gather [hbm4b:s0+s2], $0x20, $0x38;
	[tilespmem:$0xB280] =	vst v63  }
0xb8: {  	_ =	swait.ge [sflag:s3], $0x20  }
0xb9: {  	[sflag:s3] =	ssyncset.done $0x0  }
0xba: {  	s0 =	rddreg [dreg:$0x11];
	[sflag:s3] =	ssyncadd.s32 $0xFFFFFFE0  }
0xbb: {  	[tilespmem:s26], [sflag:$0x2] =	stream.linear.gather [hbm4b:s0+s2], $0x20, $0x38;
	[tilespmem:$0xB280] =	vst v63  }
0xbc: {  	_ =	swait.ge [sflag:s3], $0x20  }
0xbd: {  	[sflag:s3] =	ssyncset.done $0x0  }
0xbe: {  	s0 =	rddreg [dreg:$0x12];
	[sflag:s3] =	ssyncadd.s32 $0xFFFFFFE0  }
0xbf: {  	[tilespmem:s25], [sflag:$0x2] =	stream.linear.gather [hbm4b:s0+s2], $0x20, $0x38;
	[tilespmem:$0xB280] =	vst v63  }
0xc0: {  	_ =	swait.ge [sflag:s3], $0x20  }
0xc1: {  	[sflag:s3] =	ssyncset.done $0x0  }
0xc2: {  	[sflag:s3] =	ssyncadd.s32 $0xFFFFFFE0  }
0xc3: {  	[tilespmem:s18], [sflag:$0x1] =	stream.indirect.gather [hbm4b:s11+s24], $0x80, s2, s24, $0xb8;
	[tilespmem:$0xB280] =	vst v63  }
0xc4: {  	s0 =	rddreg [dreg:$0x7]  }
0xc5: {  	[tilespmem:s17], [sflag:$0x1] =	stream.indirect.gather [hbm4b:s0+s24], $0x80, s19, s24, $0xb8;
	[tilespmem:$0xB280] =	vst v63  }
0xc6: {  	_ = 	snop  }
0xc7: {  	[tilespmem:s16], [sflag:$0x1] =	stream.indirect.gather [hbm4b:s11+s24], $0x80, s21, s24, $0xb8;
	[tilespmem:$0xB280] =	vst v63  }
0xc8: {  	_ = 	snop  }
0xc9: {  	[tilespmem:s15], [sflag:$0x1] =	stream.indirect.gather [hbm4b:s11+s19], $0x80, s22, s19, $0xb8;
	[tilespmem:$0xB280] =	vst v63  }
0xca: {  	_ = 	snop  }
0xcb: {  	[tilespmem:s13], [sflag:$0x1] =	stream.indirect.gather [hbm4b:s11+s19], $0x80, s23, s19, $0xb8;
	[tilespmem:$0xB280] =	vst v63  }
0xcc: {  	_ =	swait.ge [sflag:s20], $0x1000  }
0xcd: {  	[sflag:s20] =	ssyncset.done $0x0  }
0xce: {  	[sflag:s20] =	ssyncadd.s32 $0xFFFFF000  }
0xcf: {  	_ =	swait.ge [sflag:s20], $0x1000  }
0xd0: {  	[sflag:s20] =	ssyncset.done $0x0  }
0xd1: {  	[sflag:s20] =	ssyncadd.s32 $0xFFFFF000  }
0xd2: {  	_ =	swait.ge [sflag:s20], $0x1000  }
0xd3: {  	[sflag:s20] =	ssyncset.done $0x0  }
0xd4: {  	[sflag:s20] =	ssyncadd.s32 $0xFFFFF000  }
0xd5: {  	_ =	swait.ge [sflag:s20], $0x4000  }
0xd6: {  	[sflag:s20] =	ssyncset.done $0x0  }
0xd7: {  	[sflag:s20] =	ssyncadd.s32 $0xFFFFC000  }
0xd8: {  	_ =	swait.ge [sflag:s20], $0x4000  }
0xd9: {  	[sflag:s20] =	ssyncset.done $0x0  }
0xda: {  	s0 =	rddreg [dreg:$0x13];
	[sflag:s20] =	ssyncadd.s32 $0xFFFFC000  }
0xdb: {  	[hbm4b:s0+s2] =	stream.linear.scatter [tilespmem:s18], [sflag:$0x2], $0x1000, $0x38;
	[tilespmem:$0xB280] =	vst v63  }
0xdc: {  	_ =	swait.ge [sflag:s3], $0x1000  }
0xdd: {  	[sflag:s3] =	ssyncset.done $0x0  }
0xde: {  	s0 =	rddreg [dreg:$0x14];
	[sflag:s3] =	ssyncadd.s32 $0xFFFFF000  }
0xdf: {  	[hbm4b:s0+s2] =	stream.linear.scatter [tilespmem:s17], [sflag:$0x2], $0x1000, $0x38;
	[tilespmem:$0xB280] =	vst v63  }
0xe0: {  	_ =	swait.ge [sflag:s3], $0x1000  }
0xe1: {  	[sflag:s3] =	ssyncset.done $0x0  }
0xe2: {  	s0 =	rddreg [dreg:$0x15];
	[sflag:s3] =	ssyncadd.s32 $0xFFFFF000  }
0xe3: {  	[hbm4b:s0+s2] =	stream.linear.scatter [tilespmem:s16], [sflag:$0x2], $0x1000, $0x38;
	[tilespmem:$0xB280] =	vst v63  }
0xe4: {  	_ =	swait.ge [sflag:s3], $0x1000  }
0xe5: {  	[sflag:s3] =	ssyncset.done $0x0  }
0xe6: {  	s0 =	rddreg [dreg:$0x16];
	[sflag:s3] =	ssyncadd.s32 $0xFFFFF000  }
0xe7: {  	[hbm4b:s0+s2] =	stream.linear.scatter [tilespmem:s15], [sflag:$0x2], $0x1000, $0x38;
	[tilespmem:$0xB280] =	vst v63  }
0xe8: {  	_ =	swait.ge [sflag:s3], $0x1000  }
0xe9: {  	[sflag:s3] =	ssyncset.done $0x0  }
0xea: {  	s0 =	rddreg [dreg:$0x17];
	[sflag:s3] =	ssyncadd.s32 $0xFFFFF000  }
0xeb: {  	[hbm4b:s0+s2] =	stream.linear.scatter [tilespmem:s13], [sflag:$0x2], $0x1000, $0x38;
	[tilespmem:$0xB280] =	vst v63  }
0xec: {  	_ =	swait.ge [sflag:s3], $0x1000  }
0xed: {  	[sflag:s3] =	ssyncset.done $0x0  }
0xee: {  	s0 =	rddreg [dreg:$0x18];
	[sflag:s3] =	ssyncadd.s32 $0xFFFFF000  }
0xef: {  	[hbm4b:s0+s2] =	stream.linear.scatter [tilespmem:s14], [sflag:$0x2], $0x1000, $0x38;
	[tilespmem:$0xB280] =	vst v63  }
0xf0: {  	_ =	swait.ge [sflag:s3], $0x1000  }
0xf1: {  	[sflag:s3] =	ssyncset.done $0x0  }
0xf2: {  	s0 =	rddreg [dreg:$0x19];
	[sflag:s3] =	ssyncadd.s32 $0xFFFFF000  }
0xf3: {  	[hbm4b:s0+s2] =	stream.linear.scatter [tilespmem:s12], [sflag:$0x2], $0x1000, $0x38;
	[tilespmem:$0xB280] =	vst v63  }
0xf4: {  	_ =	swait.ge [sflag:s3], $0x1000  }
0xf5: {  	[sflag:s3] =	ssyncset.done $0x0  }
0xf6: {  	s0 =	rddreg [dreg:$0x1a];
	[sflag:s3] =	ssyncadd.s32 $0xFFFFF000  }
0xf7: {  	[hbm4b:s0+s2] =	stream.linear.scatter [tilespmem:s10], [sflag:$0x2], $0x1000, $0x38;
	[tilespmem:$0xB280] =	vst v63  }
0xf8: {  	_ =	swait.ge [sflag:s3], $0x1000  }
0xf9: {  	[sflag:s3] =	ssyncset.done $0x0  }
0xfa: {  	[sflag:s3] =	ssyncadd.s32 $0xFFFFF000  }
0xfb: {  	[hbm4b:s6+s2] =	stream.linear.scatter [tilespmem:s9], [sflag:$0x2], $0x1000, $0x38;
	[tilespmem:$0xB280] =	vst v63  }
0xfc: {  	_ =	swait.ge [sflag:s3], $0x1000  }
0xfd: {  	[sflag:s3] =	ssyncset.done $0x0  }
0xfe: {  	[sflag:s3] =	ssyncadd.s32 $0xFFFFF000  }
0xff: {  	[hbm4b:s5+s2] =	stream.linear.scatter [tilespmem:s8], [sflag:$0x2], $0x1000, $0x38;
	[tilespmem:$0xB280] =	vst v63  }
0x100: {  	p1 =	sne.s32 s1, $0x1;
	_ =	swait.ge [sflag:s3], $0x1000  }
.Ltmp2:
0x101: {  	[sflag:s3] =	ssyncset.done $0x0;
	(pc) =	sbr.rel @p1 .LBB2_2-.Ltmp2, $4  }
0x102: {  	[sflag:s3] =	ssyncadd.s32 $0xFFFFF000  }
0x103: {  	[hbm4b:s4+s2] =	stream.linear.scatter [tilespmem:s7], [sflag:$0x2], $0x1000, $0x38;
	[tilespmem:$0xB280] =	vst v63  }
0x104: {  	_ =	swait.ge [sflag:s3], $0x1000  }
0x105: {  	s1 =	sadd.s32 $0xFFFFFFFF, s1;
	s0 =	rddreg [dreg:$0x8];
	[sflag:s3] =	ssyncset.done $0x0  }
.LBB2_3:
0x106: {  	[sflag:s3] =	ssyncadd.s32 @p0 $0xFFFFF000  }
0x107: {  	[tilespmem:s2], [sflag:$0x2] =	stream.linear.gather [hbm4b:s0+s2], $0x20, $0x38;
	[tilespmem:$0xB280] =	vst v63  }
0x108: {  	_ =	swait.ge [sflag:s3], $0x20  }
0x109: {  	[sflag:s3] =	ssyncset.done $0x0  }
0x10a: {  	s1 =	rddreg [dreg:$0x9];
	[sflag:s3] =	ssyncadd.s32 $0xFFFFFFE0  }
0x10b: {  	[tilespmem:s19], [sflag:$0x2] =	stream.linear.gather [hbm4b:s1+s2], $0x20, $0x38;
	[tilespmem:$0xB280] =	vst v63  }
0x10c: {  	_ =	swait.ge [sflag:s3], $0x20  }
0x10d: {  	[sflag:s3] =	ssyncset.done $0x0  }
0x10e: {  	s1 =	rddreg [dreg:$0xa];
	[sflag:s3] =	ssyncadd.s32 $0xFFFFFFE0  }
0x10f: {  	[tilespmem:s21], [sflag:$0x2] =	stream.linear.gather [hbm4b:s1+s2], $0x20, $0x38;
	[tilespmem:$0xB280] =	vst v63  }
0x110: {  	_ =	swait.ge [sflag:s3], $0x20  }
0x111: {  	[sflag:s3] =	ssyncset.done $0x0  }
0x112: {  	s1 =	rddreg [dreg:$0xb];
	[sflag:s3] =	ssyncadd.s32 $0xFFFFFFE0  }
0x113: {  	[tilespmem:s22], [sflag:$0x2] =	stream.linear.gather [hbm4b:s1+s2], $0x20, $0x38;
	[tilespmem:$0xB280] =	vst v63  }
0x114: {  	_ =	swait.ge [sflag:s3], $0x20  }
0x115: {  	[sflag:s3] =	ssyncset.done $0x0  }
0x116: {  	s1 =	rddreg [dreg:$0xc];
	[sflag:s3] =	ssyncadd.s32 $0xFFFFFFE0  }
0x117: {  	[tilespmem:s23], [sflag:$0x2] =	stream.linear.gather [hbm4b:s1+s2], $0x20, $0x38;
	[tilespmem:$0xB280] =	vst v63  }
0x118: {  	_ =	swait.ge [sflag:s3], $0x20  }
0x119: {  	[sflag:s3] =	ssyncset.done $0x0  }
0x11a: {  	s1 =	rddreg [dreg:$0xd];
	[sflag:s3] =	ssyncadd.s32 $0xFFFFFFE0  }
0x11b: {  	[tilespmem:s31], [sflag:$0x2] =	stream.linear.gather [hbm4b:s1+s2], $0x20, $0x38;
	[tilespmem:$0xB280] =	vst v63  }
0x11c: {  	_ =	swait.ge [sflag:s3], $0x20  }
0x11d: {  	[sflag:s3] =	ssyncset.done $0x0  }
0x11e: {  	s31 =	rddreg [dreg:$0xe];
	[sflag:s3] =	ssyncadd.s32 $0xFFFFFFE0  }
0x11f: {  	[tilespmem:s30], [sflag:$0x2] =	stream.linear.gather [hbm4b:s31+s2], $0x20, $0x38;
	[tilespmem:$0xB280] =	vst v63  }
0x120: {  	_ =	swait.ge [sflag:s3], $0x20  }
0x121: {  	[sflag:s3] =	ssyncset.done $0x0  }
0x122: {  	s1 =	rddreg [dreg:$0xf];
	[sflag:s3] =	ssyncadd.s32 $0xFFFFFFE0  }
0x123: {  	[tilespmem:s29], [sflag:$0x2] =	stream.linear.gather [hbm4b:s1+s2], $0x20, $0x38;
	[tilespmem:$0xB280] =	vst v63  }
0x124: {  	_ =	swait.ge [sflag:s3], $0x20  }
0x125: {  	[sflag:s3] =	ssyncset.done $0x0  }
0x126: {  	s29 =	rddreg [dreg:$0x10];
	[sflag:s3] =	ssyncadd.s32 $0xFFFFFFE0  }
0x127: {  	[tilespmem:s28], [sflag:$0x2] =	stream.linear.gather [hbm4b:s29+s2], $0x20, $0x38;
	[tilespmem:$0xB280] =	vst v63  }
0x128: {  	_ =	swait.ge [sflag:s3], $0x20  }
0x129: {  	[sflag:s3] =	ssyncset.done $0x0  }
0x12a: {  	s30 =	rddreg [dreg:$0x11];
	[sflag:s3] =	ssyncadd.s32 $0xFFFFFFE0  }
0x12b: {  	[tilespmem:s26], [sflag:$0x2] =	stream.linear.gather [hbm4b:s30+s2], $0x20, $0x38;
	[tilespmem:$0xB280] =	vst v63  }
0x12c: {  	_ =	swait.ge [sflag:s3], $0x20  }
0x12d: {  	[sflag:s3] =	ssyncset.done $0x0  }
0x12e: {  	s31 =	rddreg [dreg:$0x12];
	[sflag:s3] =	ssyncadd.s32 $0xFFFFFFE0  }
0x12f: {  	[tilespmem:s25], [sflag:$0x2] =	stream.linear.gather [hbm4b:s31+s2], $0x20, $0x38;
	[tilespmem:$0xB280] =	vst v63  }
0x130: {  	_ =	swait.ge [sflag:s3], $0x20  }
0x131: {  	[sflag:s3] =	ssyncset.done $0x0  }
0x132: {  	[sflag:s3] =	ssyncadd.s32 $0xFFFFFFE0  }
0x133: {  	[tilespmem:s18], [sflag:$0x1] =	stream.indirect.gather [hbm4b:s11+s24], $0x80, s2, s24, $0xb8;
	[tilespmem:$0xB280] =	vst v63  }
0x134: {  	s1 =	rddreg [dreg:$0x7]  }
0x135: {  	[tilespmem:s17], [sflag:$0x1] =	stream.indirect.gather [hbm4b:s1+s24], $0x80, s19, s24, $0xb8;
	[tilespmem:$0xB280] =	vst v63  }
0x136: {  	_ = 	snop  }
0x137: {  	[tilespmem:s16], [sflag:$0x1] =	stream.indirect.gather [hbm4b:s11+s24], $0x80, s21, s24, $0xb8;
	[tilespmem:$0xB280] =	vst v63  }
0x138: {  	_ = 	snop  }
0x139: {  	[tilespmem:s15], [sflag:$0x1] =	stream.indirect.gather [hbm4b:s11+s19], $0x80, s22, s19, $0xb8;
	[tilespmem:$0xB280] =	vst v63  }
0x13a: {  	_ = 	snop  }
0x13b: {  	[tilespmem:s13], [sflag:$0x1] =	stream.indirect.gather [hbm4b:s11+s19], $0x80, s23, s19, $0xb8;
	[tilespmem:$0xB280] =	vst v63  }
0x13c: {  	_ =	swait.ge [sflag:s20], $0x1000  }
0x13d: {  	[sflag:s20] =	ssyncset.done $0x0  }
0x13e: {  	[sflag:s20] =	ssyncadd.s32 $0xFFFFF000  }
0x13f: {  	_ =	swait.ge [sflag:s20], $0x1000  }
0x140: {  	[sflag:s20] =	ssyncset.done $0x0  }
0x141: {  	[sflag:s20] =	ssyncadd.s32 $0xFFFFF000  }
0x142: {  	_ =	swait.ge [sflag:s20], $0x1000  }
0x143: {  	[sflag:s20] =	ssyncset.done $0x0  }
0x144: {  	[sflag:s20] =	ssyncadd.s32 $0xFFFFF000  }
0x145: {  	_ =	swait.ge [sflag:s20], $0x4000  }
0x146: {  	[sflag:s20] =	ssyncset.done $0x0  }
0x147: {  	[sflag:s20] =	ssyncadd.s32 $0xFFFFC000  }
0x148: {  	_ =	swait.ge [sflag:s20], $0x4000  }
0x149: {  	[sflag:s20] =	ssyncset.done $0x0  }
0x14a: {  	s22 =	rddreg [dreg:$0x13];
	[sflag:s20] =	ssyncadd.s32 $0xFFFFC000  }
0x14b: {  	[hbm4b:s22+s2] =	stream.linear.scatter [tilespmem:s18], [sflag:$0x2], $0x1000, $0x38;
	[tilespmem:$0xB280] =	vst v63  }
0x14c: {  	_ =	swait.ge [sflag:s3], $0x1000  }
0x14d: {  	[sflag:s3] =	ssyncset.done $0x0  }
0x14e: {  	s23 =	rddreg [dreg:$0x14];
	[sflag:s3] =	ssyncadd.s32 $0xFFFFF000  }
0x14f: {  	[hbm4b:s23+s2] =	stream.linear.scatter [tilespmem:s17], [sflag:$0x2], $0x1000, $0x38;
	[tilespmem:$0xB280] =	vst v63  }
0x150: {  	_ =	swait.ge [sflag:s3], $0x1000  }
0x151: {  	[sflag:s3] =	ssyncset.done $0x0  }
0x152: {  	s24 =	rddreg [dreg:$0x15];
	[sflag:s3] =	ssyncadd.s32 $0xFFFFF000  }
0x153: {  	[hbm4b:s24+s2] =	stream.linear.scatter [tilespmem:s16], [sflag:$0x2], $0x1000, $0x38;
	[tilespmem:$0xB280] =	vst v63  }
0x154: {  	_ =	swait.ge [sflag:s3], $0x1000  }
0x155: {  	[sflag:s3] =	ssyncset.done $0x0  }
0x156: {  	s25 =	rddreg [dreg:$0x16];
	[sflag:s3] =	ssyncadd.s32 $0xFFFFF000  }
0x157: {  	[hbm4b:s25+s2] =	stream.linear.scatter [tilespmem:s15], [sflag:$0x2], $0x1000, $0x38;
	[tilespmem:$0xB280] =	vst v63  }
0x158: {  	_ =	swait.ge [sflag:s3], $0x1000  }
0x159: {  	[sflag:s3] =	ssyncset.done $0x0  }
0x15a: {  	s26 =	rddreg [dreg:$0x17];
	[sflag:s3] =	ssyncadd.s32 $0xFFFFF000  }
0x15b: {  	[hbm4b:s26+s2] =	stream.linear.scatter [tilespmem:s13], [sflag:$0x2], $0x1000, $0x38;
	[tilespmem:$0xB280] =	vst v63  }
0x15c: {  	_ =	swait.ge [sflag:s3], $0x1000  }
0x15d: {  	[sflag:s3] =	ssyncset.done $0x0  }
0x15e: {  	s28 =	rddreg [dreg:$0x18];
	[sflag:s3] =	ssyncadd.s32 $0xFFFFF000  }
0x15f: {  	[hbm4b:s28+s2] =	stream.linear.scatter [tilespmem:s14], [sflag:$0x2], $0x1000, $0x38;
	[tilespmem:$0xB280] =	vst v63  }
0x160: {  	_ =	swait.ge [sflag:s3], $0x1000  }
0x161: {  	[sflag:s3] =	ssyncset.done $0x0  }
0x162: {  	s29 =	rddreg [dreg:$0x19];
	[sflag:s3] =	ssyncadd.s32 $0xFFFFF000  }
0x163: {  	[hbm4b:s29+s2] =	stream.linear.scatter [tilespmem:s12], [sflag:$0x2], $0x1000, $0x38;
	[tilespmem:$0xB280] =	vst v63  }
0x164: {  	_ =	swait.ge [sflag:s3], $0x1000  }
0x165: {  	[sflag:s3] =	ssyncset.done $0x0  }
0x166: {  	s30 =	rddreg [dreg:$0x1a];
	[sflag:s3] =	ssyncadd.s32 $0xFFFFF000  }
0x167: {  	[hbm4b:s30+s2] =	stream.linear.scatter [tilespmem:s10], [sflag:$0x2], $0x1000, $0x38;
	[tilespmem:$0xB280] =	vst v63  }
0x168: {  	_ =	swait.ge [sflag:s3], $0x1000  }
0x169: {  	[sflag:s3] =	ssyncset.done $0x0  }
0x16a: {  	[sflag:s3] =	ssyncadd.s32 $0xFFFFF000  }
0x16b: {  	[hbm4b:s6+s2] =	stream.linear.scatter [tilespmem:s9], [sflag:$0x2], $0x1000, $0x38;
	[tilespmem:$0xB280] =	vst v63  }
0x16c: {  	_ =	swait.ge [sflag:s3], $0x1000  }
0x16d: {  	[sflag:s3] =	ssyncset.done $0x0  }
0x16e: {  	[sflag:s3] =	ssyncadd.s32 $0xFFFFF000  }
0x16f: {  	[hbm4b:s5+s2] =	stream.linear.scatter [tilespmem:s8], [sflag:$0x2], $0x1000, $0x38;
	[tilespmem:$0xB280] =	vst v63  }
0x170: {  	_ =	swait.ge [sflag:s3], $0x1000  }
0x171: {  	[sflag:s3] =	ssyncset.done $0x0  }
0x172: {  	[sflag:s3] =	ssyncadd.s32 $0xFFFFF000  }
0x173: {  	[hbm4b:s4+s2] =	stream.linear.scatter [tilespmem:s7], [sflag:$0x2], $0x1000, $0x38;
	[tilespmem:$0xB280] =	vst v63  }
0x174: {  	_ =	swait.ge [sflag:s3], $0x1000  }
0x175: {  	[sflag:s3] =	ssyncset.done $0x0  }
0x176: {  	[sflag:s3] =	ssyncadd.s32 $0xFFFFF000  }
0x177: {  	_ =	sfence.sel $0x180000  }
0x178: {  	[bflag:$0x0] =	sbarrier.arrive $0xFFFF  }
0x179: {  	_ =	strace $0x9000004D  }
0x17a: {  	s31 =	stileid.u32;
	[bflag:$0x2] =	sbarrier.arrive $0xFFFF  }
0x17b: {  	p0 =	sne.s32 s31, $0x0;
	s0 =	rddreg [dreg:$0x6]  }
0x17c: {  	s0 =	sadd.s32 @!p0 $0x100000, s0  }
0x17d: {  	[sflag:s0] =	ssyncadd.tile.s32 @!p0 $0x1;
	_ =	shalt  }
.Lfunc_end2:
_tile_overlayer_lowered:
.L_overlay_start_2:
0x17e: {  	(tag) =	ssettag $0x2  }
0x17f: {  	s0 =	rddreg [dreg:$0x0];
	s2 =	stileid.u32  }
0x180: {  	s1 =	rddreg [dreg:$0x1];
	p0 =	sne.s32 s2, $0x0  }
0x181: {  	s3 =	rddreg [dreg:$0x2];
	[bflag:$0x3] =	sbarrier.arrive $0xFFFF;
	s2 =	simm.s32 @!p0 $0x1C02  }
0x182: {  	[timem:s3], [sflag:s2] =	dma.local @!p0 [hbm:s0], s1  }
0x183: {  	s0 =	simm.s32 @!p0 $0x2  }
0x184: {  	_ =	swait.ge @!p0 [sflag:s0], s1  }
0x185: {  	s1 =	ssub.s32 @!p0 $0x0, s1;
	[sflag:s0] =	ssyncset.done @!p0 $0x0  }
0x186: {  	[sflag:s0] =	ssyncadd.s32 @!p0 s1  }
0x187: {  	[bflag:$0x3] =	sbarrier.arrive $0xFFFF  }
0x188: {  	_ =	shalt  }

// kernel: sparse-core-data-format-call.cloned.1.call-start
scs
called_computation_lowered:
.L_overlay_start_0:
0x0: {  	s1 =	sld [smem:$0x3FD9]  }
0x1: {  	s2 =	sld [smem:$0x3FFE];
	_ =	sdelay $0x1  }
0x2: {  	s3 =	srdreg.scid  }
0x3: {  	s0 =	sand.u32 $0x1, s3  }
0x4: {  	s17 =	sshll.u32 s0, $0xA;
	s1 =	sadd.s32 s2, s1  }
0x5: {  	s1 =	sadd.s32 s1, s17  }
0x6: {  	[smem:$0x3FBE] =	sst s1  }
0x7: {  	_ = 	snop  }
0x8: {  	(tm) =	ssettm $0x1  }
0x9: {  	s18 =	sld [smem:$0x3FFB];
	_ =	sdelay $0x3  }
0xa: {  	_ =	strace s18  }
0xb: {  	s1 =	sld [smem:$0x3FFC];
	_ =	sdelay $0x3  }
0xc: {  	_ =	strace s1  }
0xd: {  	s1 =	sld [smem:$0x3FFD];
	_ =	sdelay $0x3  }
0xe: {  	_ =	strace s1  }
0xf: {  	_ =	strace $0x8FFFFFFF  }
0x10: {  	s19 =	sld [smem:$0x3FDB];
	_ =	sdelay $0x1  }
0x11: {  	s20 =	simm.s32 $_scs_section_size  }
0x12: {  	s4 =	simm.s32 $_size__tile_overlayer_lowered;
	s5 =	simm.s32 $_tile_overlayer_lowered  }
0x13: {  	s23 =	simm.s32 $0x1BFF;
	s22 =	sshll.u32 s5, $0x1;
	s1 =	sadd.s32 s20, s19  }
0x14: {  	s6 =	simm.s32 $0x0;
	s21 =	sshll.u32 s4, $0x1;
	s4 =	sadd.s32 s22, s1  }
0x15: {  	[timem:s6], [sflag:s23] =	dma.local [hbm:s4], s21  }
0x16: {  	_ =	swait.ge [sflag:s23], s21  }
0x17: {  	s2 =	ssub.s32 $0x0, s21;
	[sflag:s23] =	ssyncset.done $0x0  }
0x18: {  	[sflag:s23] =	ssyncadd.s32 s2;
	_ =	sdelay $0x1  }
0x19: {  	s24 =	simm.s32 $0x1B8B  }
0x1a: {  	_ =	swait.ge [sflag:s24], $0x1  }
0x1b: {  	[sflag:s24] =	ssyncset.done $0x0  }
0x1c: {  	s26 =	simm.s32 $0x1B8E;
	s25 =	sld [smem:$0x3FFE];
	[sflag:s24] =	ssyncadd.s32 $0xFFFFFFFF  }
0x1d: {  	s27 =	simm.s32 $execute0_lowered;
	[smem:$0x3FD2] =	sst s26  }
0x1e: {  	s4 =	sshll.u32 s27, $0x1;
	_ =	strace $0x80000046;
	[dreg:$0x1] =	wrdreg $0xFFFFFFFF  }
0x1f: {  	s28 =	simm.s32 $_size_execute0_lowered;
	s1 =	sadd.s32 s1, s4;
	[dreg:$0x0] =	wrdreg $0x0  }
0x20: {  	s4 =	sshll.u32 s28, $0x1;
	[dreg:$0x2] =	wrdreg s1  }
0x21: {  	[dreg:$0x3] =	wrdreg s4  }
0x22: {  	[dreg:$0x4] =	wrdreg $0xC0  }
0x23: {  	_ =	task [dreg:s6], $0x5FFFF  }
0x24: {  	[dreg:$0x1] =	wrdreg $0xFFFFFFFF  }
0x25: {  	[dreg:$0x0] =	wrdreg $0x60  }
0x26: {  	[dreg:$0x2] =	wrdreg s25  }
0x27: {  	[dreg:$0x3] =	wrdreg $0x9  }
0x28: {  	_ =	task.clear_ibuf [dreg:s6], $0x4FFFF;
	_ =	strace $0x90000046  }
0x29: {  	s29 =	simm.s32 $0x9;
	_ =	strace $0x80000048  }
0x2a: {  	_ =	swait.ge [sflag:s29], $0x1  }
0x2b: {  	[sflag:s29] =	ssyncadd.s32 $0xFFFFFFFF  }
0x2c: {  	_ =	strace $0x90000048  }
0x2d: {  	_ =	sfence  }
0x2e: {  	s30 =	sld [smem:$0x0];
	_ =	sdelay $0x2  }
0x2f: {  	s31 =	sshll.u32 s3, $0xD;
	s3 =	sshrl.u32 s3, $0x2  }
0x30: {  	s2 =	sand.u32 $0x4000, s31;
	s1 =	sadd.s32 s3, s30  }
0x31: {  	s0 =	sor.u32 s2, s0;
	s1 =	sshll.u32 s1, $0x11  }
0x32: {  	s0 =	sor.u32 s1, s0  }
0x33: {  	s0 =	sadd.s32 $0x8F2B, s0  }
0x34: {  	[sflag:s0] =	ssyncadd.remote.s32 $0x1  }
0x35: {  	_ =	sfence.sel $0xFFFF  }
0x36: {  	[dreg:$0x0] =	wrdreg $0xFFFFFFFF;
	(pc) =	sbr.abs _section_cstart, $3  }
0x37: {  	[dreg:$0x1] =	wrdreg $0xFFFFFFFF  }
0x38: {  	_ =	task.clear_ibuf [dreg:s6], $0x2FFFF;
	_ =	strace $0x9FFFFFFF  }
0x39: {  	(tm) =	ssettm $0x7FFFFFFF  }
tec
execute0_lowered:
.L_overlay_start_1:
0x0: {  	(tag) =	ssettag $0x1  }
0x1: {  	s0 =	srdreg.scid  }
0x2: {  	s5 =	rddreg [dreg:$0x0];
	s1 =	stileid.u32;
	s4 =	simm.s32 $0x1  }
0x3: {  	s6 =	simm.s32 $0x2;
	s15 =	simm.s32 $0x0;
	p0 =	por $0x0, $0x0  }
0x4: {  	s8 =	simm.s32 $0x80;
	s14 =	simm.s32 $0x0;
	s2 =	sshll.u32 s0, $0x4  }
0x5: {  	s9 =	simm.s32 $0x0;
	s10 =	simm.s32 $0x0;
	s2 =	sand.u32 $0x10, s2  }
.Ltmp0:
0x6: {  	s12 =	simm.s32 $0x0;
	s3 =	sor.u32 s1, s2;
	(pc) =	sbr.rel .LBB1_1-.Ltmp0, $4  }
0x7: {  	s0 =	rddreg [dreg:$0x1];
	_ =	strace $0x80000047;
	s3 =	sshll.u32 s3, $0x7  }
0x8: {  	s13 =	simm.s32 $0x0;
	[sflag:s4] =	ssyncpa.u1 $0x0;
	s7 =	ssub.s32 $0xF4200, s3  }
0x9: {  	s2 =	sadd.s32 $0x3C00, s5;
	[sflag:s6] =	ssyncpa.u1 $0x0;
	s6 =	sshrl.u32 s7, $0xC  }
0xa: {  	s5 =	sadd.s32 $0x7A5000, s5;
	s11 =	smov.u32 s3;
	s7 =	sadd.s32 $0x2, s6  }
.LBB1_5:
0xb: {  	p1 =	slt.u32 s13, $0x2  }
0xc: {  	s17 =	smov.u32 s15;
	p2 =	sgt.s32 @!p1 s15, $0xF41C0;
	s16 =	sshra.s32 @!p1 s15, $0x1F  }
0xd: {  	p3 =	sgt.s32 @!p1 s14, $0x40;
	s18 =	sshra.s32 @!p1 s14, $0x1F;
	p2 =	por !p2, p1  }
0xe: {  	s15 =	sand.u32 @!p1 s16, s15;
	p3 =	por !p3, p1;
	s16 =	smov.u32 s14  }
0xf: {  	s14 =	sand.u32 @!p1 s18, s14;
	s17 =	simm.s32 @p2 $0xF41C0;
	s16 =	simm.s32 @p3 $0x40  }
0x10: {  	s15 =	ssub.s32 @!p1 s17, s15;
	s14 =	ssub.s32 @!p1 s16, s14  }
0x11: {  	s18 =	smov.u32 s12;
	s16 =	sadd.s32 @!p1 $0xFFF0BE40, s15;
	s17 =	sadd.s32 @!p1 $0xFFFFFFC0, s14  }
0x12: {  	s15 =	ssub.s32 @!p1 $0xF4240, s15;
	p2 =	sgt.s32 @!p1 s16, $0x7F;
	p3 =	sgt.s32 @!p1 s17, $0x3F  }
0x13: {  	s14 =	ssub.s32 @!p1 $0x80, s14;
	p2 =	por !p2, p1;
	p3 =	por !p3, p1  }
0x14: {  	s16 =	sadd.s32 $0x1000, s11;
	s15 =	simm.s32 @!p2 $0x0;
	s14 =	simm.s32 @!p3 $0x0  }
0x15: {  	p2 =	sgt.s32 s16, $0xF423F;
	s14 =	smul.u32 @!p1 s14, s15;
	s15 =	sadd.s32 $0x40, s12  }
0x16: {  	s18 =	smov.u32 @p2 s15  }
0x17: {  	s16 =	smov.u32 @p2 s3;
	p2 =	sgt.s32 s18, $0x3F  }
0x18: {  	s18 =	simm.s32 @p2 $0x0;
	p2 =	sne.s32 s13, s7  }
.Ltmp1:
0x19: {  	p0 =	por !p0, !p0;
	s17 =	simm.s32 @!p1 $0x2;
	(pc) =	sbr.rel @!p2 .LBB1_6-.Ltmp1, $4  }
0x1a: {  	s15 =	smov.u32 s9;
	s9 =	smov.u32 s11;
	s14 =	sand.u32 @!p1 $0x3FFFFFFF, s14  }
0x1b: {  	s11 =	smov.u32 s16;
	_ =	swait.ge @!p1 [sflag:s17], s14;
	s19 =	ssub.s32 @!p1 $0x0, s14  }
0x1c: {  	s14 =	smov.u32 s10;
	s13 =	sadd.s32 $0x1, s13;
	[sflag:s17] =	ssyncset.done @!p1 $0x0  }
0x1d: {  	s10 =	smov.u32 s12;
	s12 =	smov.u32 s18;
	[sflag:s17] =	ssyncadd.s32 @!p1 s19  }
.LBB1_1:
0x1e: {  	p1 =	sgt.u32 s13, s6  }
0x1f: {  	s16 =	sshrl.u32 @!p1 s12, $0x3  }
0x20: {  	s17 =	sshll.u32 @!p1 s11, $0x3;
	s16 =	smul.u32 @!p1 $0x7A1400, s16  }
0x21: {  	s18 =	sshll.u32 @!p1 s12, $0x7;
	s17 =	sand.u32 @!p1 $0xFFFFFC00, s17  }
0x22: {  	s16 =	sadd.s32 @!p1 s16, s17;
	s17 =	sand.u32 @!p1 $0x380, s18  }
0x23: {  	s18 =	sand.u32 @!p1 $0x7F, s11;
	s16 =	sor.u32 @!p1 s17, s16  }
0x24: {  	s17 =	sor.u32 @!p1 s18, s16  }
0x25: {  	s18 =	smulhi.u32 @!p1 $0x218D6287, s17;
	_ =	sdelay $0x1  }
0x26: {  	s16 =	smulhi.u32 @!p1 $0x218D6287, s16;
	s18 =	sshrl.u32 @!p1 s18, $0x11  }
0x27: {  	s18 =	smul.u32 @!p1 $0xF4280, s18  }
0x28: {  	s19 =	sxor.u32 @!p1 $0xFFFFFFFF, s13;
	s16 =	sshrl.u32 @!p1 s16, $0x11  }
0x29: {  	s19 =	sshll.u32 @!p1 s19, $0xD;
	s16 =	sand.u32 @!p1 $0x3F, s16;
	s17 =	ssub.s32 @!p1 s17, s18  }
0x2a: {  	s16 =	smul.u32 @!p1 $0x1E850, s16;
	s18 =	sshrl.u32 @!p1 s17, $0x3;
	s17 =	sand.u32 @!p1 $0x7, s17  }
0x2b: {  	s19 =	sand.u32 @!p1 $0x2000, s19;
	s18 =	sadd.s32 @!p1 s2, s18;
	s17 =	sshll.u32 @!p1 s17, $0x12  }
0x2c: {  	s16 =	sadd.s32 @!p1 s16, s18;
	s17 =	sor.u32 @!p1 $0x400, s17;
	s18 =	simm.s32 @!p1 $0x7A1400  }
0x2d: {  	[tilespmem:s19], [sflag:$0x1] =	stream.strided.gather @!p1 [hbm4b:s16+s17], $0x2000, s18, s17, $0x38;
	[tilespmem:$0x8100] =	vst v63  }
0x2e: {  	p1 =	seq.s32 s13, $0x0  }
0x2f: {  	p2 =	sge.u32 @!p1 s13, s7  }
0x30: {  	p1 =	por p1, p2  }
.Ltmp2:
0x31: {  	_ = 	snop;
	(pc) =	sbr.rel @p1 .LBB1_5-.Ltmp2, $1  }
0x32: {  	_ =	sdelay $0x3  }
0x33: {  	s16 =	simm.s32 $0x1  }
0x34: {  	_ =	swait.ge [sflag:s4], $0x2000;
	s16 =	simm.s32 @!p0 $0x0  }
0x35: {  	[sflag:s4] =	ssyncset.done $0x0;
	s17 =	sshll.u32 s16, $0xD  }
0x36: {  	[sflag:s4] =	ssyncadd.s32 $0xFFFFE000;
	s17 =	sor.u32 $0x40, s17  }
0x37: {  	s16 =	smul.u32 $0x8200, s16;
	v0 =	vld [tilespmem:s17+$0x30]  }
0x38: {  	v1 =	vld [tilespmem:s17+$0xFFFFFFD0]  }
0x39: {  	s16 =	sshrl.u32 s16, $0x2;
	v5 =	vld [tilespmem:s17+$0xFFFFFFE0]  }
0x3a: {  	v6 =	vld [tilespmem:s17+$0xFFFFFFF0];
	s19 =	sor.u32 $0x4000, s16  }
0x3b: {  	s31 =	sand.u32 $0x1, s13;
	v4 =	vld [tilespmem:s17+$0x0];
	s18 =	sadd.s32 $0x0, s19  }
0x3c: {  	v3 =	vld [tilespmem:s17+$0x10];
	s16 =	smul.u32 $0x8200, s31;
	[tilespmem:s18+$0x1C70 ss:$0x41] =	vst.msk $0xffff, v0  }
0x3d: {  	v2 =	vld [tilespmem:s17+$0x20];
	[tilespmem:s18+$0x410 ss:$0x41] =	vst.msk $0xffff, v1  }
0x3e: {  	s16 =	sshrl.u32 s16, $0x2;
	v1 =	vld [tilespmem:s17+$0xFFFFFFC0];
	[tilespmem:s18+$0x820 ss:$0x41] =	vst.msk $0xffff, v5;
	s17 =	sadd.s32 $0x80, s17  }
0x3f: {  	s20 =	simm.s32 $0x4;
	s21 =	simm.s32 $0x8;
	s16 =	sor.u32 $0x4000, s16;
	[tilespmem:s18+$0xC30 ss:$0x41] =	vst.msk $0xffff, v6;
	v0 =	vld [tilespmem:s17+$0x30]  }
.LBB1_3:
0x40: {  	p1 =	sne.s32 s21, $0xFC;
	v5 =	vld [tilespmem:s17+$0xFFFFFFD0];
	[tilespmem:s18+$0x1040 ss:$0x41] =	vst.msk $0xffff, v4  }
0x41: {  	v6 =	vld [tilespmem:s17+$0xFFFFFFE0];
	[tilespmem:s18+$0x1450 ss:$0x41] =	vst.msk $0xffff, v3  }
0x42: {  	s22 =	sshra.s32 s20, $0x2;
	s20 =	smov.u32 s21;
	v7 =	vld [tilespmem:s17+$0xFFFFFFF0];
	[tilespmem:s18+$0x1860 ss:$0x41] =	vst.msk $0xffff, v2  }
.Ltmp3:
0x43: {  	v4 =	vld [tilespmem:s17+$0x0];
	[tilespmem:s18+$0x0 ss:$0x41] =	vst.msk $0xffff, v1;
	s18 =	sadd.s32 s22, s19;
	(pc) =	sbr.rel @p1 .LBB1_3-.Ltmp3, $4  }
0x44: {  	v3 =	vld [tilespmem:s17+$0x10];
	[tilespmem:s18+$0x1C70 ss:$0x41] =	vst.msk $0xffff, v0  }
0x45: {  	[tilespmem:s18+$0x410 ss:$0x41] =	vst.msk $0xffff, v5;
	v2 =	vld [tilespmem:s17+$0x20]  }
0x46: {  	v1 =	vld [tilespmem:s17+$0xFFFFFFC0];
	[tilespmem:s18+$0x820 ss:$0x41] =	vst.msk $0xffff, v6;
	s17 =	sadd.s32 $0x80, s17  }
0x47: {  	s21 =	sadd.s32 $0x4, s21;
	v0 =	vld [tilespmem:s17+$0x30];
	[tilespmem:s18+$0xC30 ss:$0x41] =	vst.msk $0xffff, v7  }
0x48: {  	s21 =	sshll.u32 s9, $0x7;
	s22 =	sshll.u32 s10, $0x3;
	s20 =	sshra.s32 s20, $0x2  }
0x49: {  	p1 =	sgt.s32 s9, $0xF41C0;
	s30 =	sshra.s32 s9, $0x1F;
	s25 =	sshra.s32 s10, $0x1F  }
0x4a: {  	v5 =	vld [tilespmem:s17+$0xFFFFFFD0];
	s28 =	sshrl.u32 s10, $0x3;
	s23 =	sand.u32 $0xFFFFFC00, s21;
	s22 =	sand.u32 $0xFFFFFC00, s22  }
0x4b: {  	[tilespmem:s18+$0x1040 ss:$0x41] =	vst.msk $0xffff, v4;
	v58 =	vld [tilespmem:s17+$0xFFFFFFE0];
	s21 =	sand.u32 $0x380, s21;
	s19 =	sadd.s32 s20, s19;
	s22 =	sadd.s32 s22, s23  }
0x4c: {  	v59 =	vld [tilespmem:s17+$0xFFFFFFF0];
	[tilespmem:s18+$0x1450 ss:$0x41] =	vst.msk $0xffff, v3;
	s29 =	sor.u32 s21, s22;
	s21 =	smov.u32 s9;
	s22 =	sand.u32 s30, s9  }
0x4d: {  	v60 =	vld [tilespmem:s17+$0x0];
	[tilespmem:s18+$0x1860 ss:$0x41] =	vst.msk $0xffff, v2;
	s30 =	sand.u32 $0x7, s10;
	s20 =	sshrl.u32 s29, $0x7;
	s21 =	simm.s32 @!p1 $0xF41C0  }
0x4e: {  	v61 =	vld [tilespmem:s17+$0x10];
	[tilespmem:s18+$0x0 ss:$0x41] =	vst.msk $0xffff, v1;
	p1 =	sgt.s32 s10, $0x40;
	s24 =	ssub.s32 s21, s22;
	s21 =	smov.u32 s10  }
0x4f: {  	v62 =	vld [tilespmem:s17+$0x20];
	[tilespmem:s19+$0x1C70 ss:$0x41] =	vst.msk $0xffff, v0;
	s31 =	smulhi.u32 $0x218DEF5, s20;
	s22 =	sand.u32 s25, s10;
	s21 =	simm.s32 @!p1 $0x40  }
0x50: {  	v63 =	vld [tilespmem:s17+$0xFFFFFFC0];
	[tilespmem:s19+$0x410 ss:$0x41] =	vst.msk $0xffff, v5;
	s26 =	sadd.s32 $0xFFF0BE40, s24;
	s17 =	ssub.s32 $0xF4240, s24;
	s21 =	ssub.s32 s21, s22  }
0x51: {  	[tilespmem:s19+$0x820 ss:$0x41] =	vst.msk $0xffff, v58;
	s23 =	sshrl.u32 s31, $0xD;
	p1 =	sgt.s32 s26, $0x7F;
	s27 =	sadd.s32 $0xFFFFFFC0, s21  }
0x52: {  	[tilespmem:s19+$0xC30 ss:$0x41] =	vst.msk $0xffff, v59;
	s23 =	smul.u32 $0xF4240, s23;
	s18 =	ssub.s32 $0x80, s21;
	p2 =	sgt.s32 s27, $0x3F  }
.Ltmp4:
0x53: {  	[tilespmem:s19+$0x1040 ss:$0x41] =	vst.msk $0xffff, v60;
	s17 =	simm.s32 @p1 $0x0;
	s18 =	simm.s32 @p2 $0x0;
	(pc) =	sbr.rel .LBB1_5-.Ltmp4, $4  }
0x54: {  	s29 =	sand.u32 $0xF, s28;
	[tilespmem:s19+$0x1450 ss:$0x41] =	vst.msk $0xffff, v61;
	s20 =	ssub.s32 s20, s23;
	s17 =	smul.u32 s18, s17  }
0x55: {  	[tilespmem:s19+$0x1860 ss:$0x41] =	vst.msk $0xffff, v62;
	s21 =	sshll.u32 s30, $0x12;
	s20 =	sshll.u32 s20, $0x4;
	s18 =	sadd.s32 s5, s29  }
0x56: {  	[tilespmem:s19+$0x0 ss:$0x41] =	vst.msk $0xffff, v63;
	s31 =	sor.u32 $0x40, s21;
	s18 =	sadd.s32 s20, s18;
	s17 =	sand.u32 $0x3FFFFFFF, s17  }
0x57: {  	[hbm4b:s18+s31] =	stream.strided.scatter [tilespmem:s16], [sflag:$0x2], s17, s8, s31, $0x18;
	[tilespmem:$0x8100] =	vst v63  }
.LBB1_6:
0x58: {  	_ =	sfence.sel $0x180000  }
0x59: {  	s2 =	simm.s32 $0x1;
	[bflag:$0x0] =	sbarrier.arrive $0xFFFF  }
0x5a: {  	s31 =	simm.s32 $0x2;
	[sflag:s2] =	ssyncpa.u1 $0x1  }
0x5b: {  	[sflag:s31] =	ssyncpa.u1 $0x1  }
0x5c: {  	p0 =	sne.s32 s1, $0x0;
	_ =	strace $0x90000047  }
0x5d: {  	s0 =	sadd.s32 @!p0 $0x100000, s0;
	[bflag:$0x2] =	sbarrier.arrive $0xFFFF  }
0x5e: {  	[sflag:s0] =	ssyncadd.tile.s32 @!p0 $0x1;
	_ =	shalt  }
.Lfunc_end1:
_tile_overlayer_lowered:
.L_overlay_start_2:
0x5f: {  	(tag) =	ssettag $0x2  }
0x60: {  	s0 =	rddreg [dreg:$0x0];
	s2 =	stileid.u32  }
0x61: {  	s1 =	rddreg [dreg:$0x1];
	p0 =	sne.s32 s2, $0x0  }
0x62: {  	s3 =	rddreg [dreg:$0x2];
	[bflag:$0x3] =	sbarrier.arrive $0xFFFF;
	s2 =	simm.s32 @!p0 $0x1C01  }
0x63: {  	[timem:s3], [sflag:s2] =	dma.local @!p0 [hbm:s0], s1  }
0x64: {  	s0 =	simm.s32 @!p0 $0x1  }
0x65: {  	_ =	swait.ge @!p0 [sflag:s0], s1  }
0x66: {  	s1 =	ssub.s32 @!p0 $0x0, s1;
	[sflag:s0] =	ssyncset.done @!p0 $0x0  }
0x67: {  	[sflag:s0] =	ssyncadd.s32 @!p0 s1  }
0x68: {  	[bflag:$0x3] =	sbarrier.arrive $0xFFFF  }
0x69: {  	_ =	shalt  }

</sc_bundles>
